<compile_context>
chip_gen: v7x
topology: tpu7x:2x2x1
jax: 0.10.2.dev20260603
libtpu: 0.0.44.dev20260713+nightly
codegen_flags: <defaults>
</compile_context>

<pallas_src>
import functools

import jax
import jax.numpy as jnp
from jax import lax
from jax.experimental import pallas as pl
from jax.experimental.pallas import tpu as pltpu
from jax.experimental.pallas import tpu_sc as plsc

_NC = 2
_NS = 16
_LANES = 16
_CH = 80
_NBUF = 4
_NSLOT = 2 * _NBUF


def _make_deg_kernel(E, NPAD):
    NW = _NC * _NS
    EPW = E // NW
    ITERS = EPW // _CH
    SPT = NPAD // _NS
    DEPTH = 4
    mesh = plsc.VectorSubcoreMesh(core_axis_name="c", subcore_axis_name="s")

    @functools.partial(
        pl.kernel,
        out_type=jax.ShapeDtypeStruct((_NC, NPAD), jnp.float32),
        mesh=mesh,
        scratch_types=[
            pltpu.VMEM_SHARED((NPAD,), jnp.float32),
            pltpu.VMEM((EPW,), jnp.int32),
            pltpu.VMEM((ITERS, _CH), jnp.int32),
            pltpu.VMEM((_CH,), jnp.float32),
            pltpu.VMEM((SPT,), jnp.float32),
            pltpu.SemaphoreType.DMA,
        ],
    )
    def deg_kernel(col_hbm, parts_hbm, deg_sp, flat_v, cidx_v, ones_v,
                   buf_v, sem):
        c = lax.axis_index("c")
        s = lax.axis_index("s")
        wid = c * _NS + s

        def zb(i, carry):
            buf_v[pl.ds(i * _LANES, _LANES)] = jnp.zeros((_LANES,), jnp.float32)
            return carry

        lax.fori_loop(0, SPT // _LANES, zb, 0)
        pltpu.sync_copy(buf_v, deg_sp.at[pl.ds(s * SPT, SPT)])

        def ob(i, carry):
            ones_v[pl.ds(i * _LANES, _LANES)] = jnp.ones((_LANES,), jnp.float32)
            return carry

        lax.fori_loop(0, _CH // _LANES, ob, 0)
        pltpu.sync_copy(col_hbm.at[pl.ds(E + wid * EPW, EPW)], flat_v)
        PER_ROW = _CH // _LANES

        def rp(i, carry):
            v = flat_v[pl.ds(i * _LANES, _LANES)]
            cidx_v[i // PER_ROW,
                   pl.ds(lax.rem(i, PER_ROW) * _LANES, _LANES)] = v
            return carry

        lax.fori_loop(0, EPW // _LANES, rp, 0)
        plsc.subcore_barrier()

        def fire(j, carry):
            pltpu.async_copy(ones_v, deg_sp.at[cidx_v.at[j]], sem, add=True)

            @pl.when(j >= DEPTH)
            def _():
                pltpu.make_async_copy(ones_v, deg_sp.at[cidx_v.at[0]],
                                      sem).wait()

            return carry

        lax.fori_loop(0, ITERS, fire, 0)

        def drain(j, carry):
            pltpu.make_async_copy(ones_v, deg_sp.at[cidx_v.at[0]], sem).wait()
            return carry

        lax.fori_loop(0, DEPTH, drain, 0)
        plsc.subcore_barrier()

        pltpu.sync_copy(deg_sp.at[pl.ds(s * SPT, SPT)],
                        parts_hbm.at[c, pl.ds(s * SPT, SPT)])

    return deg_kernel


def _make_mm_kernel(N, NPAD, D):
    BLK = 2000
    GRID = N // BLK

    def body(x_ref, w_ref, deg_ref, h_ref):
        h = lax.dot_general(
            x_ref[...], w_ref[...], (((1,), (1,)), ((), ())),
            preferred_element_type=jnp.float32,
        )
        deg = deg_ref[:, 0:1] + deg_ref[:, 1:2]
        h_ref[...] = h * lax.rsqrt(deg + 1.0)

    return pl.pallas_call(
        body,
        grid=(GRID,),
        in_specs=[
            pl.BlockSpec((BLK, D), lambda i: (i, 0)),
            pl.BlockSpec((D, D), lambda i: (0, 0)),
            pl.BlockSpec((BLK, _NC), lambda i: (i, 0)),
        ],
        out_specs=pl.BlockSpec((BLK, D), lambda i: (i, 0)),
        out_shape=jax.ShapeDtypeStruct((N, D), jnp.float32),
    )


def _make_edge_kernel(E, N, NPAD, D):
    NW = _NC * _NS
    EPW = E // NW
    ITERS = EPW // _CH
    SPT = NPAD // _NS
    mesh = plsc.VectorSubcoreMesh(core_axis_name="c", subcore_axis_name="s")

    @functools.partial(
        pl.kernel,
        out_type=(
            jax.ShapeDtypeStruct((NPAD, D), jnp.float32),
            jax.ShapeDtypeStruct((NPAD, D), jnp.float32),
        ),
        mesh=mesh,
        scratch_types=[
            pltpu.VMEM_SHARED((NPAD, D), jnp.float32),
            pltpu.VMEM((_NSLOT, 2, _CH), jnp.int32),
        ] + [pltpu.VMEM((_CH, D), jnp.float32)] * _NBUF
          + [pltpu.SemaphoreType.DMA] * (2 * _NBUF + _NSLOT),
    )
    def edge_kernel(edge_hbm, h_hbm, p0_hbm, p1_hbm,
                    acc_sp, slots, *bufsem):
        bufs = bufsem[:_NBUF]
        gsem = bufsem[_NBUF:2 * _NBUF]
        ssem = bufsem[2 * _NBUF:3 * _NBUF]
        isem = bufsem[3 * _NBUF:]
        c = lax.axis_index("c")
        s = lax.axis_index("s")
        wid = c * _NS + s
        ebase = wid * EPW

        def load_idx(j, q):
            pltpu.async_copy(edge_hbm.at[pl.ds(ebase + j * _CH, _CH)],
                             slots.at[q, 0], isem[q])
            pltpu.async_copy(edge_hbm.at[pl.ds(E + ebase + j * _CH, _CH)],
                             slots.at[q, 1], isem[q])

        def wait_idx(q):
            pltpu.make_async_copy(edge_hbm.at[pl.ds(0, _CH)],
                                  slots.at[q, 0], isem[q]).wait()
            pltpu.make_async_copy(edge_hbm.at[pl.ds(0, _CH)],
                                  slots.at[q, 1], isem[q]).wait()

        def gather(b, q):
            pltpu.async_copy(h_hbm.at[slots.at[q, 0]], bufs[b], gsem[b])

        def scatter(b, q):
            pltpu.async_copy(bufs[b], acc_sp.at[slots.at[q, 1]], ssem[b],
                             add=True)

        def wait_g(b):
            pltpu.make_async_copy(h_hbm.at[slots.at[0, 0]], bufs[b],
                                  gsem[b]).wait()

        def wait_s(b):
            pltpu.make_async_copy(bufs[b], acc_sp.at[slots.at[0, 1]],
                                  ssem[b]).wait()

        for q in range(_NSLOT):
            load_idx(q, q)

        nchunks = jnp.maximum(
            0, jnp.minimum(SPT, jnp.int32(N) - s * SPT)) // _CH

        @pl.when(c == 0)
        def _ih():
            def hcp(t, carry):
                r0 = s * SPT + t * _CH
                pltpu.sync_copy(h_hbm.at[pl.ds(r0, _CH)],
                                acc_sp.at[pl.ds(r0, _CH)])
                return carry

            lax.fori_loop(0, nchunks, hcp, 0)

        @pl.when(c == 1)
        def _iz():
            def zb(i, carry):
                def zl(k, carry2):
                    bufs[0][i, pl.ds(k * _LANES, _LANES)] = jnp.zeros(
                        (_LANES,), jnp.float32)
                    return carry2

                lax.fori_loop(0, D // _LANES, zl, 0)
                return carry

            lax.fori_loop(0, _CH, zb, 0)

            def zcp(t, carry):
                pltpu.sync_copy(bufs[0],
                                acc_sp.at[pl.ds(s * SPT + t * _CH, _CH)])
                return carry

            lax.fori_loop(0, nchunks, zcp, 0)

        for b in range(_NBUF):
            wait_idx(2 * b)
            gather(b, 2 * b)
        plsc.subcore_barrier()

        def body(t, carry):
            for u in range(2 * _NBUF):
                b = u % _NBUF
                par = u // _NBUF
                q = 2 * b + par
                qn = 2 * b + (1 - par)
                j = 2 * _NBUF * t + u

                @pl.when(j < ITERS)
                def _(b=b, j=j, q=q, qn=qn):
                    wait_g(b)
                    scatter(b, q)

                    @pl.when(j + _NBUF < ITERS)
                    def _():
                        wait_s(b)

                        @pl.when(j + 2 * _NBUF < ITERS)
                        def _():
                            load_idx(j + 2 * _NBUF, q)

                        wait_idx(qn)
                        gather(b, qn)

            return carry

        lax.fori_loop(0, (ITERS + 2 * _NBUF - 1) // (2 * _NBUF), body, 0)
        for b in range(_NBUF):
            wait_s(b)

        plsc.subcore_barrier()

        @pl.when(c == 0)
        def _w0():
            pltpu.sync_copy(acc_sp.at[pl.ds(s * SPT, SPT)],
                            p0_hbm.at[pl.ds(s * SPT, SPT)])

        @pl.when(c == 1)
        def _w1():
            pltpu.sync_copy(acc_sp.at[pl.ds(s * SPT, SPT)],
                            p1_hbm.at[pl.ds(s * SPT, SPT)])

    return edge_kernel


def _make_final_kernel(N, NPAD, D):
    BLK = 2000
    GRID = N // BLK

    def body(p0_ref, p1_ref, deg_ref, out_ref):
        deg = deg_ref[:, 0:1] + deg_ref[:, 1:2]
        dis = lax.rsqrt(deg + 1.0)
        z = (p0_ref[...] + p1_ref[...]) * dis
        out_ref[...] = jnp.where(z > 0, 2.0 * z, z)

    return pl.pallas_call(
        body,
        grid=(GRID,),
        in_specs=[
            pl.BlockSpec((BLK, D), lambda i: (i, 0)),
            pl.BlockSpec((BLK, D), lambda i: (i, 0)),
            pl.BlockSpec((BLK, _NC), lambda i: (i, 0)),
        ],
        out_specs=pl.BlockSpec((BLK, D), lambda i: (i, 0)),
        out_shape=jax.ShapeDtypeStruct((N, D), jnp.float32),
    )


def kernel(x, edge_index, edge_attr, W):
    N, D = x.shape
    E = edge_index.shape[1]
    NPAD = ((N + 1023) // 1024) * 1024

    eflat = edge_index.reshape(2 * E)
    parts = _make_deg_kernel(E, NPAD)(eflat)
    parts_t = parts.T
    h = _make_mm_kernel(N, NPAD, D)(x, W, parts_t)
    p0, p1 = _make_edge_kernel(E, N, NPAD, D)(eflat, h)
    return _make_final_kernel(N, NPAD, D)(p0, p1, parts_t)

# --- scband reference (transcript-rebuilt; emitter-appended) ---
"""Pipeline reference for scband-gnnblock-12695923327377 (READ-ONLY COPY).

The authoritative reference and input builder live on the scoring server;
editing this copy changes nothing except your own understanding.
"""

import jax, jax.numpy as jnp
import numpy as np

N = 10000
E = 320000
D_IN = 128
D_OUT = 128

def setup_inputs(seed: int = 0) -> dict:
    key = jax.random.key(seed)
    k1, k2, k3, k4 = jax.random.split(key, 4)
    x = jax.random.normal(k1, (N, D_IN), dtype=jnp.float32)
    edge_index = jax.random.randint(k2, (2, E), 0, N, dtype=jnp.int32)
    edge_attr = jax.random.normal(k3, (E, 4), dtype=jnp.float32)
    # GCNConv linear weight, glorot init, shape [out_channels, in_channels], no bias
    limit = float(np.sqrt(6.0 / (D_IN + D_OUT)))
    W = jax.random.uniform(k4, (D_OUT, D_IN), dtype=jnp.float32, minval=-limit, maxval=limit)
    return {"x": x, "edge_index": edge_index, "edge_attr": edge_attr, "W": W}

def reference(x, edge_index, edge_attr, W):
    # GNNBlock forward, gnn_type='GCN', norm=None, residual='normal'
    # GCNConv: linear transform, add self loops, symmetric degree normalization, scatter-add aggregation
    Nn = x.shape[0]
    h = x @ W.T
    loop = jnp.arange(Nn, dtype=edge_index.dtype)
    row = jnp.concatenate([edge_index[0], loop])  # source nodes
    col = jnp.concatenate([edge_index[1], loop])  # target nodes
    ew = jnp.ones(row.shape[0], dtype=h.dtype)
    deg = jnp.zeros((Nn,), dtype=h.dtype).at[col].add(ew)
    deg_inv_sqrt = jnp.where(deg > 0, deg ** -0.5, 0.0)
    norm = deg_inv_sqrt[row] * deg_inv_sqrt[col]
    msg = h[row] * norm[:, None]
    out = jnp.zeros((Nn, h.shape[1]), dtype=h.dtype).at[col].add(msg)
    # residual == 'normal': x = relu(x) + x (applied to conv output)
    out = jax.nn.relu(out) + out
    return out

if __name__ == "__main__":
    import jax
    _d = setup_inputs()
    print(jax.jit(kernel)(*tuple(_d.values())))

</pallas_src>

<mosaic_0001>
#map = affine_map<(d0, d1) -> (0)>
#map1 = affine_map<(d0, d1) -> (0, 0)>
module attributes {stable_mosaic.version = 14 : i64} {
  func.func @deg_kernel(%arg0: i32, %arg1: i32, %arg2: memref<640000xi32, #tpu.memory_space<hbm>>, %arg3: memref<2x10240xf32, #tpu.memory_space<hbm>>, %arg4: memref<10240xf32, #tpu.memory_space<vmem_shared>>, %arg5: memref<10000xi32, #tpu.memory_space<vmem>>, %arg6: memref<125x80xi32, #tpu.memory_space<vmem>>, %arg7: memref<80xf32, #tpu.memory_space<vmem>>, %arg8: memref<640xf32, #tpu.memory_space<vmem>>, %arg9: memref<!tpu.dma_semaphore, #tpu.memory_space<semaphore_mem>>) attributes {dimension_semantics = [#tpu.dimension_semantics<core_parallel>, #tpu.dimension_semantics<subcore_parallel>], iteration_bounds = array<i64: 2, 16>, scalar_prefetch = 0 : i64, scratch_operands = 6 : i64, tpu.core_type = #tpu.core_type<sc_vector_subcore>, window_params = [{transform_indices = #map}, {transform_indices = #map1}]} {
    %mul3A = arith.constant 16 : i32
    %mul3A_0 = arith.muli %arg0, %mul3A : i32
    %add3A = arith.addi %mul3A_0, %arg1 : i32
    %scan3A = arith.constant 0 : i32
    %scan3A_1 = arith.constant 0 : i32
    %scan3A_2 = arith.constant 40 : i32
    %scan3A_3 = arith.addi %scan3A_1, %scan3A_2 : i32
    %scan3A_4 = arith.constant 1 : i32
    scf.for %scan3A_41 = %scan3A_1 to %scan3A_3 step %scan3A_4  : i32 {
      %broadcast_in_dim3A = arith.constant 0.000000e+00 : f32
      %broadcast_in_dim3A_42 = vector.broadcast %broadcast_in_dim3A : f32 to vector<16xf32>
      %mul3A_43 = arith.constant 16 : i32
      %mul3A_44 = arith.muli %scan3A_41, %mul3A_43 : i32
      %swap3A = arith.index_cast %mul3A_44 : i32 to index
      %swap3A_45 = tpu.vector_load %arg8[%swap3A] {strides = array<i32>} : memref<640xf32, #tpu.memory_space<vmem>>, vector<16xf32>,
      %swap3A_46 = vector.shape_cast %swap3A_45 : vector<16xf32> to vector<16xf32>
      %swap3A_47 = vector.shape_cast %broadcast_in_dim3A_42 : vector<16xf32> to vector<16xf32>
      tpu.vector_store %arg8[%swap3A], %swap3A_47 {strides = array<i32>} : memref<640xf32, #tpu.memory_space<vmem>>, vector<16xf32>,
    }
    %scan3A_5 = arith.constant 40 : i32
    %mul3A_6 = arith.constant 640 : i32
    %mul3A_7 = arith.muli %arg1, %mul3A_6 : i32
    "tpu.region"() ({
      %run_scoped3A = tpu.sem_alloc : memref<!tpu.dma_semaphore, #tpu.memory_space<semaphore_mem>>
      %dma_start3A = tpu.memref_slice %arg4[%mul3A_7] : memref<10240xf32, #tpu.memory_space<vmem_shared>> -> memref<640xf32, #tpu.memory_space<vmem_shared>>
      %dma_start3A_41 = tpu.memref_slice %arg4[%mul3A_7] : memref<10240xf32, #tpu.memory_space<vmem_shared>> -> memref<640xf32, #tpu.memory_space<vmem_shared>>
      tpu.enqueue_dma source(%arg8 : memref<640xf32, #tpu.memory_space<vmem>>) target(%dma_start3A_41 : memref<640xf32, #tpu.memory_space<vmem_shared>>) target_semaphore(%run_scoped3A : memref<!tpu.dma_semaphore, #tpu.memory_space<semaphore_mem>>)
      %dma_wait3A = tpu.memref_slice %arg4[%mul3A_7] : memref<10240xf32, #tpu.memory_space<vmem_shared>> -> memref<640xf32, #tpu.memory_space<vmem_shared>>
      %dma_wait3A_42 = tpu.memref_slice %arg4[%mul3A_7] : memref<10240xf32, #tpu.memory_space<vmem_shared>> -> memref<640xf32, #tpu.memory_space<vmem_shared>>
      tpu.wait_dma2 semaphore(%run_scoped3A : memref<!tpu.dma_semaphore, #tpu.memory_space<semaphore_mem>>) src(%arg8 : memref<640xf32, #tpu.memory_space<vmem>>) dst(%dma_wait3A_42 : memref<640xf32, #tpu.memory_space<vmem_shared>>)
      tpu.yield
    }) : () -> ()
    %scan3A_8 = arith.constant 0 : i32
    %scan3A_9 = arith.constant 0 : i32
    %scan3A_10 = arith.constant 5 : i32
    %scan3A_11 = arith.addi %scan3A_9, %scan3A_10 : i32
    %scan3A_12 = arith.constant 1 : i32
    scf.for %scan3A_41 = %scan3A_9 to %scan3A_11 step %scan3A_12  : i32 {
      %broadcast_in_dim3A = arith.constant 1.000000e+00 : f32
      %broadcast_in_dim3A_42 = vector.broadcast %broadcast_in_dim3A : f32 to vector<16xf32>
      %mul3A_43 = arith.constant 16 : i32
      %mul3A_44 = arith.muli %scan3A_41, %mul3A_43 : i32
      %swap3A = arith.index_cast %mul3A_44 : i32 to index
      %swap3A_45 = tpu.vector_load %arg7[%swap3A] {strides = array<i32>} : memref<80xf32, #tpu.memory_space<vmem>>, vector<16xf32>,
      %swap3A_46 = vector.shape_cast %swap3A_45 : vector<16xf32> to vector<16xf32>
      %swap3A_47 = vector.shape_cast %broadcast_in_dim3A_42 : vector<16xf32> to vector<16xf32>
      tpu.vector_store %arg7[%swap3A], %swap3A_47 {strides = array<i32>} : memref<80xf32, #tpu.memory_space<vmem>>, vector<16xf32>,
    }
    %scan3A_13 = arith.constant 5 : i32
    %mul3A_14 = arith.constant 10000 : i32
    %mul3A_15 = arith.muli %add3A, %mul3A_14 : i32
    %add3A_16 = arith.constant 320000 : i32
    %add3A_17 = arith.addi %add3A_16, %mul3A_15 : i32
    "tpu.region"() ({
      %run_scoped3A = tpu.sem_alloc : memref<!tpu.dma_semaphore, #tpu.memory_space<semaphore_mem>>
      %dma_start3A = tpu.memref_slice %arg2[%add3A_17] : memref<640000xi32, #tpu.memory_space<hbm>> -> memref<10000xi32, #tpu.memory_space<hbm>>
      %dma_start3A_41 = tpu.memref_slice %arg2[%add3A_17] : memref<640000xi32, #tpu.memory_space<hbm>> -> memref<10000xi32, #tpu.memory_space<hbm>>
      tpu.enqueue_dma source(%dma_start3A_41 : memref<10000xi32, #tpu.memory_space<hbm>>) target(%arg5 : memref<10000xi32, #tpu.memory_space<vmem>>) target_semaphore(%run_scoped3A : memref<!tpu.dma_semaphore, #tpu.memory_space<semaphore_mem>>)
      %dma_wait3A = tpu.memref_slice %arg2[%add3A_17] : memref<640000xi32, #tpu.memory_space<hbm>> -> memref<10000xi32, #tpu.memory_space<hbm>>
      %dma_wait3A_42 = tpu.memref_slice %arg2[%add3A_17] : memref<640000xi32, #tpu.memory_space<hbm>> -> memref<10000xi32, #tpu.memory_space<hbm>>
      tpu.wait_dma2 semaphore(%run_scoped3A : memref<!tpu.dma_semaphore, #tpu.memory_space<semaphore_mem>>) src(%dma_wait3A_42 : memref<10000xi32, #tpu.memory_space<hbm>>) dst(%arg5 : memref<10000xi32, #tpu.memory_space<vmem>>)
      tpu.yield
    }) : () -> ()
    %scan3A_18 = arith.constant 0 : i32
    %scan3A_19 = arith.constant 0 : i32
    %scan3A_20 = arith.constant 625 : i32
    %scan3A_21 = arith.addi %scan3A_19, %scan3A_20 : i32
    %scan3A_22 = arith.constant 1 : i32
    scf.for %scan3A_41 = %scan3A_19 to %scan3A_21 step %scan3A_22  : i32 {
      %mul3A_42 = arith.constant 16 : i32
      %mul3A_43 = arith.muli %scan3A_41, %mul3A_42 : i32
      %get3A = arith.index_cast %mul3A_43 : i32 to index
      %get3A_44 = tpu.vector_load %arg5[%get3A] {strides = array<i32>} : memref<10000xi32, #tpu.memory_space<vmem>>, vector<16xi32>,
      %get3A_45 = vector.shape_cast %get3A_44 : vector<16xi32> to vector<16xi32>
      %jit3A = arith.constant 5 : i32
      %div3A = arith.divsi %scan3A_41, %jit3A : i32
      %sign3A = arith.constant 0 : i32
      %sign3A_46 = arith.cmpi sgt, %scan3A_41, %sign3A : i32
      %sign3A_47 = arith.extui %sign3A_46 : i1 to i32
      %sign3A_48 = arith.constant 0 : i32
      %sign3A_49 = arith.cmpi slt, %scan3A_41, %sign3A_48 : i32
      %sign3A_50 = arith.extui %sign3A_49 : i1 to i32
      %sign3A_51 = arith.subi %sign3A_47, %sign3A_50 : i32
      %sign3A_52 = arith.constant 0 : i32
      %sign3A_53 = arith.cmpi sgt, %jit3A, %sign3A_52 : i32
      %sign3A_54 = arith.extui %sign3A_53 : i1 to i32
      %sign3A_55 = arith.constant 0 : i32
      %sign3A_56 = arith.cmpi slt, %jit3A, %sign3A_55 : i32
      %sign3A_57 = arith.extui %sign3A_56 : i1 to i32
      %sign3A_58 = arith.subi %sign3A_54, %sign3A_57 : i32
      %ne3A = arith.cmpi ne, %sign3A_51, %sign3A_58 : i32
      %rem3A = arith.remsi %scan3A_41, %jit3A : i32
      %ne3A_59 = arith.constant 0 : i32
      %ne3A_60 = arith.cmpi ne, %rem3A, %ne3A_59 : i32
      %and3A = arith.andi %ne3A, %ne3A_60 : i1
      %sub3A = arith.constant 1 : i32
      %sub3A_61 = arith.subi %div3A, %sub3A : i32
      %select_n3A = arith.select %and3A, %sub3A_61, %div3A : i32
      %rem3A_62 = arith.constant 5 : i32
      %rem3A_63 = arith.remsi %scan3A_41, %rem3A_62 : i32
      %mul3A_64 = arith.constant 16 : i32
      %mul3A_65 = arith.muli %rem3A_63, %mul3A_64 : i32
      %swap3A = arith.index_cast %select_n3A : i32 to index
      %swap3A_66 = arith.index_cast %mul3A_65 : i32 to index
      %swap3A_67 = tpu.vector_load %arg6[%swap3A, %swap3A_66] {strides = array<i32>} : memref<125x80xi32, #tpu.memory_space<vmem>>, vector<1x16xi32>,
      %swap3A_68 = vector.shape_cast %swap3A_67 : vector<1x16xi32> to vector<16xi32>
      %swap3A_69 = vector.shape_cast %get3A_45 : vector<16xi32> to vector<1x16xi32>
      tpu.vector_store %arg6[%swap3A, %swap3A_66], %swap3A_69 {strides = array<i32>} : memref<125x80xi32, #tpu.memory_space<vmem>>, vector<1x16xi32>,
    }
    %scan3A_23 = arith.constant 625 : i32
    %barrier3A = arith.constant 0 : index
    tpu.barrier barrier_id(%barrier3A)
    %scan3A_24 = arith.constant 0 : i32
    %scan3A_25 = arith.constant 0 : i32
    %scan3A_26 = arith.constant 125 : i32
    %scan3A_27 = arith.addi %scan3A_25, %scan3A_26 : i32
    %scan3A_28 = arith.constant 1 : i32
    scf.for %scan3A_41 = %scan3A_25 to %scan3A_27 step %scan3A_28  : i32 {
      %dma_start3A = arith.constant 0 : i32
      %dma_start3A_42 = tpu.memref_slice %arg6[%scan3A_41, %dma_start3A] : memref<125x80xi32, #tpu.memory_space<vmem>> -> memref<1x80xi32, #tpu.memory_space<vmem>>
      %dma_start3A_43 = tpu.memref_squeeze %dma_start3A_42 : memref<1x80xi32, #tpu.memory_space<vmem>> -> memref<80xi32, #tpu.memory_space<vmem>>
      %dma_start3A_44 = arith.constant 0 : i32
      %dma_start3A_45 = tpu.memref_slice %arg4[%dma_start3A_44] : memref<10240xf32, #tpu.memory_space<vmem_shared>> -> memref<10240xf32, #tpu.memory_space<vmem_shared>>
      tpu.enqueue_indirect_dma source(%arg7 : memref<80xf32, #tpu.memory_space<vmem>>) target(%dma_start3A_45 : memref<10240xf32, #tpu.memory_space<vmem_shared>>) offsets(%dma_start3A_43 : memref<80xi32, #tpu.memory_space<vmem>>) semaphore(%arg9 : memref<!tpu.dma_semaphore, #tpu.memory_space<semaphore_mem>>) {add = true}
      %ge3A = arith.constant 4 : i32
      %ge3A_46 = arith.cmpi sge, %scan3A_41, %ge3A : i32
      %convert_element_type3A = arith.extui %ge3A_46 : i1 to i32
      %cond3A = arith.constant 0 : i32
      %cond3A_47 = arith.cmpi ne, %convert_element_type3A, %cond3A : i32
      scf.if %cond3A_47 {
        %dma_wait3A = arith.constant 0 : i32
        %dma_wait3A_48 = arith.constant 0 : i32
        %dma_wait3A_49 = tpu.memref_slice %arg6[%dma_wait3A, %dma_wait3A_48] : memref<125x80xi32, #tpu.memory_space<vmem>> -> memref<1x80xi32, #tpu.memory_space<vmem>>
        %dma_wait3A_50 = tpu.memref_squeeze %dma_wait3A_49 : memref<1x80xi32, #tpu.memory_space<vmem>> -> memref<80xi32, #tpu.memory_space<vmem>>
        %dma_wait3A_51 = arith.constant 0 : i32
        %dma_wait3A_52 = tpu.memref_slice %arg4[%dma_wait3A_51] : memref<10240xf32, #tpu.memory_space<vmem_shared>> -> memref<10240xf32, #tpu.memory_space<vmem_shared>>
        tpu.wait_indirect_dma semaphore(%arg9 : memref<!tpu.dma_semaphore, #tpu.memory_space<semaphore_mem>>) src(%arg7 : memref<80xf32, #tpu.memory_space<vmem>>) dst(%dma_wait3A_52 : memref<10240xf32, #tpu.memory_space<vmem_shared>>)
      } else {
      }
    }
    %scan3A_29 = arith.constant 125 : i32
    %scan3A_30 = arith.constant 0 : i32
    %scan3A_31 = arith.constant 0 : i32
    %scan3A_32 = arith.constant 4 : i32
    %scan3A_33 = arith.addi %scan3A_31, %scan3A_32 : i32
    %scan3A_34 = arith.constant 1 : i32
    scf.for %scan3A_41 = %scan3A_31 to %scan3A_33 step %scan3A_34  : i32 {
      %dma_wait3A = arith.constant 0 : i32
      %dma_wait3A_42 = arith.constant 0 : i32
      %dma_wait3A_43 = tpu.memref_slice %arg6[%dma_wait3A, %dma_wait3A_42] : memref<125x80xi32, #tpu.memory_space<vmem>> -> memref<1x80xi32, #tpu.memory_space<vmem>>
      %dma_wait3A_44 = tpu.memref_squeeze %dma_wait3A_43 : memref<1x80xi32, #tpu.memory_space<vmem>> -> memref<80xi32, #tpu.memory_space<vmem>>
      %dma_wait3A_45 = arith.constant 0 : i32
      %dma_wait3A_46 = tpu.memref_slice %arg4[%dma_wait3A_45] : memref<10240xf32, #tpu.memory_space<vmem_shared>> -> memref<10240xf32, #tpu.memory_space<vmem_shared>>
      tpu.wait_indirect_dma semaphore(%arg9 : memref<!tpu.dma_semaphore, #tpu.memory_space<semaphore_mem>>) src(%arg7 : memref<80xf32, #tpu.memory_space<vmem>>) dst(%dma_wait3A_46 : memref<10240xf32, #tpu.memory_space<vmem_shared>>)
    }
    %scan3A_35 = arith.constant 4 : i32
    %barrier3A_36 = arith.constant 0 : index
    tpu.barrier barrier_id(%barrier3A_36)
    %mul3A_37 = arith.constant 640 : i32
    %mul3A_38 = arith.muli %arg1, %mul3A_37 : i32
    %mul3A_39 = arith.constant 640 : i32
    %mul3A_40 = arith.muli %arg1, %mul3A_39 : i32
    "tpu.region"() ({
      %run_scoped3A = tpu.sem_alloc : memref<!tpu.dma_semaphore, #tpu.memory_space<semaphore_mem>>
      %dma_start3A = tpu.memref_slice %arg3[%arg0, %mul3A_40] : memref<2x10240xf32, #tpu.memory_space<hbm>> -> memref<1x640xf32, #tpu.memory_space<hbm>>
      %dma_start3A_41 = tpu.memref_squeeze %dma_start3A : memref<1x640xf32, #tpu.memory_space<hbm>> -> memref<640xf32, #tpu.memory_space<hbm>>
      %dma_start3A_42 = tpu.memref_slice %arg4[%mul3A_38] : memref<10240xf32, #tpu.memory_space<vmem_shared>> -> memref<640xf32, #tpu.memory_space<vmem_shared>>
      tpu.enqueue_dma source(%dma_start3A_42 : memref<640xf32, #tpu.memory_space<vmem_shared>>) target(%dma_start3A_41 : memref<640xf32, #tpu.memory_space<hbm>>) target_semaphore(%run_scoped3A : memref<!tpu.dma_semaphore, #tpu.memory_space<semaphore_mem>>)
      %dma_wait3A = tpu.memref_slice %arg3[%arg0, %mul3A_40] : memref<2x10240xf32, #tpu.memory_space<hbm>> -> memref<1x640xf32, #tpu.memory_space<hbm>>
      %dma_wait3A_43 = tpu.memref_squeeze %dma_wait3A : memref<1x640xf32, #tpu.memory_space<hbm>> -> memref<640xf32, #tpu.memory_space<hbm>>
      %dma_wait3A_44 = tpu.memref_slice %arg4[%mul3A_38] : memref<10240xf32, #tpu.memory_space<vmem_shared>> -> memref<640xf32, #tpu.memory_space<vmem_shared>>
      tpu.wait_dma2 semaphore(%run_scoped3A : memref<!tpu.dma_semaphore, #tpu.memory_space<semaphore_mem>>) src(%dma_wait3A_44 : memref<640xf32, #tpu.memory_space<vmem_shared>>) dst(%dma_wait3A_43 : memref<640xf32, #tpu.memory_space<hbm>>)
      tpu.yield
    }) : () -> ()
    return
  }
}

#map = affine_map<(d0, d1) -> (0)>
#map1 = affine_map<(d0, d1) -> (0, 0)>
module attributes {stable_mosaic.version = 14 : i64} {
  func.func @edge_kernel(%arg0: i32, %arg1: i32, %arg2: memref<640000xi32, #tpu.memory_space<hbm>>, %arg3: memref<10000x128xf32, #tpu.memory_space<hbm>>, %arg4: memref<10240x128xf32, #tpu.memory_space<hbm>>, %arg5: memref<10240x128xf32, #tpu.memory_space<hbm>>, %arg6: memref<10240x128xf32, #tpu.memory_space<vmem_shared>>, %arg7: memref<8x2x80xi32, #tpu.memory_space<vmem>>, %arg8: memref<80x128xf32, #tpu.memory_space<vmem>>, %arg9: memref<80x128xf32, #tpu.memory_space<vmem>>, %arg10: memref<80x128xf32, #tpu.memory_space<vmem>>, %arg11: memref<80x128xf32, #tpu.memory_space<vmem>>, %arg12: memref<!tpu.dma_semaphore, #tpu.memory_space<semaphore_mem>>, %arg13: memref<!tpu.dma_semaphore, #tpu.memory_space<semaphore_mem>>, %arg14: memref<!tpu.dma_semaphore, #tpu.memory_space<semaphore_mem>>, %arg15: memref<!tpu.dma_semaphore, #tpu.memory_space<semaphore_mem>>, %arg16: memref<!tpu.dma_semaphore, #tpu.memory_space<semaphore_mem>>, %arg17: memref<!tpu.dma_semaphore, #tpu.memory_space<semaphore_mem>>, %arg18: memref<!tpu.dma_semaphore, #tpu.memory_space<semaphore_mem>>, %arg19: memref<!tpu.dma_semaphore, #tpu.memory_space<semaphore_mem>>, %arg20: memref<!tpu.dma_semaphore, #tpu.memory_space<semaphore_mem>>, %arg21: memref<!tpu.dma_semaphore, #tpu.memory_space<semaphore_mem>>, %arg22: memref<!tpu.dma_semaphore, #tpu.memory_space<semaphore_mem>>, %arg23: memref<!tpu.dma_semaphore, #tpu.memory_space<semaphore_mem>>, %arg24: memref<!tpu.dma_semaphore, #tpu.memory_space<semaphore_mem>>, %arg25: memref<!tpu.dma_semaphore, #tpu.memory_space<semaphore_mem>>, %arg26: memref<!tpu.dma_semaphore, #tpu.memory_space<semaphore_mem>>, %arg27: memref<!tpu.dma_semaphore, #tpu.memory_space<semaphore_mem>>) attributes {dimension_semantics = [#tpu.dimension_semantics<core_parallel>, #tpu.dimension_semantics<subcore_parallel>], iteration_bounds = array<i64: 2, 16>, scalar_prefetch = 0 : i64, scratch_operands = 22 : i64, tpu.core_type = #tpu.core_type<sc_vector_subcore>, window_params = [{transform_indices = #map}, {transform_indices = #map1}, {transform_indices = #map1}, {transform_indices = #map1}]} {
    %mul3A = arith.constant 16 : i32
    %mul3A_0 = arith.muli %arg0, %mul3A : i32
    %add3A = arith.addi %mul3A_0, %arg1 : i32
    %mul3A_1 = arith.constant 10000 : i32
    %mul3A_2 = arith.muli %add3A, %mul3A_1 : i32
    %add3A_3 = arith.constant 0 : i32
    %add3A_4 = arith.addi %mul3A_2, %add3A_3 : i32
    %dma_start3A = arith.constant 0 : i32
    %dma_start3A_5 = arith.constant 0 : i32
    %dma_start3A_6 = arith.constant 0 : i32
    %dma_start3A_7 = tpu.memref_slice %arg7[%dma_start3A, %dma_start3A_5, %dma_start3A_6] : memref<8x2x80xi32, #tpu.memory_space<vmem>> -> memref<1x1x80xi32, #tpu.memory_space<vmem>>
    %dma_start3A_8 = tpu.memref_squeeze %dma_start3A_7 : memref<1x1x80xi32, #tpu.memory_space<vmem>> -> memref<80xi32, #tpu.memory_space<vmem>>
    %dma_start3A_9 = tpu.memref_slice %arg2[%add3A_4] : memref<640000xi32, #tpu.memory_space<hbm>> -> memref<80xi32, #tpu.memory_space<hbm>>
    %dma_start3A_10 = arith.constant 0 : i32
    %dma_start3A_11 = tpu.memref_slice %arg7[%dma_start3A, %dma_start3A_5, %dma_start3A_10] : memref<8x2x80xi32, #tpu.memory_space<vmem>> -> memref<1x1x80xi32, #tpu.memory_space<vmem>>
    %dma_start3A_12 = tpu.memref_squeeze %dma_start3A_11 : memref<1x1x80xi32, #tpu.memory_space<vmem>> -> memref<80xi32, #tpu.memory_space<vmem>>
    %dma_start3A_13 = tpu.memref_slice %arg2[%add3A_4] : memref<640000xi32, #tpu.memory_space<hbm>> -> memref<80xi32, #tpu.memory_space<hbm>>
    tpu.enqueue_dma source(%dma_start3A_13 : memref<80xi32, #tpu.memory_space<hbm>>) target(%dma_start3A_12 : memref<80xi32, #tpu.memory_space<vmem>>) target_semaphore(%arg20 : memref<!tpu.dma_semaphore, #tpu.memory_space<semaphore_mem>>)
    %add3A_14 = arith.constant 320000 : i32
    %add3A_15 = arith.addi %add3A_14, %mul3A_2 : i32
    %add3A_16 = arith.constant 0 : i32
    %add3A_17 = arith.addi %add3A_15, %add3A_16 : i32
    %dma_start3A_18 = arith.constant 0 : i32
    %dma_start3A_19 = arith.constant 1 : i32
    %dma_start3A_20 = arith.constant 0 : i32
    %dma_start3A_21 = tpu.memref_slice %arg7[%dma_start3A_18, %dma_start3A_19, %dma_start3A_20] : memref<8x2x80xi32, #tpu.memory_space<vmem>> -> memref<1x1x80xi32, #tpu.memory_space<vmem>>
    %dma_start3A_22 = tpu.memref_squeeze %dma_start3A_21 : memref<1x1x80xi32, #tpu.memory_space<vmem>> -> memref<80xi32, #tpu.memory_space<vmem>>
    %dma_start3A_23 = tpu.memref_slice %arg2[%add3A_17] : memref<640000xi32, #tpu.memory_space<hbm>> -> memref<80xi32, #tpu.memory_space<hbm>>
    %dma_start3A_24 = arith.constant 0 : i32
    %dma_start3A_25 = tpu.memref_slice %arg7[%dma_start3A_18, %dma_start3A_19, %dma_start3A_24] : memref<8x2x80xi32, #tpu.memory_space<vmem>> -> memref<1x1x80xi32, #tpu.memory_space<vmem>>
    %dma_start3A_26 = tpu.memref_squeeze %dma_start3A_25 : memref<1x1x80xi32, #tpu.memory_space<vmem>> -> memref<80xi32, #tpu.memory_space<vmem>>
    %dma_start3A_27 = tpu.memref_slice %arg2[%add3A_17] : memref<640000xi32, #tpu.memory_space<hbm>> -> memref<80xi32, #tpu.memory_space<hbm>>
    tpu.enqueue_dma source(%dma_start3A_27 : memref<80xi32, #tpu.memory_space<hbm>>) target(%dma_start3A_26 : memref<80xi32, #tpu.memory_space<vmem>>) target_semaphore(%arg20 : memref<!tpu.dma_semaphore, #tpu.memory_space<semaphore_mem>>)
    %add3A_28 = arith.constant 80 : i32
    %add3A_29 = arith.addi %mul3A_2, %add3A_28 : i32
    %dma_start3A_30 = arith.constant 1 : i32
    %dma_start3A_31 = arith.constant 0 : i32
    %dma_start3A_32 = arith.constant 0 : i32
    %dma_start3A_33 = tpu.memref_slice %arg7[%dma_start3A_30, %dma_start3A_31, %dma_start3A_32] : memref<8x2x80xi32, #tpu.memory_space<vmem>> -> memref<1x1x80xi32, #tpu.memory_space<vmem>>
    %dma_start3A_34 = tpu.memref_squeeze %dma_start3A_33 : memref<1x1x80xi32, #tpu.memory_space<vmem>> -> memref<80xi32, #tpu.memory_space<vmem>>
    %dma_start3A_35 = tpu.memref_slice %arg2[%add3A_29] : memref<640000xi32, #tpu.memory_space<hbm>> -> memref<80xi32, #tpu.memory_space<hbm>>
    %dma_start3A_36 = arith.constant 0 : i32
    %dma_start3A_37 = tpu.memref_slice %arg7[%dma_start3A_30, %dma_start3A_31, %dma_start3A_36] : memref<8x2x80xi32, #tpu.memory_space<vmem>> -> memref<1x1x80xi32, #tpu.memory_space<vmem>>
    %dma_start3A_38 = tpu.memref_squeeze %dma_start3A_37 : memref<1x1x80xi32, #tpu.memory_space<vmem>> -> memref<80xi32, #tpu.memory_space<vmem>>
    %dma_start3A_39 = tpu.memref_slice %arg2[%add3A_29] : memref<640000xi32, #tpu.memory_space<hbm>> -> memref<80xi32, #tpu.memory_space<hbm>>
    tpu.enqueue_dma source(%dma_start3A_39 : memref<80xi32, #tpu.memory_space<hbm>>) target(%dma_start3A_38 : memref<80xi32, #tpu.memory_space<vmem>>) target_semaphore(%arg21 : memref<!tpu.dma_semaphore, #tpu.memory_space<semaphore_mem>>)
    %add3A_40 = arith.constant 320000 : i32
    %add3A_41 = arith.addi %add3A_40, %mul3A_2 : i32
    %add3A_42 = arith.constant 80 : i32
    %add3A_43 = arith.addi %add3A_41, %add3A_42 : i32
    %dma_start3A_44 = arith.constant 1 : i32
    %dma_start3A_45 = arith.constant 1 : i32
    %dma_start3A_46 = arith.constant 0 : i32
    %dma_start3A_47 = tpu.memref_slice %arg7[%dma_start3A_44, %dma_start3A_45, %dma_start3A_46] : memref<8x2x80xi32, #tpu.memory_space<vmem>> -> memref<1x1x80xi32, #tpu.memory_space<vmem>>
    %dma_start3A_48 = tpu.memref_squeeze %dma_start3A_47 : memref<1x1x80xi32, #tpu.memory_space<vmem>> -> memref<80xi32, #tpu.memory_space<vmem>>
    %dma_start3A_49 = tpu.memref_slice %arg2[%add3A_43] : memref<640000xi32, #tpu.memory_space<hbm>> -> memref<80xi32, #tpu.memory_space<hbm>>
    %dma_start3A_50 = arith.constant 0 : i32
    %dma_start3A_51 = tpu.memref_slice %arg7[%dma_start3A_44, %dma_start3A_45, %dma_start3A_50] : memref<8x2x80xi32, #tpu.memory_space<vmem>> -> memref<1x1x80xi32, #tpu.memory_space<vmem>>
    %dma_start3A_52 = tpu.memref_squeeze %dma_start3A_51 : memref<1x1x80xi32, #tpu.memory_space<vmem>> -> memref<80xi32, #tpu.memory_space<vmem>>
    %dma_start3A_53 = tpu.memref_slice %arg2[%add3A_43] : memref<640000xi32, #tpu.memory_space<hbm>> -> memref<80xi32, #tpu.memory_space<hbm>>
    tpu.enqueue_dma source(%dma_start3A_53 : memref<80xi32, #tpu.memory_space<hbm>>) target(%dma_start3A_52 : memref<80xi32, #tpu.memory_space<vmem>>) target_semaphore(%arg21 : memref<!tpu.dma_semaphore, #tpu.memory_space<semaphore_mem>>)
    %add3A_54 = arith.constant 160 : i32
    %add3A_55 = arith.addi %mul3A_2, %add3A_54 : i32
    %dma_start3A_56 = arith.constant 2 : i32
    %dma_start3A_57 = arith.constant 0 : i32
    %dma_start3A_58 = arith.constant 0 : i32
    %dma_start3A_59 = tpu.memref_slice %arg7[%dma_start3A_56, %dma_start3A_57, %dma_start3A_58] : memref<8x2x80xi32, #tpu.memory_space<vmem>> -> memref<1x1x80xi32, #tpu.memory_space<vmem>>
    %dma_start3A_60 = tpu.memref_squeeze %dma_start3A_59 : memref<1x1x80xi32, #tpu.memory_space<vmem>> -> memref<80xi32, #tpu.memory_space<vmem>>
    %dma_start3A_61 = tpu.memref_slice %arg2[%add3A_55] : memref<640000xi32, #tpu.memory_space<hbm>> -> memref<80xi32, #tpu.memory_space<hbm>>
    %dma_start3A_62 = arith.constant 0 : i32
    %dma_start3A_63 = tpu.memref_slice %arg7[%dma_start3A_56, %dma_start3A_57, %dma_start3A_62] : memref<8x2x80xi32, #tpu.memory_space<vmem>> -> memref<1x1x80xi32, #tpu.memory_space<vmem>>
    %dma_start3A_64 = tpu.memref_squeeze %dma_start3A_63 : memref<1x1x80xi32, #tpu.memory_space<vmem>> -> memref<80xi32, #tpu.memory_space<vmem>>
    %dma_start3A_65 = tpu.memref_slice %arg2[%add3A_55] : memref<640000xi32, #tpu.memory_space<hbm>> -> memref<80xi32, #tpu.memory_space<hbm>>
    tpu.enqueue_dma source(%dma_start3A_65 : memref<80xi32, #tpu.memory_space<hbm>>) target(%dma_start3A_64 : memref<80xi32, #tpu.memory_space<vmem>>) target_semaphore(%arg22 : memref<!tpu.dma_semaphore, #tpu.memory_space<semaphore_mem>>)
    %add3A_66 = arith.constant 320000 : i32
    %add3A_67 = arith.addi %add3A_66, %mul3A_2 : i32
    %add3A_68 = arith.constant 160 : i32
    %add3A_69 = arith.addi %add3A_67, %add3A_68 : i32
    %dma_start3A_70 = arith.constant 2 : i32
    %dma_start3A_71 = arith.constant 1 : i32
    %dma_start3A_72 = arith.constant 0 : i32
    %dma_start3A_73 = tpu.memref_slice %arg7[%dma_start3A_70, %dma_start3A_71, %dma_start3A_72] : memref<8x2x80xi32, #tpu.memory_space<vmem>> -> memref<1x1x80xi32, #tpu.memory_space<vmem>>
    %dma_start3A_74 = tpu.memref_squeeze %dma_start3A_73 : memref<1x1x80xi32, #tpu.memory_space<vmem>> -> memref<80xi32, #tpu.memory_space<vmem>>
    %dma_start3A_75 = tpu.memref_slice %arg2[%add3A_69] : memref<640000xi32, #tpu.memory_space<hbm>> -> memref<80xi32, #tpu.memory_space<hbm>>
    %dma_start3A_76 = arith.constant 0 : i32
    %dma_start3A_77 = tpu.memref_slice %arg7[%dma_start3A_70, %dma_start3A_71, %dma_start3A_76] : memref<8x2x80xi32, #tpu.memory_space<vmem>> -> memref<1x1x80xi32, #tpu.memory_space<vmem>>
    %dma_start3A_78 = tpu.memref_squeeze %dma_start3A_77 : memref<1x1x80xi32, #tpu.memory_space<vmem>> -> memref<80xi32, #tpu.memory_space<vmem>>
    %dma_start3A_79 = tpu.memref_slice %arg2[%add3A_69] : memref<640000xi32, #tpu.memory_space<hbm>> -> memref<80xi32, #tpu.memory_space<hbm>>
    tpu.enqueue_dma source(%dma_start3A_79 : memref<80xi32, #tpu.memory_space<hbm>>) target(%dma_start3A_78 : memref<80xi32, #tpu.memory_space<vmem>>) target_semaphore(%arg22 : memref<!tpu.dma_semaphore, #tpu.memory_space<semaphore_mem>>)
    %add3A_80 = arith.constant 240 : i32
    %add3A_81 = arith.addi %mul3A_2, %add3A_80 : i32
    %dma_start3A_82 = arith.constant 3 : i32
    %dma_start3A_83 = arith.constant 0 : i32
    %dma_start3A_84 = arith.constant 0 : i32
    %dma_start3A_85 = tpu.memref_slice %arg7[%dma_start3A_82, %dma_start3A_83, %dma_start3A_84] : memref<8x2x80xi32, #tpu.memory_space<vmem>> -> memref<1x1x80xi32, #tpu.memory_space<vmem>>
    %dma_start3A_86 = tpu.memref_squeeze %dma_start3A_85 : memref<1x1x80xi32, #tpu.memory_space<vmem>> -> memref<80xi32, #tpu.memory_space<vmem>>
    %dma_start3A_87 = tpu.memref_slice %arg2[%add3A_81] : memref<640000xi32, #tpu.memory_space<hbm>> -> memref<80xi32, #tpu.memory_space<hbm>>
    %dma_start3A_88 = arith.constant 0 : i32
    %dma_start3A_89 = tpu.memref_slice %arg7[%dma_start3A_82, %dma_start3A_83, %dma_start3A_88] : memref<8x2x80xi32, #tpu.memory_space<vmem>> -> memref<1x1x80xi32, #tpu.memory_space<vmem>>
    %dma_start3A_90 = tpu.memref_squeeze %dma_start3A_89 : memref<1x1x80xi32, #tpu.memory_space<vmem>> -> memref<80xi32, #tpu.memory_space<vmem>>
    %dma_start3A_91 = tpu.memref_slice %arg2[%add3A_81] : memref<640000xi32, #tpu.memory_space<hbm>> -> memref<80xi32, #tpu.memory_space<hbm>>
    tpu.enqueue_dma source(%dma_start3A_91 : memref<80xi32, #tpu.memory_space<hbm>>) target(%dma_start3A_90 : memref<80xi32, #tpu.memory_space<vmem>>) target_semaphore(%arg23 : memref<!tpu.dma_semaphore, #tpu.memory_space<semaphore_mem>>)
    %add3A_92 = arith.constant 320000 : i32
    %add3A_93 = arith.addi %add3A_92, %mul3A_2 : i32
    %add3A_94 = arith.constant 240 : i32
    %add3A_95 = arith.addi %add3A_93, %add3A_94 : i32
    %dma_start3A_96 = arith.constant 3 : i32
    %dma_start3A_97 = arith.constant 1 : i32
    %dma_start3A_98 = arith.constant 0 : i32
    %dma_start3A_99 = tpu.memref_slice %arg7[%dma_start3A_96, %dma_start3A_97, %dma_start3A_98] : memref<8x2x80xi32, #tpu.memory_space<vmem>> -> memref<1x1x80xi32, #tpu.memory_space<vmem>>
    %dma_start3A_100 = tpu.memref_squeeze %dma_start3A_99 : memref<1x1x80xi32, #tpu.memory_space<vmem>> -> memref<80xi32, #tpu.memory_space<vmem>>
    %dma_start3A_101 = tpu.memref_slice %arg2[%add3A_95] : memref<640000xi32, #tpu.memory_space<hbm>> -> memref<80xi32, #tpu.memory_space<hbm>>
    %dma_start3A_102 = arith.constant 0 : i32
    %dma_start3A_103 = tpu.memref_slice %arg7[%dma_start3A_96, %dma_start3A_97, %dma_start3A_102] : memref<8x2x80xi32, #tpu.memory_space<vmem>> -> memref<1x1x80xi32, #tpu.memory_space<vmem>>
    %dma_start3A_104 = tpu.memref_squeeze %dma_start3A_103 : memref<1x1x80xi32, #tpu.memory_space<vmem>> -> memref<80xi32, #tpu.memory_space<vmem>>
    %dma_start3A_105 = tpu.memref_slice %arg2[%add3A_95] : memref<640000xi32, #tpu.memory_space<hbm>> -> memref<80xi32, #tpu.memory_space<hbm>>
    tpu.enqueue_dma source(%dma_start3A_105 : memref<80xi32, #tpu.memory_space<hbm>>) target(%dma_start3A_104 : memref<80xi32, #tpu.memory_space<vmem>>) target_semaphore(%arg23 : memref<!tpu.dma_semaphore, #tpu.memory_space<semaphore_mem>>)
    %add3A_106 = arith.constant 320 : i32
    %add3A_107 = arith.addi %mul3A_2, %add3A_106 : i32
    %dma_start3A_108 = arith.constant 4 : i32
    %dma_start3A_109 = arith.constant 0 : i32
    %dma_start3A_110 = arith.constant 0 : i32
    %dma_start3A_111 = tpu.memref_slice %arg7[%dma_start3A_108, %dma_start3A_109, %dma_start3A_110] : memref<8x2x80xi32, #tpu.memory_space<vmem>> -> memref<1x1x80xi32, #tpu.memory_space<vmem>>
    %dma_start3A_112 = tpu.memref_squeeze %dma_start3A_111 : memref<1x1x80xi32, #tpu.memory_space<vmem>> -> memref<80xi32, #tpu.memory_space<vmem>>
    %dma_start3A_113 = tpu.memref_slice %arg2[%add3A_107] : memref<640000xi32, #tpu.memory_space<hbm>> -> memref<80xi32, #tpu.memory_space<hbm>>
    %dma_start3A_114 = arith.constant 0 : i32
    %dma_start3A_115 = tpu.memref_slice %arg7[%dma_start3A_108, %dma_start3A_109, %dma_start3A_114] : memref<8x2x80xi32, #tpu.memory_space<vmem>> -> memref<1x1x80xi32, #tpu.memory_space<vmem>>
    %dma_start3A_116 = tpu.memref_squeeze %dma_start3A_115 : memref<1x1x80xi32, #tpu.memory_space<vmem>> -> memref<80xi32, #tpu.memory_space<vmem>>
    %dma_start3A_117 = tpu.memref_slice %arg2[%add3A_107] : memref<640000xi32, #tpu.memory_space<hbm>> -> memref<80xi32, #tpu.memory_space<hbm>>
    tpu.enqueue_dma source(%dma_start3A_117 : memref<80xi32, #tpu.memory_space<hbm>>) target(%dma_start3A_116 : memref<80xi32, #tpu.memory_space<vmem>>) target_semaphore(%arg24 : memref<!tpu.dma_semaphore, #tpu.memory_space<semaphore_mem>>)
    %add3A_118 = arith.constant 320000 : i32
    %add3A_119 = arith.addi %add3A_118, %mul3A_2 : i32
    %add3A_120 = arith.constant 320 : i32
    %add3A_121 = arith.addi %add3A_119, %add3A_120 : i32
    %dma_start3A_122 = arith.constant 4 : i32
    %dma_start3A_123 = arith.constant 1 : i32
    %dma_start3A_124 = arith.constant 0 : i32
    %dma_start3A_125 = tpu.memref_slice %arg7[%dma_start3A_122, %dma_start3A_123, %dma_start3A_124] : memref<8x2x80xi32, #tpu.memory_space<vmem>> -> memref<1x1x80xi32, #tpu.memory_space<vmem>>
    %dma_start3A_126 = tpu.memref_squeeze %dma_start3A_125 : memref<1x1x80xi32, #tpu.memory_space<vmem>> -> memref<80xi32, #tpu.memory_space<vmem>>
    %dma_start3A_127 = tpu.memref_slice %arg2[%add3A_121] : memref<640000xi32, #tpu.memory_space<hbm>> -> memref<80xi32, #tpu.memory_space<hbm>>
    %dma_start3A_128 = arith.constant 0 : i32
    %dma_start3A_129 = tpu.memref_slice %arg7[%dma_start3A_122, %dma_start3A_123, %dma_start3A_128] : memref<8x2x80xi32, #tpu.memory_space<vmem>> -> memref<1x1x80xi32, #tpu.memory_space<vmem>>
    %dma_start3A_130 = tpu.memref_squeeze %dma_start3A_129 : memref<1x1x80xi32, #tpu.memory_space<vmem>> -> memref<80xi32, #tpu.memory_space<vmem>>
    %dma_start3A_131 = tpu.memref_slice %arg2[%add3A_121] : memref<640000xi32, #tpu.memory_space<hbm>> -> memref<80xi32, #tpu.memory_space<hbm>>
    tpu.enqueue_dma source(%dma_start3A_131 : memref<80xi32, #tpu.memory_space<hbm>>) target(%dma_start3A_130 : memref<80xi32, #tpu.memory_space<vmem>>) target_semaphore(%arg24 : memref<!tpu.dma_semaphore, #tpu.memory_space<semaphore_mem>>)
    %add3A_132 = arith.constant 400 : i32
    %add3A_133 = arith.addi %mul3A_2, %add3A_132 : i32
    %dma_start3A_134 = arith.constant 5 : i32
    %dma_start3A_135 = arith.constant 0 : i32
    %dma_start3A_136 = arith.constant 0 : i32
    %dma_start3A_137 = tpu.memref_slice %arg7[%dma_start3A_134, %dma_start3A_135, %dma_start3A_136] : memref<8x2x80xi32, #tpu.memory_space<vmem>> -> memref<1x1x80xi32, #tpu.memory_space<vmem>>
    %dma_start3A_138 = tpu.memref_squeeze %dma_start3A_137 : memref<1x1x80xi32, #tpu.memory_space<vmem>> -> memref<80xi32, #tpu.memory_space<vmem>>
    %dma_start3A_139 = tpu.memref_slice %arg2[%add3A_133] : memref<640000xi32, #tpu.memory_space<hbm>> -> memref<80xi32, #tpu.memory_space<hbm>>
    %dma_start3A_140 = arith.constant 0 : i32
    %dma_start3A_141 = tpu.memref_slice %arg7[%dma_start3A_134, %dma_start3A_135, %dma_start3A_140] : memref<8x2x80xi32, #tpu.memory_space<vmem>> -> memref<1x1x80xi32, #tpu.memory_space<vmem>>
    %dma_start3A_142 = tpu.memref_squeeze %dma_start3A_141 : memref<1x1x80xi32, #tpu.memory_space<vmem>> -> memref<80xi32, #tpu.memory_space<vmem>>
    %dma_start3A_143 = tpu.memref_slice %arg2[%add3A_133] : memref<640000xi32, #tpu.memory_space<hbm>> -> memref<80xi32, #tpu.memory_space<hbm>>
    tpu.enqueue_dma source(%dma_start3A_143 : memref<80xi32, #tpu.memory_space<hbm>>) target(%dma_start3A_142 : memref<80xi32, #tpu.memory_space<vmem>>) target_semaphore(%arg25 : memref<!tpu.dma_semaphore, #tpu.memory_space<semaphore_mem>>)
    %add3A_144 = arith.constant 320000 : i32
    %add3A_145 = arith.addi %add3A_144, %mul3A_2 : i32
    %add3A_146 = arith.constant 400 : i32
    %add3A_147 = arith.addi %add3A_145, %add3A_146 : i32
    %dma_start3A_148 = arith.constant 5 : i32
    %dma_start3A_149 = arith.constant 1 : i32
    %dma_start3A_150 = arith.constant 0 : i32
    %dma_start3A_151 = tpu.memref_slice %arg7[%dma_start3A_148, %dma_start3A_149, %dma_start3A_150] : memref<8x2x80xi32, #tpu.memory_space<vmem>> -> memref<1x1x80xi32, #tpu.memory_space<vmem>>
    %dma_start3A_152 = tpu.memref_squeeze %dma_start3A_151 : memref<1x1x80xi32, #tpu.memory_space<vmem>> -> memref<80xi32, #tpu.memory_space<vmem>>
    %dma_start3A_153 = tpu.memref_slice %arg2[%add3A_147] : memref<640000xi32, #tpu.memory_space<hbm>> -> memref<80xi32, #tpu.memory_space<hbm>>
    %dma_start3A_154 = arith.constant 0 : i32
    %dma_start3A_155 = tpu.memref_slice %arg7[%dma_start3A_148, %dma_start3A_149, %dma_start3A_154] : memref<8x2x80xi32, #tpu.memory_space<vmem>> -> memref<1x1x80xi32, #tpu.memory_space<vmem>>
    %dma_start3A_156 = tpu.memref_squeeze %dma_start3A_155 : memref<1x1x80xi32, #tpu.memory_space<vmem>> -> memref<80xi32, #tpu.memory_space<vmem>>
    %dma_start3A_157 = tpu.memref_slice %arg2[%add3A_147] : memref<640000xi32, #tpu.memory_space<hbm>> -> memref<80xi32, #tpu.memory_space<hbm>>
    tpu.enqueue_dma source(%dma_start3A_157 : memref<80xi32, #tpu.memory_space<hbm>>) target(%dma_start3A_156 : memref<80xi32, #tpu.memory_space<vmem>>) target_semaphore(%arg25 : memref<!tpu.dma_semaphore, #tpu.memory_space<semaphore_mem>>)
    %add3A_158 = arith.constant 480 : i32
    %add3A_159 = arith.addi %mul3A_2, %add3A_158 : i32
    %dma_start3A_160 = arith.constant 6 : i32
    %dma_start3A_161 = arith.constant 0 : i32
    %dma_start3A_162 = arith.constant 0 : i32
    %dma_start3A_163 = tpu.memref_slice %arg7[%dma_start3A_160, %dma_start3A_161, %dma_start3A_162] : memref<8x2x80xi32, #tpu.memory_space<vmem>> -> memref<1x1x80xi32, #tpu.memory_space<vmem>>
    %dma_start3A_164 = tpu.memref_squeeze %dma_start3A_163 : memref<1x1x80xi32, #tpu.memory_space<vmem>> -> memref<80xi32, #tpu.memory_space<vmem>>
    %dma_start3A_165 = tpu.memref_slice %arg2[%add3A_159] : memref<640000xi32, #tpu.memory_space<hbm>> -> memref<80xi32, #tpu.memory_space<hbm>>
    %dma_start3A_166 = arith.constant 0 : i32
    %dma_start3A_167 = tpu.memref_slice %arg7[%dma_start3A_160, %dma_start3A_161, %dma_start3A_166] : memref<8x2x80xi32, #tpu.memory_space<vmem>> -> memref<1x1x80xi32, #tpu.memory_space<vmem>>
    %dma_start3A_168 = tpu.memref_squeeze %dma_start3A_167 : memref<1x1x80xi32, #tpu.memory_space<vmem>> -> memref<80xi32, #tpu.memory_space<vmem>>
    %dma_start3A_169 = tpu.memref_slice %arg2[%add3A_159] : memref<640000xi32, #tpu.memory_space<hbm>> -> memref<80xi32, #tpu.memory_space<hbm>>
    tpu.enqueue_dma source(%dma_start3A_169 : memref<80xi32, #tpu.memory_space<hbm>>) target(%dma_start3A_168 : memref<80xi32, #tpu.memory_space<vmem>>) target_semaphore(%arg26 : memref<!tpu.dma_semaphore, #tpu.memory_space<semaphore_mem>>)
    %add3A_170 = arith.constant 320000 : i32
    %add3A_171 = arith.addi %add3A_170, %mul3A_2 : i32
    %add3A_172 = arith.constant 480 : i32
    %add3A_173 = arith.addi %add3A_171, %add3A_172 : i32
    %dma_start3A_174 = arith.constant 6 : i32
    %dma_start3A_175 = arith.constant 1 : i32
    %dma_start3A_176 = arith.constant 0 : i32
    %dma_start3A_177 = tpu.memref_slice %arg7[%dma_start3A_174, %dma_start3A_175, %dma_start3A_176] : memref<8x2x80xi32, #tpu.memory_space<vmem>> -> memref<1x1x80xi32, #tpu.memory_space<vmem>>
    %dma_start3A_178 = tpu.memref_squeeze %dma_start3A_177 : memref<1x1x80xi32, #tpu.memory_space<vmem>> -> memref<80xi32, #tpu.memory_space<vmem>>
    %dma_start3A_179 = tpu.memref_slice %arg2[%add3A_173] : memref<640000xi32, #tpu.memory_space<hbm>> -> memref<80xi32, #tpu.memory_space<hbm>>
    %dma_start3A_180 = arith.constant 0 : i32
    %dma_start3A_181 = tpu.memref_slice %arg7[%dma_start3A_174, %dma_start3A_175, %dma_start3A_180] : memref<8x2x80xi32, #tpu.memory_space<vmem>> -> memref<1x1x80xi32, #tpu.memory_space<vmem>>
    %dma_start3A_182 = tpu.memref_squeeze %dma_start3A_181 : memref<1x1x80xi32, #tpu.memory_space<vmem>> -> memref<80xi32, #tpu.memory_space<vmem>>
    %dma_start3A_183 = tpu.memref_slice %arg2[%add3A_173] : memref<640000xi32, #tpu.memory_space<hbm>> -> memref<80xi32, #tpu.memory_space<hbm>>
    tpu.enqueue_dma source(%dma_start3A_183 : memref<80xi32, #tpu.memory_space<hbm>>) target(%dma_start3A_182 : memref<80xi32, #tpu.memory_space<vmem>>) target_semaphore(%arg26 : memref<!tpu.dma_semaphore, #tpu.memory_space<semaphore_mem>>)
    %add3A_184 = arith.constant 560 : i32
    %add3A_185 = arith.addi %mul3A_2, %add3A_184 : i32
    %dma_start3A_186 = arith.constant 7 : i32
    %dma_start3A_187 = arith.constant 0 : i32
    %dma_start3A_188 = arith.constant 0 : i32
    %dma_start3A_189 = tpu.memref_slice %arg7[%dma_start3A_186, %dma_start3A_187, %dma_start3A_188] : memref<8x2x80xi32, #tpu.memory_space<vmem>> -> memref<1x1x80xi32, #tpu.memory_space<vmem>>
    %dma_start3A_190 = tpu.memref_squeeze %dma_start3A_189 : memref<1x1x80xi32, #tpu.memory_space<vmem>> -> memref<80xi32, #tpu.memory_space<vmem>>
    %dma_start3A_191 = tpu.memref_slice %arg2[%add3A_185] : memref<640000xi32, #tpu.memory_space<hbm>> -> memref<80xi32, #tpu.memory_space<hbm>>
    %dma_start3A_192 = arith.constant 0 : i32
    %dma_start3A_193 = tpu.memref_slice %arg7[%dma_start3A_186, %dma_start3A_187, %dma_start3A_192] : memref<8x2x80xi32, #tpu.memory_space<vmem>> -> memref<1x1x80xi32, #tpu.memory_space<vmem>>
    %dma_start3A_194 = tpu.memref_squeeze %dma_start3A_193 : memref<1x1x80xi32, #tpu.memory_space<vmem>> -> memref<80xi32, #tpu.memory_space<vmem>>
    %dma_start3A_195 = tpu.memref_slice %arg2[%add3A_185] : memref<640000xi32, #tpu.memory_space<hbm>> -> memref<80xi32, #tpu.memory_space<hbm>>
    tpu.enqueue_dma source(%dma_start3A_195 : memref<80xi32, #tpu.memory_space<hbm>>) target(%dma_start3A_194 : memref<80xi32, #tpu.memory_space<vmem>>) target_semaphore(%arg27 : memref<!tpu.dma_semaphore, #tpu.memory_space<semaphore_mem>>)
    %add3A_196 = arith.constant 320000 : i32
    %add3A_197 = arith.addi %add3A_196, %mul3A_2 : i32
    %add3A_198 = arith.constant 560 : i32
    %add3A_199 = arith.addi %add3A_197, %add3A_198 : i32
    %dma_start3A_200 = arith.constant 7 : i32
    %dma_start3A_201 = arith.constant 1 : i32
    %dma_start3A_202 = arith.constant 0 : i32
    %dma_start3A_203 = tpu.memref_slice %arg7[%dma_start3A_200, %dma_start3A_201, %dma_start3A_202] : memref<8x2x80xi32, #tpu.memory_space<vmem>> -> memref<1x1x80xi32, #tpu.memory_space<vmem>>
    %dma_start3A_204 = tpu.memref_squeeze %dma_start3A_203 : memref<1x1x80xi32, #tpu.memory_space<vmem>> -> memref<80xi32, #tpu.memory_space<vmem>>
    %dma_start3A_205 = tpu.memref_slice %arg2[%add3A_199] : memref<640000xi32, #tpu.memory_space<hbm>> -> memref<80xi32, #tpu.memory_space<hbm>>
    %dma_start3A_206 = arith.constant 0 : i32
    %dma_start3A_207 = tpu.memref_slice %arg7[%dma_start3A_200, %dma_start3A_201, %dma_start3A_206] : memref<8x2x80xi32, #tpu.memory_space<vmem>> -> memref<1x1x80xi32, #tpu.memory_space<vmem>>
    %dma_start3A_208 = tpu.memref_squeeze %dma_start3A_207 : memref<1x1x80xi32, #tpu.memory_space<vmem>> -> memref<80xi32, #tpu.memory_space<vmem>>
    %dma_start3A_209 = tpu.memref_slice %arg2[%add3A_199] : memref<640000xi32, #tpu.memory_space<hbm>> -> memref<80xi32, #tpu.memory_space<hbm>>
    tpu.enqueue_dma source(%dma_start3A_209 : memref<80xi32, #tpu.memory_space<hbm>>) target(%dma_start3A_208 : memref<80xi32, #tpu.memory_space<vmem>>) target_semaphore(%arg27 : memref<!tpu.dma_semaphore, #tpu.memory_space<semaphore_mem>>)
    %mul3A_210 = arith.constant 640 : i32
    %mul3A_211 = arith.muli %arg1, %mul3A_210 : i32
    %sub3A = arith.constant 10000 : i32
    %sub3A_212 = arith.subi %sub3A, %mul3A_211 : i32
    %min3A = arith.constant 640 : i32
    %min3A_213 = arith.minsi %min3A, %sub3A_212 : i32
    %max3A = arith.constant 0 : i32
    %max3A_214 = arith.maxsi %max3A, %min3A_213 : i32
    %jit3A = arith.constant 80 : i32
    %div3A = arith.divsi %max3A_214, %jit3A : i32
    %sign3A = arith.constant 0 : i32
    %sign3A_215 = arith.cmpi sgt, %max3A_214, %sign3A : i32
    %sign3A_216 = arith.extui %sign3A_215 : i1 to i32
    %sign3A_217 = arith.constant 0 : i32
    %sign3A_218 = arith.cmpi slt, %max3A_214, %sign3A_217 : i32
    %sign3A_219 = arith.extui %sign3A_218 : i1 to i32
    %sign3A_220 = arith.subi %sign3A_216, %sign3A_219 : i32
    %sign3A_221 = arith.constant 0 : i32
    %sign3A_222 = arith.cmpi sgt, %jit3A, %sign3A_221 : i32
    %sign3A_223 = arith.extui %sign3A_222 : i1 to i32
    %sign3A_224 = arith.constant 0 : i32
    %sign3A_225 = arith.cmpi slt, %jit3A, %sign3A_224 : i32
    %sign3A_226 = arith.extui %sign3A_225 : i1 to i32
    %sign3A_227 = arith.subi %sign3A_223, %sign3A_226 : i32
    %ne3A = arith.cmpi ne, %sign3A_220, %sign3A_227 : i32
    %rem3A = arith.remsi %max3A_214, %jit3A : i32
    %ne3A_228 = arith.constant 0 : i32
    %ne3A_229 = arith.cmpi ne, %rem3A, %ne3A_228 : i32
    %and3A = arith.andi %ne3A, %ne3A_229 : i1
    %sub3A_230 = arith.constant 1 : i32
    %sub3A_231 = arith.subi %div3A, %sub3A_230 : i32
    %select_n3A = arith.select %and3A, %sub3A_231, %div3A : i32
    %eq3A = arith.constant 0 : i32
    %eq3A_232 = arith.cmpi eq, %arg0, %eq3A : i32
    %convert_element_type3A = arith.extui %eq3A_232 : i1 to i32
    %cond3A = arith.constant 0 : i32
    %cond3A_233 = arith.cmpi ne, %convert_element_type3A, %cond3A : i32
    scf.if %cond3A_233 {
      %while3A = arith.constant 0 : i32
      %while3A_414 = arith.constant 0 : i32
      %while3A_415 = arith.subi %select_n3A, %while3A_414 : i32
      %while3A_416 = arith.addi %while3A_414, %while3A_415 : i32
      %while3A_417 = arith.constant 1 : i32
      %while3A_418 = arith.divsi %while3A_415, %while3A_417 : i32
      %while3A_419 = arith.muli %while3A_418, %while3A_417 : i32
      %while3A_420 = arith.addi %while3A_414, %while3A_419 : i32
      %while3A_421 = arith.constant 1 : i32
      scf.for %while3A_423 = %while3A_414 to %while3A_420 step %while3A_421  : i32 {
        %mul3A_424 = arith.constant 640 : i32
        %mul3A_425 = arith.muli %arg1, %mul3A_424 : i32
        %mul3A_426 = arith.constant 80 : i32
        %mul3A_427 = arith.muli %while3A_423, %mul3A_426 : i32
        %add3A_428 = arith.addi %mul3A_425, %mul3A_427 : i32
        "tpu.region"() ({
          %run_scoped3A = tpu.sem_alloc : memref<!tpu.dma_semaphore, #tpu.memory_space<semaphore_mem>>
          %dma_start3A_429 = arith.constant 0 : i32
          %dma_start3A_430 = tpu.memref_slice %arg6[%add3A_428, %dma_start3A_429] : memref<10240x128xf32, #tpu.memory_space<vmem_shared>> -> memref<80x128xf32, #tpu.memory_space<vmem_shared>>
          %dma_start3A_431 = arith.constant 0 : i32
          %dma_start3A_432 = tpu.memref_slice %arg3[%add3A_428, %dma_start3A_431] : memref<10000x128xf32, #tpu.memory_space<hbm>> -> memref<80x128xf32, #tpu.memory_space<hbm>>
          tpu.enqueue_dma source(%dma_start3A_432 : memref<80x128xf32, #tpu.memory_space<hbm>>) target(%dma_start3A_430 : memref<80x128xf32, #tpu.memory_space<vmem_shared>>) target_semaphore(%run_scoped3A : memref<!tpu.dma_semaphore, #tpu.memory_space<semaphore_mem>>)
          %dma_wait3A_433 = arith.constant 0 : i32
          %dma_wait3A_434 = tpu.memref_slice %arg6[%add3A_428, %dma_wait3A_433] : memref<10240x128xf32, #tpu.memory_space<vmem_shared>> -> memref<80x128xf32, #tpu.memory_space<vmem_shared>>
          %dma_wait3A_435 = arith.constant 0 : i32
          %dma_wait3A_436 = tpu.memref_slice %arg3[%add3A_428, %dma_wait3A_435] : memref<10000x128xf32, #tpu.memory_space<hbm>> -> memref<80x128xf32, #tpu.memory_space<hbm>>
          tpu.wait_dma2 semaphore(%run_scoped3A : memref<!tpu.dma_semaphore, #tpu.memory_space<semaphore_mem>>) src(%dma_wait3A_436 : memref<80x128xf32, #tpu.memory_space<hbm>>) dst(%dma_wait3A_434 : memref<80x128xf32, #tpu.memory_space<vmem_shared>>)
          tpu.yield
        }) : () -> ()
      }
      %while3A_422 = arith.constant 1 : i32
      scf.for %while3A_423 = %while3A_420 to %while3A_416 step %while3A_422  : i32 {
        %mul3A_424 = arith.constant 640 : i32
        %mul3A_425 = arith.muli %arg1, %mul3A_424 : i32
        %mul3A_426 = arith.constant 80 : i32
        %mul3A_427 = arith.muli %while3A_423, %mul3A_426 : i32
        %add3A_428 = arith.addi %mul3A_425, %mul3A_427 : i32
        "tpu.region"() ({
          %run_scoped3A = tpu.sem_alloc : memref<!tpu.dma_semaphore, #tpu.memory_space<semaphore_mem>>
          %dma_start3A_429 = arith.constant 0 : i32
          %dma_start3A_430 = tpu.memref_slice %arg6[%add3A_428, %dma_start3A_429] : memref<10240x128xf32, #tpu.memory_space<vmem_shared>> -> memref<80x128xf32, #tpu.memory_space<vmem_shared>>
          %dma_start3A_431 = arith.constant 0 : i32
          %dma_start3A_432 = tpu.memref_slice %arg3[%add3A_428, %dma_start3A_431] : memref<10000x128xf32, #tpu.memory_space<hbm>> -> memref<80x128xf32, #tpu.memory_space<hbm>>
          tpu.enqueue_dma source(%dma_start3A_432 : memref<80x128xf32, #tpu.memory_space<hbm>>) target(%dma_start3A_430 : memref<80x128xf32, #tpu.memory_space<vmem_shared>>) target_semaphore(%run_scoped3A : memref<!tpu.dma_semaphore, #tpu.memory_space<semaphore_mem>>)
          %dma_wait3A_433 = arith.constant 0 : i32
          %dma_wait3A_434 = tpu.memref_slice %arg6[%add3A_428, %dma_wait3A_433] : memref<10240x128xf32, #tpu.memory_space<vmem_shared>> -> memref<80x128xf32, #tpu.memory_space<vmem_shared>>
          %dma_wait3A_435 = arith.constant 0 : i32
          %dma_wait3A_436 = tpu.memref_slice %arg3[%add3A_428, %dma_wait3A_435] : memref<10000x128xf32, #tpu.memory_space<hbm>> -> memref<80x128xf32, #tpu.memory_space<hbm>>
          tpu.wait_dma2 semaphore(%run_scoped3A : memref<!tpu.dma_semaphore, #tpu.memory_space<semaphore_mem>>) src(%dma_wait3A_436 : memref<80x128xf32, #tpu.memory_space<hbm>>) dst(%dma_wait3A_434 : memref<80x128xf32, #tpu.memory_space<vmem_shared>>)
          tpu.yield
        }) : () -> ()
      }
    } else {
    }
    %eq3A_234 = arith.constant 1 : i32
    %eq3A_235 = arith.cmpi eq, %arg0, %eq3A_234 : i32
    %convert_element_type3A_236 = arith.extui %eq3A_235 : i1 to i32
    %cond3A_237 = arith.constant 0 : i32
    %cond3A_238 = arith.cmpi ne, %convert_element_type3A_236, %cond3A_237 : i32
    scf.if %cond3A_238 {
      %scan3A_414 = arith.constant 0 : i32
      %scan3A_415 = arith.constant 0 : i32
      %scan3A_416 = arith.constant 80 : i32
      %scan3A_417 = arith.addi %scan3A_415, %scan3A_416 : i32
      %scan3A_418 = arith.constant 1 : i32
      scf.for %scan3A_429 = %scan3A_415 to %scan3A_417 step %scan3A_418  : i32 {
        %scan3A_430 = arith.constant 0 : i32
        %scan3A_431 = arith.constant 0 : i32
        %scan3A_432 = arith.constant 8 : i32
        %scan3A_433 = arith.addi %scan3A_431, %scan3A_432 : i32
        %scan3A_434 = arith.constant 1 : i32
        scf.for %scan3A_436 = %scan3A_431 to %scan3A_433 step %scan3A_434  : i32 {
          %broadcast_in_dim3A = arith.constant 0.000000e+00 : f32
          %broadcast_in_dim3A_437 = vector.broadcast %broadcast_in_dim3A : f32 to vector<16xf32>
          %mul3A_438 = arith.constant 16 : i32
          %mul3A_439 = arith.muli %scan3A_436, %mul3A_438 : i32
          %swap3A = arith.index_cast %scan3A_429 : i32 to index
          %swap3A_440 = arith.index_cast %mul3A_439 : i32 to index
          %swap3A_441 = tpu.vector_load %arg8[%swap3A, %swap3A_440] {strides = array<i32>} : memref<80x128xf32, #tpu.memory_space<vmem>>, vector<1x16xf32>,
          %swap3A_442 = vector.shape_cast %swap3A_441 : vector<1x16xf32> to vector<16xf32>
          %swap3A_443 = vector.shape_cast %broadcast_in_dim3A_437 : vector<16xf32> to vector<1x16xf32>
          tpu.vector_store %arg8[%swap3A, %swap3A_440], %swap3A_443 {strides = array<i32>} : memref<80x128xf32, #tpu.memory_space<vmem>>, vector<1x16xf32>,
        }
        %scan3A_435 = arith.constant 8 : i32
      }
      %scan3A_419 = arith.constant 80 : i32
      %while3A = arith.constant 0 : i32
      %while3A_420 = arith.constant 0 : i32
      %while3A_421 = arith.subi %select_n3A, %while3A_420 : i32
      %while3A_422 = arith.addi %while3A_420, %while3A_421 : i32
      %while3A_423 = arith.constant 1 : i32
      %while3A_424 = arith.divsi %while3A_421, %while3A_423 : i32
      %while3A_425 = arith.muli %while3A_424, %while3A_423 : i32
      %while3A_426 = arith.addi %while3A_420, %while3A_425 : i32
      %while3A_427 = arith.constant 1 : i32
      scf.for %while3A_429 = %while3A_420 to %while3A_426 step %while3A_427  : i32 {
        %mul3A_430 = arith.constant 640 : i32
        %mul3A_431 = arith.muli %arg1, %mul3A_430 : i32
        %mul3A_432 = arith.constant 80 : i32
        %mul3A_433 = arith.muli %while3A_429, %mul3A_432 : i32
        %add3A_434 = arith.addi %mul3A_431, %mul3A_433 : i32
        "tpu.region"() ({
          %run_scoped3A = tpu.sem_alloc : memref<!tpu.dma_semaphore, #tpu.memory_space<semaphore_mem>>
          %dma_start3A_435 = arith.constant 0 : i32
          %dma_start3A_436 = tpu.memref_slice %arg6[%add3A_434, %dma_start3A_435] : memref<10240x128xf32, #tpu.memory_space<vmem_shared>> -> memref<80x128xf32, #tpu.memory_space<vmem_shared>>
          %dma_start3A_437 = arith.constant 0 : i32
          %dma_start3A_438 = tpu.memref_slice %arg6[%add3A_434, %dma_start3A_437] : memref<10240x128xf32, #tpu.memory_space<vmem_shared>> -> memref<80x128xf32, #tpu.memory_space<vmem_shared>>
          tpu.enqueue_dma source(%arg8 : memref<80x128xf32, #tpu.memory_space<vmem>>) target(%dma_start3A_438 : memref<80x128xf32, #tpu.memory_space<vmem_shared>>) target_semaphore(%run_scoped3A : memref<!tpu.dma_semaphore, #tpu.memory_space<semaphore_mem>>)
          %dma_wait3A_439 = arith.constant 0 : i32
          %dma_wait3A_440 = tpu.memref_slice %arg6[%add3A_434, %dma_wait3A_439] : memref<10240x128xf32, #tpu.memory_space<vmem_shared>> -> memref<80x128xf32, #tpu.memory_space<vmem_shared>>
          %dma_wait3A_441 = arith.constant 0 : i32
          %dma_wait3A_442 = tpu.memref_slice %arg6[%add3A_434, %dma_wait3A_441] : memref<10240x128xf32, #tpu.memory_space<vmem_shared>> -> memref<80x128xf32, #tpu.memory_space<vmem_shared>>
          tpu.wait_dma2 semaphore(%run_scoped3A : memref<!tpu.dma_semaphore, #tpu.memory_space<semaphore_mem>>) src(%arg8 : memref<80x128xf32, #tpu.memory_space<vmem>>) dst(%dma_wait3A_442 : memref<80x128xf32, #tpu.memory_space<vmem_shared>>)
          tpu.yield
        }) : () -> ()
      }
      %while3A_428 = arith.constant 1 : i32
      scf.for %while3A_429 = %while3A_426 to %while3A_422 step %while3A_428  : i32 {
        %mul3A_430 = arith.constant 640 : i32
        %mul3A_431 = arith.muli %arg1, %mul3A_430 : i32
        %mul3A_432 = arith.constant 80 : i32
        %mul3A_433 = arith.muli %while3A_429, %mul3A_432 : i32
        %add3A_434 = arith.addi %mul3A_431, %mul3A_433 : i32
        "tpu.region"() ({
          %run_scoped3A = tpu.sem_alloc : memref<!tpu.dma_semaphore, #tpu.memory_space<semaphore_mem>>
          %dma_start3A_435 = arith.constant 0 : i32
          %dma_start3A_436 = tpu.memref_slice %arg6[%add3A_434, %dma_start3A_435] : memref<10240x128xf32, #tpu.memory_space<vmem_shared>> -> memref<80x128xf32, #tpu.memory_space<vmem_shared>>
          %dma_start3A_437 = arith.constant 0 : i32
          %dma_start3A_438 = tpu.memref_slice %arg6[%add3A_434, %dma_start3A_437] : memref<10240x128xf32, #tpu.memory_space<vmem_shared>> -> memref<80x128xf32, #tpu.memory_space<vmem_shared>>
          tpu.enqueue_dma source(%arg8 : memref<80x128xf32, #tpu.memory_space<vmem>>) target(%dma_start3A_438 : memref<80x128xf32, #tpu.memory_space<vmem_shared>>) target_semaphore(%run_scoped3A : memref<!tpu.dma_semaphore, #tpu.memory_space<semaphore_mem>>)
          %dma_wait3A_439 = arith.constant 0 : i32
          %dma_wait3A_440 = tpu.memref_slice %arg6[%add3A_434, %dma_wait3A_439] : memref<10240x128xf32, #tpu.memory_space<vmem_shared>> -> memref<80x128xf32, #tpu.memory_space<vmem_shared>>
          %dma_wait3A_441 = arith.constant 0 : i32
          %dma_wait3A_442 = tpu.memref_slice %arg6[%add3A_434, %dma_wait3A_441] : memref<10240x128xf32, #tpu.memory_space<vmem_shared>> -> memref<80x128xf32, #tpu.memory_space<vmem_shared>>
          tpu.wait_dma2 semaphore(%run_scoped3A : memref<!tpu.dma_semaphore, #tpu.memory_space<semaphore_mem>>) src(%arg8 : memref<80x128xf32, #tpu.memory_space<vmem>>) dst(%dma_wait3A_442 : memref<80x128xf32, #tpu.memory_space<vmem_shared>>)
          tpu.yield
        }) : () -> ()
      }
    } else {
    }
    %dma_wait3A = arith.constant 0 : i32
    %dma_wait3A_239 = arith.constant 0 : i32
    %dma_wait3A_240 = arith.constant 0 : i32
    %dma_wait3A_241 = tpu.memref_slice %arg7[%dma_wait3A, %dma_wait3A_239, %dma_wait3A_240] : memref<8x2x80xi32, #tpu.memory_space<vmem>> -> memref<1x1x80xi32, #tpu.memory_space<vmem>>
    %dma_wait3A_242 = tpu.memref_squeeze %dma_wait3A_241 : memref<1x1x80xi32, #tpu.memory_space<vmem>> -> memref<80xi32, #tpu.memory_space<vmem>>
    %dma_wait3A_243 = arith.constant 0 : i32
    %dma_wait3A_244 = tpu.memref_slice %arg2[%dma_wait3A_243] : memref<640000xi32, #tpu.memory_space<hbm>> -> memref<80xi32, #tpu.memory_space<hbm>>
    %dma_wait3A_245 = arith.constant 0 : i32
    %dma_wait3A_246 = tpu.memref_slice %arg7[%dma_wait3A, %dma_wait3A_239, %dma_wait3A_245] : memref<8x2x80xi32, #tpu.memory_space<vmem>> -> memref<1x1x80xi32, #tpu.memory_space<vmem>>
    %dma_wait3A_247 = tpu.memref_squeeze %dma_wait3A_246 : memref<1x1x80xi32, #tpu.memory_space<vmem>> -> memref<80xi32, #tpu.memory_space<vmem>>
    %dma_wait3A_248 = arith.constant 0 : i32
    %dma_wait3A_249 = tpu.memref_slice %arg2[%dma_wait3A_248] : memref<640000xi32, #tpu.memory_space<hbm>> -> memref<80xi32, #tpu.memory_space<hbm>>
    tpu.wait_dma2 semaphore(%arg20 : memref<!tpu.dma_semaphore, #tpu.memory_space<semaphore_mem>>) src(%dma_wait3A_249 : memref<80xi32, #tpu.memory_space<hbm>>) dst(%dma_wait3A_247 : memref<80xi32, #tpu.memory_space<vmem>>)
    %dma_wait3A_250 = arith.constant 0 : i32
    %dma_wait3A_251 = arith.constant 1 : i32
    %dma_wait3A_252 = arith.constant 0 : i32
    %dma_wait3A_253 = tpu.memref_slice %arg7[%dma_wait3A_250, %dma_wait3A_251, %dma_wait3A_252] : memref<8x2x80xi32, #tpu.memory_space<vmem>> -> memref<1x1x80xi32, #tpu.memory_space<vmem>>
    %dma_wait3A_254 = tpu.memref_squeeze %dma_wait3A_253 : memref<1x1x80xi32, #tpu.memory_space<vmem>> -> memref<80xi32, #tpu.memory_space<vmem>>
    %dma_wait3A_255 = arith.constant 0 : i32
    %dma_wait3A_256 = tpu.memref_slice %arg2[%dma_wait3A_255] : memref<640000xi32, #tpu.memory_space<hbm>> -> memref<80xi32, #tpu.memory_space<hbm>>
    %dma_wait3A_257 = arith.constant 0 : i32
    %dma_wait3A_258 = tpu.memref_slice %arg7[%dma_wait3A_250, %dma_wait3A_251, %dma_wait3A_257] : memref<8x2x80xi32, #tpu.memory_space<vmem>> -> memref<1x1x80xi32, #tpu.memory_space<vmem>>
    %dma_wait3A_259 = tpu.memref_squeeze %dma_wait3A_258 : memref<1x1x80xi32, #tpu.memory_space<vmem>> -> memref<80xi32, #tpu.memory_space<vmem>>
    %dma_wait3A_260 = arith.constant 0 : i32
    %dma_wait3A_261 = tpu.memref_slice %arg2[%dma_wait3A_260] : memref<640000xi32, #tpu.memory_space<hbm>> -> memref<80xi32, #tpu.memory_space<hbm>>
    tpu.wait_dma2 semaphore(%arg20 : memref<!tpu.dma_semaphore, #tpu.memory_space<semaphore_mem>>) src(%dma_wait3A_261 : memref<80xi32, #tpu.memory_space<hbm>>) dst(%dma_wait3A_259 : memref<80xi32, #tpu.memory_space<vmem>>)
    %dma_start3A_262 = arith.constant 0 : i32
    %dma_start3A_263 = arith.constant 0 : i32
    %dma_start3A_264 = arith.constant 0 : i32
    %dma_start3A_265 = tpu.memref_slice %arg7[%dma_start3A_262, %dma_start3A_263, %dma_start3A_264] : memref<8x2x80xi32, #tpu.memory_space<vmem>> -> memref<1x1x80xi32, #tpu.memory_space<vmem>>
    %dma_start3A_266 = tpu.memref_squeeze %dma_start3A_265 : memref<1x1x80xi32, #tpu.memory_space<vmem>> -> memref<80xi32, #tpu.memory_space<vmem>>
    %dma_start3A_267 = arith.constant 0 : i32
    %dma_start3A_268 = arith.constant 0 : i32
    %dma_start3A_269 = tpu.memref_slice %arg3[%dma_start3A_267, %dma_start3A_268] : memref<10000x128xf32, #tpu.memory_space<hbm>> -> memref<10000x128xf32, #tpu.memory_space<hbm>>
    tpu.enqueue_indirect_dma source(%dma_start3A_269 : memref<10000x128xf32, #tpu.memory_space<hbm>>) target(%arg8 : memref<80x128xf32, #tpu.memory_space<vmem>>) offsets(%dma_start3A_266 : memref<80xi32, #tpu.memory_space<vmem>>) semaphore(%arg12 : memref<!tpu.dma_semaphore, #tpu.memory_space<semaphore_mem>>)
    %dma_wait3A_270 = arith.constant 2 : i32
    %dma_wait3A_271 = arith.constant 0 : i32
    %dma_wait3A_272 = arith.constant 0 : i32
    %dma_wait3A_273 = tpu.memref_slice %arg7[%dma_wait3A_270, %dma_wait3A_271, %dma_wait3A_272] : memref<8x2x80xi32, #tpu.memory_space<vmem>> -> memref<1x1x80xi32, #tpu.memory_space<vmem>>
    %dma_wait3A_274 = tpu.memref_squeeze %dma_wait3A_273 : memref<1x1x80xi32, #tpu.memory_space<vmem>> -> memref<80xi32, #tpu.memory_space<vmem>>
    %dma_wait3A_275 = arith.constant 0 : i32
    %dma_wait3A_276 = tpu.memref_slice %arg2[%dma_wait3A_275] : memref<640000xi32, #tpu.memory_space<hbm>> -> memref<80xi32, #tpu.memory_space<hbm>>
    %dma_wait3A_277 = arith.constant 0 : i32
    %dma_wait3A_278 = tpu.memref_slice %arg7[%dma_wait3A_270, %dma_wait3A_271, %dma_wait3A_277] : memref<8x2x80xi32, #tpu.memory_space<vmem>> -> memref<1x1x80xi32, #tpu.memory_space<vmem>>
    %dma_wait3A_279 = tpu.memref_squeeze %dma_wait3A_278 : memref<1x1x80xi32, #tpu.memory_space<vmem>> -> memref<80xi32, #tpu.memory_space<vmem>>
    %dma_wait3A_280 = arith.constant 0 : i32
    %dma_wait3A_281 = tpu.memref_slice %arg2[%dma_wait3A_280] : memref<640000xi32, #tpu.memory_space<hbm>> -> memref<80xi32, #tpu.memory_space<hbm>>
    tpu.wait_dma2 semaphore(%arg22 : memref<!tpu.dma_semaphore, #tpu.memory_space<semaphore_mem>>) src(%dma_wait3A_281 : memref<80xi32, #tpu.memory_space<hbm>>) dst(%dma_wait3A_279 : memref<80xi32, #tpu.memory_space<vmem>>)
    %dma_wait3A_282 = arith.constant 2 : i32
    %dma_wait3A_283 = arith.constant 1 : i32
    %dma_wait3A_284 = arith.constant 0 : i32
    %dma_wait3A_285 = tpu.memref_slice %arg7[%dma_wait3A_282, %dma_wait3A_283, %dma_wait3A_284] : memref<8x2x80xi32, #tpu.memory_space<vmem>> -> memref<1x1x80xi32, #tpu.memory_space<vmem>>
    %dma_wait3A_286 = tpu.memref_squeeze %dma_wait3A_285 : memref<1x1x80xi32, #tpu.memory_space<vmem>> -> memref<80xi32, #tpu.memory_space<vmem>>
    %dma_wait3A_287 = arith.constant 0 : i32
    %dma_wait3A_288 = tpu.memref_slice %arg2[%dma_wait3A_287] : memref<640000xi32, #tpu.memory_space<hbm>> -> memref<80xi32, #tpu.memory_space<hbm>>
    %dma_wait3A_289 = arith.constant 0 : i32
    %dma_wait3A_290 = tpu.memref_slice %arg7[%dma_wait3A_282, %dma_wait3A_283, %dma_wait3A_289] : memref<8x2x80xi32, #tpu.memory_space<vmem>> -> memref<1x1x80xi32, #tpu.memory_space<vmem>>
    %dma_wait3A_291 = tpu.memref_squeeze %dma_wait3A_290 : memref<1x1x80xi32, #tpu.memory_space<vmem>> -> memref<80xi32, #tpu.memory_space<vmem>>
    %dma_wait3A_292 = arith.constant 0 : i32
    %dma_wait3A_293 = tpu.memref_slice %arg2[%dma_wait3A_292] : memref<640000xi32, #tpu.memory_space<hbm>> -> memref<80xi32, #tpu.memory_space<hbm>>
    tpu.wait_dma2 semaphore(%arg22 : memref<!tpu.dma_semaphore, #tpu.memory_space<semaphore_mem>>) src(%dma_wait3A_293 : memref<80xi32, #tpu.memory_space<hbm>>) dst(%dma_wait3A_291 : memref<80xi32, #tpu.memory_space<vmem>>)
    %dma_start3A_294 = arith.constant 2 : i32
    %dma_start3A_295 = arith.constant 0 : i32
    %dma_start3A_296 = arith.constant 0 : i32
    %dma_start3A_297 = tpu.memref_slice %arg7[%dma_start3A_294, %dma_start3A_295, %dma_start3A_296] : memref<8x2x80xi32, #tpu.memory_space<vmem>> -> memref<1x1x80xi32, #tpu.memory_space<vmem>>
    %dma_start3A_298 = tpu.memref_squeeze %dma_start3A_297 : memref<1x1x80xi32, #tpu.memory_space<vmem>> -> memref<80xi32, #tpu.memory_space<vmem>>
    %dma_start3A_299 = arith.constant 0 : i32
    %dma_start3A_300 = arith.constant 0 : i32
    %dma_start3A_301 = tpu.memref_slice %arg3[%dma_start3A_299, %dma_start3A_300] : memref<10000x128xf32, #tpu.memory_space<hbm>> -> memref<10000x128xf32, #tpu.memory_space<hbm>>
    tpu.enqueue_indirect_dma source(%dma_start3A_301 : memref<10000x128xf32, #tpu.memory_space<hbm>>) target(%arg9 : memref<80x128xf32, #tpu.memory_space<vmem>>) offsets(%dma_start3A_298 : memref<80xi32, #tpu.memory_space<vmem>>) semaphore(%arg13 : memref<!tpu.dma_semaphore, #tpu.memory_space<semaphore_mem>>)
    %dma_wait3A_302 = arith.constant 4 : i32
    %dma_wait3A_303 = arith.constant 0 : i32
    %dma_wait3A_304 = arith.constant 0 : i32
    %dma_wait3A_305 = tpu.memref_slice %arg7[%dma_wait3A_302, %dma_wait3A_303, %dma_wait3A_304] : memref<8x2x80xi32, #tpu.memory_space<vmem>> -> memref<1x1x80xi32, #tpu.memory_space<vmem>>
    %dma_wait3A_306 = tpu.memref_squeeze %dma_wait3A_305 : memref<1x1x80xi32, #tpu.memory_space<vmem>> -> memref<80xi32, #tpu.memory_space<vmem>>
    %dma_wait3A_307 = arith.constant 0 : i32
    %dma_wait3A_308 = tpu.memref_slice %arg2[%dma_wait3A_307] : memref<640000xi32, #tpu.memory_space<hbm>> -> memref<80xi32, #tpu.memory_space<hbm>>
    %dma_wait3A_309 = arith.constant 0 : i32
    %dma_wait3A_310 = tpu.memref_slice %arg7[%dma_wait3A_302, %dma_wait3A_303, %dma_wait3A_309] : memref<8x2x80xi32, #tpu.memory_space<vmem>> -> memref<1x1x80xi32, #tpu.memory_space<vmem>>
    %dma_wait3A_311 = tpu.memref_squeeze %dma_wait3A_310 : memref<1x1x80xi32, #tpu.memory_space<vmem>> -> memref<80xi32, #tpu.memory_space<vmem>>
    %dma_wait3A_312 = arith.constant 0 : i32
    %dma_wait3A_313 = tpu.memref_slice %arg2[%dma_wait3A_312] : memref<640000xi32, #tpu.memory_space<hbm>> -> memref<80xi32, #tpu.memory_space<hbm>>
    tpu.wait_dma2 semaphore(%arg24 : memref<!tpu.dma_semaphore, #tpu.memory_space<semaphore_mem>>) src(%dma_wait3A_313 : memref<80xi32, #tpu.memory_space<hbm>>) dst(%dma_wait3A_311 : memref<80xi32, #tpu.memory_space<vmem>>)
    %dma_wait3A_314 = arith.constant 4 : i32
    %dma_wait3A_315 = arith.constant 1 : i32
    %dma_wait3A_316 = arith.constant 0 : i32
    %dma_wait3A_317 = tpu.memref_slice %arg7[%dma_wait3A_314, %dma_wait3A_315, %dma_wait3A_316] : memref<8x2x80xi32, #tpu.memory_space<vmem>> -> memref<1x1x80xi32, #tpu.memory_space<vmem>>
    %dma_wait3A_318 = tpu.memref_squeeze %dma_wait3A_317 : memref<1x1x80xi32, #tpu.memory_space<vmem>> -> memref<80xi32, #tpu.memory_space<vmem>>
    %dma_wait3A_319 = arith.constant 0 : i32
    %dma_wait3A_320 = tpu.memref_slice %arg2[%dma_wait3A_319] : memref<640000xi32, #tpu.memory_space<hbm>> -> memref<80xi32, #tpu.memory_space<hbm>>
    %dma_wait3A_321 = arith.constant 0 : i32
    %dma_wait3A_322 = tpu.memref_slice %arg7[%dma_wait3A_314, %dma_wait3A_315, %dma_wait3A_321] : memref<8x2x80xi32, #tpu.memory_space<vmem>> -> memref<1x1x80xi32, #tpu.memory_space<vmem>>
    %dma_wait3A_323 = tpu.memref_squeeze %dma_wait3A_322 : memref<1x1x80xi32, #tpu.memory_space<vmem>> -> memref<80xi32, #tpu.memory_space<vmem>>
    %dma_wait3A_324 = arith.constant 0 : i32
    %dma_wait3A_325 = tpu.memref_slice %arg2[%dma_wait3A_324] : memref<640000xi32, #tpu.memory_space<hbm>> -> memref<80xi32, #tpu.memory_space<hbm>>
    tpu.wait_dma2 semaphore(%arg24 : memref<!tpu.dma_semaphore, #tpu.memory_space<semaphore_mem>>) src(%dma_wait3A_325 : memref<80xi32, #tpu.memory_space<hbm>>) dst(%dma_wait3A_323 : memref<80xi32, #tpu.memory_space<vmem>>)
    %dma_start3A_326 = arith.constant 4 : i32
    %dma_start3A_327 = arith.constant 0 : i32
    %dma_start3A_328 = arith.constant 0 : i32
    %dma_start3A_329 = tpu.memref_slice %arg7[%dma_start3A_326, %dma_start3A_327, %dma_start3A_328] : memref<8x2x80xi32, #tpu.memory_space<vmem>> -> memref<1x1x80xi32, #tpu.memory_space<vmem>>
    %dma_start3A_330 = tpu.memref_squeeze %dma_start3A_329 : memref<1x1x80xi32, #tpu.memory_space<vmem>> -> memref<80xi32, #tpu.memory_space<vmem>>
    %dma_start3A_331 = arith.constant 0 : i32
    %dma_start3A_332 = arith.constant 0 : i32
    %dma_start3A_333 = tpu.memref_slice %arg3[%dma_start3A_331, %dma_start3A_332] : memref<10000x128xf32, #tpu.memory_space<hbm>> -> memref<10000x128xf32, #tpu.memory_space<hbm>>
    tpu.enqueue_indirect_dma source(%dma_start3A_333 : memref<10000x128xf32, #tpu.memory_space<hbm>>) target(%arg10 : memref<80x128xf32, #tpu.memory_space<vmem>>) offsets(%dma_start3A_330 : memref<80xi32, #tpu.memory_space<vmem>>) semaphore(%arg14 : memref<!tpu.dma_semaphore, #tpu.memory_space<semaphore_mem>>)
    %dma_wait3A_334 = arith.constant 6 : i32
    %dma_wait3A_335 = arith.constant 0 : i32
    %dma_wait3A_336 = arith.constant 0 : i32
    %dma_wait3A_337 = tpu.memref_slice %arg7[%dma_wait3A_334, %dma_wait3A_335, %dma_wait3A_336] : memref<8x2x80xi32, #tpu.memory_space<vmem>> -> memref<1x1x80xi32, #tpu.memory_space<vmem>>
    %dma_wait3A_338 = tpu.memref_squeeze %dma_wait3A_337 : memref<1x1x80xi32, #tpu.memory_space<vmem>> -> memref<80xi32, #tpu.memory_space<vmem>>
    %dma_wait3A_339 = arith.constant 0 : i32
    %dma_wait3A_340 = tpu.memref_slice %arg2[%dma_wait3A_339] : memref<640000xi32, #tpu.memory_space<hbm>> -> memref<80xi32, #tpu.memory_space<hbm>>
    %dma_wait3A_341 = arith.constant 0 : i32
    %dma_wait3A_342 = tpu.memref_slice %arg7[%dma_wait3A_334, %dma_wait3A_335, %dma_wait3A_341] : memref<8x2x80xi32, #tpu.memory_space<vmem>> -> memref<1x1x80xi32, #tpu.memory_space<vmem>>
    %dma_wait3A_343 = tpu.memref_squeeze %dma_wait3A_342 : memref<1x1x80xi32, #tpu.memory_space<vmem>> -> memref<80xi32, #tpu.memory_space<vmem>>
    %dma_wait3A_344 = arith.constant 0 : i32
    %dma_wait3A_345 = tpu.memref_slice %arg2[%dma_wait3A_344] : memref<640000xi32, #tpu.memory_space<hbm>> -> memref<80xi32, #tpu.memory_space<hbm>>
    tpu.wait_dma2 semaphore(%arg26 : memref<!tpu.dma_semaphore, #tpu.memory_space<semaphore_mem>>) src(%dma_wait3A_345 : memref<80xi32, #tpu.memory_space<hbm>>) dst(%dma_wait3A_343 : memref<80xi32, #tpu.memory_space<vmem>>)
    %dma_wait3A_346 = arith.constant 6 : i32
    %dma_wait3A_347 = arith.constant 1 : i32
    %dma_wait3A_348 = arith.constant 0 : i32
    %dma_wait3A_349 = tpu.memref_slice %arg7[%dma_wait3A_346, %dma_wait3A_347, %dma_wait3A_348] : memref<8x2x80xi32, #tpu.memory_space<vmem>> -> memref<1x1x80xi32, #tpu.memory_space<vmem>>
    %dma_wait3A_350 = tpu.memref_squeeze %dma_wait3A_349 : memref<1x1x80xi32, #tpu.memory_space<vmem>> -> memref<80xi32, #tpu.memory_space<vmem>>
    %dma_wait3A_351 = arith.constant 0 : i32
    %dma_wait3A_352 = tpu.memref_slice %arg2[%dma_wait3A_351] : memref<640000xi32, #tpu.memory_space<hbm>> -> memref<80xi32, #tpu.memory_space<hbm>>
    %dma_wait3A_353 = arith.constant 0 : i32
    %dma_wait3A_354 = tpu.memref_slice %arg7[%dma_wait3A_346, %dma_wait3A_347, %dma_wait3A_353] : memref<8x2x80xi32, #tpu.memory_space<vmem>> -> memref<1x1x80xi32, #tpu.memory_space<vmem>>
    %dma_wait3A_355 = tpu.memref_squeeze %dma_wait3A_354 : memref<1x1x80xi32, #tpu.memory_space<vmem>> -> memref<80xi32, #tpu.memory_space<vmem>>
    %dma_wait3A_356 = arith.constant 0 : i32
    %dma_wait3A_357 = tpu.memref_slice %arg2[%dma_wait3A_356] : memref<640000xi32, #tpu.memory_space<hbm>> -> memref<80xi32, #tpu.memory_space<hbm>>
    tpu.wait_dma2 semaphore(%arg26 : memref<!tpu.dma_semaphore, #tpu.memory_space<semaphore_mem>>) src(%dma_wait3A_357 : memref<80xi32, #tpu.memory_space<hbm>>) dst(%dma_wait3A_355 : memref<80xi32, #tpu.memory_space<vmem>>)
    %dma_start3A_358 = arith.constant 6 : i32
    %dma_start3A_359 = arith.constant 0 : i32
    %dma_start3A_360 = arith.constant 0 : i32
    %dma_start3A_361 = tpu.memref_slice %arg7[%dma_start3A_358, %dma_start3A_359, %dma_start3A_360] : memref<8x2x80xi32, #tpu.memory_space<vmem>> -> memref<1x1x80xi32, #tpu.memory_space<vmem>>
    %dma_start3A_362 = tpu.memref_squeeze %dma_start3A_361 : memref<1x1x80xi32, #tpu.memory_space<vmem>> -> memref<80xi32, #tpu.memory_space<vmem>>
    %dma_start3A_363 = arith.constant 0 : i32
    %dma_start3A_364 = arith.constant 0 : i32
    %dma_start3A_365 = tpu.memref_slice %arg3[%dma_start3A_363, %dma_start3A_364] : memref<10000x128xf32, #tpu.memory_space<hbm>> -> memref<10000x128xf32, #tpu.memory_space<hbm>>
    tpu.enqueue_indirect_dma source(%dma_start3A_365 : memref<10000x128xf32, #tpu.memory_space<hbm>>) target(%arg11 : memref<80x128xf32, #tpu.memory_space<vmem>>) offsets(%dma_start3A_362 : memref<80xi32, #tpu.memory_space<vmem>>) semaphore(%arg15 : memref<!tpu.dma_semaphore, #tpu.memory_space<semaphore_mem>>)
    %barrier3A = arith.constant 0 : index
    tpu.barrier barrier_id(%barrier3A)
    %scan3A = arith.constant 0 : i32
    %scan3A_366 = arith.constant 0 : i32
    %scan3A_367 = arith.constant 16 : i32
    %scan3A_368 = arith.addi %scan3A_366, %scan3A_367 : i32
    %scan3A_369 = arith.constant 1 : i32
    scf.for %scan3A_414 = %scan3A_366 to %scan3A_368 step %scan3A_369  : i32 {
      %mul3A_415 = arith.constant 8 : i32
      %mul3A_416 = arith.muli %mul3A_415, %scan3A_414 : i32
      %add3A_417 = arith.constant 0 : i32
      %add3A_418 = arith.addi %mul3A_416, %add3A_417 : i32
      %lt3A = arith.constant 125 : i32
      %lt3A_419 = arith.cmpi slt, %add3A_418, %lt3A : i32
      %convert_element_type3A_420 = arith.extui %lt3A_419 : i1 to i32
      %cond3A_421 = arith.constant 0 : i32
      %cond3A_422 = arith.cmpi ne, %convert_element_type3A_420, %cond3A_421 : i32
      scf.if %cond3A_422 {
        %dma_wait3A_486 = arith.constant 0 : i32
        %dma_wait3A_487 = arith.constant 0 : i32
        %dma_wait3A_488 = arith.constant 0 : i32
        %dma_wait3A_489 = tpu.memref_slice %arg7[%dma_wait3A_486, %dma_wait3A_487, %dma_wait3A_488] : memref<8x2x80xi32, #tpu.memory_space<vmem>> -> memref<1x1x80xi32, #tpu.memory_space<vmem>>
        %dma_wait3A_490 = tpu.memref_squeeze %dma_wait3A_489 : memref<1x1x80xi32, #tpu.memory_space<vmem>> -> memref<80xi32, #tpu.memory_space<vmem>>
        %dma_wait3A_491 = arith.constant 0 : i32
        %dma_wait3A_492 = arith.constant 0 : i32
        %dma_wait3A_493 = tpu.memref_slice %arg3[%dma_wait3A_491, %dma_wait3A_492] : memref<10000x128xf32, #tpu.memory_space<hbm>> -> memref<10000x128xf32, #tpu.memory_space<hbm>>
        tpu.wait_indirect_dma semaphore(%arg12 : memref<!tpu.dma_semaphore, #tpu.memory_space<semaphore_mem>>) src(%dma_wait3A_493 : memref<10000x128xf32, #tpu.memory_space<hbm>>) dst(%arg8 : memref<80x128xf32, #tpu.memory_space<vmem>>)
        %dma_start3A_494 = arith.constant 0 : i32
        %dma_start3A_495 = arith.constant 1 : i32
        %dma_start3A_496 = arith.constant 0 : i32
        %dma_start3A_497 = tpu.memref_slice %arg7[%dma_start3A_494, %dma_start3A_495, %dma_start3A_496] : memref<8x2x80xi32, #tpu.memory_space<vmem>> -> memref<1x1x80xi32, #tpu.memory_space<vmem>>
        %dma_start3A_498 = tpu.memref_squeeze %dma_start3A_497 : memref<1x1x80xi32, #tpu.memory_space<vmem>> -> memref<80xi32, #tpu.memory_space<vmem>>
        %dma_start3A_499 = arith.constant 0 : i32
        %dma_start3A_500 = arith.constant 0 : i32
        %dma_start3A_501 = tpu.memref_slice %arg6[%dma_start3A_499, %dma_start3A_500] : memref<10240x128xf32, #tpu.memory_space<vmem_shared>> -> memref<10240x128xf32, #tpu.memory_space<vmem_shared>>
        tpu.enqueue_indirect_dma source(%arg8 : memref<80x128xf32, #tpu.memory_space<vmem>>) target(%dma_start3A_501 : memref<10240x128xf32, #tpu.memory_space<vmem_shared>>) offsets(%dma_start3A_498 : memref<80xi32, #tpu.memory_space<vmem>>) semaphore(%arg16 : memref<!tpu.dma_semaphore, #tpu.memory_space<semaphore_mem>>) {add = true}
        %add3A_502 = arith.constant 4 : i32
        %add3A_503 = arith.addi %add3A_418, %add3A_502 : i32
        %lt3A_504 = arith.constant 125 : i32
        %lt3A_505 = arith.cmpi slt, %add3A_503, %lt3A_504 : i32
        %convert_element_type3A_506 = arith.extui %lt3A_505 : i1 to i32
        %cond3A_507 = arith.constant 0 : i32
        %cond3A_508 = arith.cmpi ne, %convert_element_type3A_506, %cond3A_507 : i32
        scf.if %cond3A_508 {
          %dma_wait3A_509 = arith.constant 0 : i32
          %dma_wait3A_510 = arith.constant 1 : i32
          %dma_wait3A_511 = arith.constant 0 : i32
          %dma_wait3A_512 = tpu.memref_slice %arg7[%dma_wait3A_509, %dma_wait3A_510, %dma_wait3A_511] : memref<8x2x80xi32, #tpu.memory_space<vmem>> -> memref<1x1x80xi32, #tpu.memory_space<vmem>>
          %dma_wait3A_513 = tpu.memref_squeeze %dma_wait3A_512 : memref<1x1x80xi32, #tpu.memory_space<vmem>> -> memref<80xi32, #tpu.memory_space<vmem>>
          %dma_wait3A_514 = arith.constant 0 : i32
          %dma_wait3A_515 = arith.constant 0 : i32
          %dma_wait3A_516 = tpu.memref_slice %arg6[%dma_wait3A_514, %dma_wait3A_515] : memref<10240x128xf32, #tpu.memory_space<vmem_shared>> -> memref<10240x128xf32, #tpu.memory_space<vmem_shared>>
          tpu.wait_indirect_dma semaphore(%arg16 : memref<!tpu.dma_semaphore, #tpu.memory_space<semaphore_mem>>) src(%arg8 : memref<80x128xf32, #tpu.memory_space<vmem>>) dst(%dma_wait3A_516 : memref<10240x128xf32, #tpu.memory_space<vmem_shared>>)
          %add3A_517 = arith.constant 8 : i32
          %add3A_518 = arith.addi %add3A_418, %add3A_517 : i32
          %lt3A_519 = arith.constant 125 : i32
          %lt3A_520 = arith.cmpi slt, %add3A_518, %lt3A_519 : i32
          %convert_element_type3A_521 = arith.extui %lt3A_520 : i1 to i32
          %cond3A_522 = arith.constant 0 : i32
          %cond3A_523 = arith.cmpi ne, %convert_element_type3A_521, %cond3A_522 : i32
          scf.if %cond3A_523 {
            %add3A_556 = arith.constant 8 : i32
            %add3A_557 = arith.addi %add3A_418, %add3A_556 : i32
            %mul3A_558 = arith.constant 80 : i32
            %mul3A_559 = arith.muli %add3A_557, %mul3A_558 : i32
            %add3A_560 = arith.addi %mul3A_2, %mul3A_559 : i32
            %dma_start3A_561 = arith.constant 0 : i32
            %dma_start3A_562 = arith.constant 0 : i32
            %dma_start3A_563 = arith.constant 0 : i32
            %dma_start3A_564 = tpu.memref_slice %arg7[%dma_start3A_561, %dma_start3A_562, %dma_start3A_563] : memref<8x2x80xi32, #tpu.memory_space<vmem>> -> memref<1x1x80xi32, #tpu.memory_space<vmem>>
            %dma_start3A_565 = tpu.memref_squeeze %dma_start3A_564 : memref<1x1x80xi32, #tpu.memory_space<vmem>> -> memref<80xi32, #tpu.memory_space<vmem>>
            %dma_start3A_566 = tpu.memref_slice %arg2[%add3A_560] : memref<640000xi32, #tpu.memory_space<hbm>> -> memref<80xi32, #tpu.memory_space<hbm>>
            %dma_start3A_567 = arith.constant 0 : i32
            %dma_start3A_568 = tpu.memref_slice %arg7[%dma_start3A_561, %dma_start3A_562, %dma_start3A_567] : memref<8x2x80xi32, #tpu.memory_space<vmem>> -> memref<1x1x80xi32, #tpu.memory_space<vmem>>
            %dma_start3A_569 = tpu.memref_squeeze %dma_start3A_568 : memref<1x1x80xi32, #tpu.memory_space<vmem>> -> memref<80xi32, #tpu.memory_space<vmem>>
            %dma_start3A_570 = tpu.memref_slice %arg2[%add3A_560] : memref<640000xi32, #tpu.memory_space<hbm>> -> memref<80xi32, #tpu.memory_space<hbm>>
            tpu.enqueue_dma source(%dma_start3A_570 : memref<80xi32, #tpu.memory_space<hbm>>) target(%dma_start3A_569 : memref<80xi32, #tpu.memory_space<vmem>>) target_semaphore(%arg20 : memref<!tpu.dma_semaphore, #tpu.memory_space<semaphore_mem>>)
            %add3A_571 = arith.constant 320000 : i32
            %add3A_572 = arith.addi %add3A_571, %mul3A_2 : i32
            %mul3A_573 = arith.constant 80 : i32
            %mul3A_574 = arith.muli %add3A_557, %mul3A_573 : i32
            %add3A_575 = arith.addi %add3A_572, %mul3A_574 : i32
            %dma_start3A_576 = arith.constant 0 : i32
            %dma_start3A_577 = arith.constant 1 : i32
            %dma_start3A_578 = arith.constant 0 : i32
            %dma_start3A_579 = tpu.memref_slice %arg7[%dma_start3A_576, %dma_start3A_577, %dma_start3A_578] : memref<8x2x80xi32, #tpu.memory_space<vmem>> -> memref<1x1x80xi32, #tpu.memory_space<vmem>>
            %dma_start3A_580 = tpu.memref_squeeze %dma_start3A_579 : memref<1x1x80xi32, #tpu.memory_space<vmem>> -> memref<80xi32, #tpu.memory_space<vmem>>
            %dma_start3A_581 = tpu.memref_slice %arg2[%add3A_575] : memref<640000xi32, #tpu.memory_space<hbm>> -> memref<80xi32, #tpu.memory_space<hbm>>
            %dma_start3A_582 = arith.constant 0 : i32
            %dma_start3A_583 = tpu.memref_slice %arg7[%dma_start3A_576, %dma_start3A_577, %dma_start3A_582] : memref<8x2x80xi32, #tpu.memory_space<vmem>> -> memref<1x1x80xi32, #tpu.memory_space<vmem>>
            %dma_start3A_584 = tpu.memref_squeeze %dma_start3A_583 : memref<1x1x80xi32, #tpu.memory_space<vmem>> -> memref<80xi32, #tpu.memory_space<vmem>>
            %dma_start3A_585 = tpu.memref_slice %arg2[%add3A_575] : memref<640000xi32, #tpu.memory_space<hbm>> -> memref<80xi32, #tpu.memory_space<hbm>>
            tpu.enqueue_dma source(%dma_start3A_585 : memref<80xi32, #tpu.memory_space<hbm>>) target(%dma_start3A_584 : memref<80xi32, #tpu.memory_space<vmem>>) target_semaphore(%arg20 : memref<!tpu.dma_semaphore, #tpu.memory_space<semaphore_mem>>)
          } else {
          }
          %dma_wait3A_524 = arith.constant 1 : i32
          %dma_wait3A_525 = arith.constant 0 : i32
          %dma_wait3A_526 = arith.constant 0 : i32
          %dma_wait3A_527 = tpu.memref_slice %arg7[%dma_wait3A_524, %dma_wait3A_525, %dma_wait3A_526] : memref<8x2x80xi32, #tpu.memory_space<vmem>> -> memref<1x1x80xi32, #tpu.memory_space<vmem>>
          %dma_wait3A_528 = tpu.memref_squeeze %dma_wait3A_527 : memref<1x1x80xi32, #tpu.memory_space<vmem>> -> memref<80xi32, #tpu.memory_space<vmem>>
          %dma_wait3A_529 = arith.constant 0 : i32
          %dma_wait3A_530 = tpu.memref_slice %arg2[%dma_wait3A_529] : memref<640000xi32, #tpu.memory_space<hbm>> -> memref<80xi32, #tpu.memory_space<hbm>>
          %dma_wait3A_531 = arith.constant 0 : i32
          %dma_wait3A_532 = tpu.memref_slice %arg7[%dma_wait3A_524, %dma_wait3A_525, %dma_wait3A_531] : memref<8x2x80xi32, #tpu.memory_space<vmem>> -> memref<1x1x80xi32, #tpu.memory_space<vmem>>
          %dma_wait3A_533 = tpu.memref_squeeze %dma_wait3A_532 : memref<1x1x80xi32, #tpu.memory_space<vmem>> -> memref<80xi32, #tpu.memory_space<vmem>>
          %dma_wait3A_534 = arith.constant 0 : i32
          %dma_wait3A_535 = tpu.memref_slice %arg2[%dma_wait3A_534] : memref<640000xi32, #tpu.memory_space<hbm>> -> memref<80xi32, #tpu.memory_space<hbm>>
          tpu.wait_dma2 semaphore(%arg21 : memref<!tpu.dma_semaphore, #tpu.memory_space<semaphore_mem>>) src(%dma_wait3A_535 : memref<80xi32, #tpu.memory_space<hbm>>) dst(%dma_wait3A_533 : memref<80xi32, #tpu.memory_space<vmem>>)
          %dma_wait3A_536 = arith.constant 1 : i32
          %dma_wait3A_537 = arith.constant 1 : i32
          %dma_wait3A_538 = arith.constant 0 : i32
          %dma_wait3A_539 = tpu.memref_slice %arg7[%dma_wait3A_536, %dma_wait3A_537, %dma_wait3A_538] : memref<8x2x80xi32, #tpu.memory_space<vmem>> -> memref<1x1x80xi32, #tpu.memory_space<vmem>>
          %dma_wait3A_540 = tpu.memref_squeeze %dma_wait3A_539 : memref<1x1x80xi32, #tpu.memory_space<vmem>> -> memref<80xi32, #tpu.memory_space<vmem>>
          %dma_wait3A_541 = arith.constant 0 : i32
          %dma_wait3A_542 = tpu.memref_slice %arg2[%dma_wait3A_541] : memref<640000xi32, #tpu.memory_space<hbm>> -> memref<80xi32, #tpu.memory_space<hbm>>
          %dma_wait3A_543 = arith.constant 0 : i32
          %dma_wait3A_544 = tpu.memref_slice %arg7[%dma_wait3A_536, %dma_wait3A_537, %dma_wait3A_543] : memref<8x2x80xi32, #tpu.memory_space<vmem>> -> memref<1x1x80xi32, #tpu.memory_space<vmem>>
          %dma_wait3A_545 = tpu.memref_squeeze %dma_wait3A_544 : memref<1x1x80xi32, #tpu.memory_space<vmem>> -> memref<80xi32, #tpu.memory_space<vmem>>
          %dma_wait3A_546 = arith.constant 0 : i32
          %dma_wait3A_547 = tpu.memref_slice %arg2[%dma_wait3A_546] : memref<640000xi32, #tpu.memory_space<hbm>> -> memref<80xi32, #tpu.memory_space<hbm>>
          tpu.wait_dma2 semaphore(%arg21 : memref<!tpu.dma_semaphore, #tpu.memory_space<semaphore_mem>>) src(%dma_wait3A_547 : memref<80xi32, #tpu.memory_space<hbm>>) dst(%dma_wait3A_545 : memref<80xi32, #tpu.memory_space<vmem>>)
          %dma_start3A_548 = arith.constant 1 : i32
          %dma_start3A_549 = arith.constant 0 : i32
          %dma_start3A_550 = arith.constant 0 : i32
          %dma_start3A_551 = tpu.memref_slice %arg7[%dma_start3A_548, %dma_start3A_549, %dma_start3A_550] : memref<8x2x80xi32, #tpu.memory_space<vmem>> -> memref<1x1x80xi32, #tpu.memory_space<vmem>>
          %dma_start3A_552 = tpu.memref_squeeze %dma_start3A_551 : memref<1x1x80xi32, #tpu.memory_space<vmem>> -> memref<80xi32, #tpu.memory_space<vmem>>
          %dma_start3A_553 = arith.constant 0 : i32
          %dma_start3A_554 = arith.constant 0 : i32
          %dma_start3A_555 = tpu.memref_slice %arg3[%dma_start3A_553, %dma_start3A_554] : memref<10000x128xf32, #tpu.memory_space<hbm>> -> memref<10000x128xf32, #tpu.memory_space<hbm>>
          tpu.enqueue_indirect_dma source(%dma_start3A_555 : memref<10000x128xf32, #tpu.memory_space<hbm>>) target(%arg8 : memref<80x128xf32, #tpu.memory_space<vmem>>) offsets(%dma_start3A_552 : memref<80xi32, #tpu.memory_space<vmem>>) semaphore(%arg12 : memref<!tpu.dma_semaphore, #tpu.memory_space<semaphore_mem>>)
        } else {
        }
      } else {
      }
      %mul3A_423 = arith.constant 8 : i32
      %mul3A_424 = arith.muli %mul3A_423, %scan3A_414 : i32
      %add3A_425 = arith.constant 1 : i32
      %add3A_426 = arith.addi %mul3A_424, %add3A_425 : i32
      %lt3A_427 = arith.constant 125 : i32
      %lt3A_428 = arith.cmpi slt, %add3A_426, %lt3A_427 : i32
      %convert_element_type3A_429 = arith.extui %lt3A_428 : i1 to i32
      %cond3A_430 = arith.constant 0 : i32
      %cond3A_431 = arith.cmpi ne, %convert_element_type3A_429, %cond3A_430 : i32
      scf.if %cond3A_431 {
        %dma_wait3A_486 = arith.constant 0 : i32
        %dma_wait3A_487 = arith.constant 0 : i32
        %dma_wait3A_488 = arith.constant 0 : i32
        %dma_wait3A_489 = tpu.memref_slice %arg7[%dma_wait3A_486, %dma_wait3A_487, %dma_wait3A_488] : memref<8x2x80xi32, #tpu.memory_space<vmem>> -> memref<1x1x80xi32, #tpu.memory_space<vmem>>
        %dma_wait3A_490 = tpu.memref_squeeze %dma_wait3A_489 : memref<1x1x80xi32, #tpu.memory_space<vmem>> -> memref<80xi32, #tpu.memory_space<vmem>>
        %dma_wait3A_491 = arith.constant 0 : i32
        %dma_wait3A_492 = arith.constant 0 : i32
        %dma_wait3A_493 = tpu.memref_slice %arg3[%dma_wait3A_491, %dma_wait3A_492] : memref<10000x128xf32, #tpu.memory_space<hbm>> -> memref<10000x128xf32, #tpu.memory_space<hbm>>
        tpu.wait_indirect_dma semaphore(%arg13 : memref<!tpu.dma_semaphore, #tpu.memory_space<semaphore_mem>>) src(%dma_wait3A_493 : memref<10000x128xf32, #tpu.memory_space<hbm>>) dst(%arg9 : memref<80x128xf32, #tpu.memory_space<vmem>>)
        %dma_start3A_494 = arith.constant 2 : i32
        %dma_start3A_495 = arith.constant 1 : i32
        %dma_start3A_496 = arith.constant 0 : i32
        %dma_start3A_497 = tpu.memref_slice %arg7[%dma_start3A_494, %dma_start3A_495, %dma_start3A_496] : memref<8x2x80xi32, #tpu.memory_space<vmem>> -> memref<1x1x80xi32, #tpu.memory_space<vmem>>
        %dma_start3A_498 = tpu.memref_squeeze %dma_start3A_497 : memref<1x1x80xi32, #tpu.memory_space<vmem>> -> memref<80xi32, #tpu.memory_space<vmem>>
        %dma_start3A_499 = arith.constant 0 : i32
        %dma_start3A_500 = arith.constant 0 : i32
        %dma_start3A_501 = tpu.memref_slice %arg6[%dma_start3A_499, %dma_start3A_500] : memref<10240x128xf32, #tpu.memory_space<vmem_shared>> -> memref<10240x128xf32, #tpu.memory_space<vmem_shared>>
        tpu.enqueue_indirect_dma source(%arg9 : memref<80x128xf32, #tpu.memory_space<vmem>>) target(%dma_start3A_501 : memref<10240x128xf32, #tpu.memory_space<vmem_shared>>) offsets(%dma_start3A_498 : memref<80xi32, #tpu.memory_space<vmem>>) semaphore(%arg17 : memref<!tpu.dma_semaphore, #tpu.memory_space<semaphore_mem>>) {add = true}
        %add3A_502 = arith.constant 4 : i32
        %add3A_503 = arith.addi %add3A_426, %add3A_502 : i32
        %lt3A_504 = arith.constant 125 : i32
        %lt3A_505 = arith.cmpi slt, %add3A_503, %lt3A_504 : i32
        %convert_element_type3A_506 = arith.extui %lt3A_505 : i1 to i32
        %cond3A_507 = arith.constant 0 : i32
        %cond3A_508 = arith.cmpi ne, %convert_element_type3A_506, %cond3A_507 : i32
        scf.if %cond3A_508 {
          %dma_wait3A_509 = arith.constant 0 : i32
          %dma_wait3A_510 = arith.constant 1 : i32
          %dma_wait3A_511 = arith.constant 0 : i32
          %dma_wait3A_512 = tpu.memref_slice %arg7[%dma_wait3A_509, %dma_wait3A_510, %dma_wait3A_511] : memref<8x2x80xi32, #tpu.memory_space<vmem>> -> memref<1x1x80xi32, #tpu.memory_space<vmem>>
          %dma_wait3A_513 = tpu.memref_squeeze %dma_wait3A_512 : memref<1x1x80xi32, #tpu.memory_space<vmem>> -> memref<80xi32, #tpu.memory_space<vmem>>
          %dma_wait3A_514 = arith.constant 0 : i32
          %dma_wait3A_515 = arith.constant 0 : i32
          %dma_wait3A_516 = tpu.memref_slice %arg6[%dma_wait3A_514, %dma_wait3A_515] : memref<10240x128xf32, #tpu.memory_space<vmem_shared>> -> memref<10240x128xf32, #tpu.memory_space<vmem_shared>>
          tpu.wait_indirect_dma semaphore(%arg17 : memref<!tpu.dma_semaphore, #tpu.memory_space<semaphore_mem>>) src(%arg9 : memref<80x128xf32, #tpu.memory_space<vmem>>) dst(%dma_wait3A_516 : memref<10240x128xf32, #tpu.memory_space<vmem_shared>>)
          %add3A_517 = arith.constant 8 : i32
          %add3A_518 = arith.addi %add3A_426, %add3A_517 : i32
          %lt3A_519 = arith.constant 125 : i32
          %lt3A_520 = arith.cmpi slt, %add3A_518, %lt3A_519 : i32
          %convert_element_type3A_521 = arith.extui %lt3A_520 : i1 to i32
          %cond3A_522 = arith.constant 0 : i32
          %cond3A_523 = arith.cmpi ne, %convert_element_type3A_521, %cond3A_522 : i32
          scf.if %cond3A_523 {
            %add3A_556 = arith.constant 8 : i32
            %add3A_557 = arith.addi %add3A_426, %add3A_556 : i32
            %mul3A_558 = arith.constant 80 : i32
            %mul3A_559 = arith.muli %add3A_557, %mul3A_558 : i32
            %add3A_560 = arith.addi %mul3A_2, %mul3A_559 : i32
            %dma_start3A_561 = arith.constant 2 : i32
            %dma_start3A_562 = arith.constant 0 : i32
            %dma_start3A_563 = arith.constant 0 : i32
            %dma_start3A_564 = tpu.memref_slice %arg7[%dma_start3A_561, %dma_start3A_562, %dma_start3A_563] : memref<8x2x80xi32, #tpu.memory_space<vmem>> -> memref<1x1x80xi32, #tpu.memory_space<vmem>>
            %dma_start3A_565 = tpu.memref_squeeze %dma_start3A_564 : memref<1x1x80xi32, #tpu.memory_space<vmem>> -> memref<80xi32, #tpu.memory_space<vmem>>
            %dma_start3A_566 = tpu.memref_slice %arg2[%add3A_560] : memref<640000xi32, #tpu.memory_space<hbm>> -> memref<80xi32, #tpu.memory_space<hbm>>
            %dma_start3A_567 = arith.constant 0 : i32
            %dma_start3A_568 = tpu.memref_slice %arg7[%dma_start3A_561, %dma_start3A_562, %dma_start3A_567] : memref<8x2x80xi32, #tpu.memory_space<vmem>> -> memref<1x1x80xi32, #tpu.memory_space<vmem>>
            %dma_start3A_569 = tpu.memref_squeeze %dma_start3A_568 : memref<1x1x80xi32, #tpu.memory_space<vmem>> -> memref<80xi32, #tpu.memory_space<vmem>>
            %dma_start3A_570 = tpu.memref_slice %arg2[%add3A_560] : memref<640000xi32, #tpu.memory_space<hbm>> -> memref<80xi32, #tpu.memory_space<hbm>>
            tpu.enqueue_dma source(%dma_start3A_570 : memref<80xi32, #tpu.memory_space<hbm>>) target(%dma_start3A_569 : memref<80xi32, #tpu.memory_space<vmem>>) target_semaphore(%arg22 : memref<!tpu.dma_semaphore, #tpu.memory_space<semaphore_mem>>)
            %add3A_571 = arith.constant 320000 : i32
            %add3A_572 = arith.addi %add3A_571, %mul3A_2 : i32
            %mul3A_573 = arith.constant 80 : i32
            %mul3A_574 = arith.muli %add3A_557, %mul3A_573 : i32
            %add3A_575 = arith.addi %add3A_572, %mul3A_574 : i32
            %dma_start3A_576 = arith.constant 2 : i32
            %dma_start3A_577 = arith.constant 1 : i32
            %dma_start3A_578 = arith.constant 0 : i32
            %dma_start3A_579 = tpu.memref_slice %arg7[%dma_start3A_576, %dma_start3A_577, %dma_start3A_578] : memref<8x2x80xi32, #tpu.memory_space<vmem>> -> memref<1x1x80xi32, #tpu.memory_space<vmem>>
            %dma_start3A_580 = tpu.memref_squeeze %dma_start3A_579 : memref<1x1x80xi32, #tpu.memory_space<vmem>> -> memref<80xi32, #tpu.memory_space<vmem>>
            %dma_start3A_581 = tpu.memref_slice %arg2[%add3A_575] : memref<640000xi32, #tpu.memory_space<hbm>> -> memref<80xi32, #tpu.memory_space<hbm>>
            %dma_start3A_582 = arith.constant 0 : i32
            %dma_start3A_583 = tpu.memref_slice %arg7[%dma_start3A_576, %dma_start3A_577, %dma_start3A_582] : memref<8x2x80xi32, #tpu.memory_space<vmem>> -> memref<1x1x80xi32, #tpu.memory_space<vmem>>
            %dma_start3A_584 = tpu.memref_squeeze %dma_start3A_583 : memref<1x1x80xi32, #tpu.memory_space<vmem>> -> memref<80xi32, #tpu.memory_space<vmem>>
            %dma_start3A_585 = tpu.memref_slice %arg2[%add3A_575] : memref<640000xi32, #tpu.memory_space<hbm>> -> memref<80xi32, #tpu.memory_space<hbm>>
            tpu.enqueue_dma source(%dma_start3A_585 : memref<80xi32, #tpu.memory_space<hbm>>) target(%dma_start3A_584 : memref<80xi32, #tpu.memory_space<vmem>>) target_semaphore(%arg22 : memref<!tpu.dma_semaphore, #tpu.memory_space<semaphore_mem>>)
          } else {
          }
          %dma_wait3A_524 = arith.constant 3 : i32
          %dma_wait3A_525 = arith.constant 0 : i32
          %dma_wait3A_526 = arith.constant 0 : i32
          %dma_wait3A_527 = tpu.memref_slice %arg7[%dma_wait3A_524, %dma_wait3A_525, %dma_wait3A_526] : memref<8x2x80xi32, #tpu.memory_space<vmem>> -> memref<1x1x80xi32, #tpu.memory_space<vmem>>
          %dma_wait3A_528 = tpu.memref_squeeze %dma_wait3A_527 : memref<1x1x80xi32, #tpu.memory_space<vmem>> -> memref<80xi32, #tpu.memory_space<vmem>>
          %dma_wait3A_529 = arith.constant 0 : i32
          %dma_wait3A_530 = tpu.memref_slice %arg2[%dma_wait3A_529] : memref<640000xi32, #tpu.memory_space<hbm>> -> memref<80xi32, #tpu.memory_space<hbm>>
          %dma_wait3A_531 = arith.constant 0 : i32
          %dma_wait3A_532 = tpu.memref_slice %arg7[%dma_wait3A_524, %dma_wait3A_525, %dma_wait3A_531] : memref<8x2x80xi32, #tpu.memory_space<vmem>> -> memref<1x1x80xi32, #tpu.memory_space<vmem>>
          %dma_wait3A_533 = tpu.memref_squeeze %dma_wait3A_532 : memref<1x1x80xi32, #tpu.memory_space<vmem>> -> memref<80xi32, #tpu.memory_space<vmem>>
          %dma_wait3A_534 = arith.constant 0 : i32
          %dma_wait3A_535 = tpu.memref_slice %arg2[%dma_wait3A_534] : memref<640000xi32, #tpu.memory_space<hbm>> -> memref<80xi32, #tpu.memory_space<hbm>>
          tpu.wait_dma2 semaphore(%arg23 : memref<!tpu.dma_semaphore, #tpu.memory_space<semaphore_mem>>) src(%dma_wait3A_535 : memref<80xi32, #tpu.memory_space<hbm>>) dst(%dma_wait3A_533 : memref<80xi32, #tpu.memory_space<vmem>>)
          %dma_wait3A_536 = arith.constant 3 : i32
          %dma_wait3A_537 = arith.constant 1 : i32
          %dma_wait3A_538 = arith.constant 0 : i32
          %dma_wait3A_539 = tpu.memref_slice %arg7[%dma_wait3A_536, %dma_wait3A_537, %dma_wait3A_538] : memref<8x2x80xi32, #tpu.memory_space<vmem>> -> memref<1x1x80xi32, #tpu.memory_space<vmem>>
          %dma_wait3A_540 = tpu.memref_squeeze %dma_wait3A_539 : memref<1x1x80xi32, #tpu.memory_space<vmem>> -> memref<80xi32, #tpu.memory_space<vmem>>
          %dma_wait3A_541 = arith.constant 0 : i32
          %dma_wait3A_542 = tpu.memref_slice %arg2[%dma_wait3A_541] : memref<640000xi32, #tpu.memory_space<hbm>> -> memref<80xi32, #tpu.memory_space<hbm>>
          %dma_wait3A_543 = arith.constant 0 : i32
          %dma_wait3A_544 = tpu.memref_slice %arg7[%dma_wait3A_536, %dma_wait3A_537, %dma_wait3A_543] : memref<8x2x80xi32, #tpu.memory_space<vmem>> -> memref<1x1x80xi32, #tpu.memory_space<vmem>>
          %dma_wait3A_545 = tpu.memref_squeeze %dma_wait3A_544 : memref<1x1x80xi32, #tpu.memory_space<vmem>> -> memref<80xi32, #tpu.memory_space<vmem>>
          %dma_wait3A_546 = arith.constant 0 : i32
          %dma_wait3A_547 = tpu.memref_slice %arg2[%dma_wait3A_546] : memref<640000xi32, #tpu.memory_space<hbm>> -> memref<80xi32, #tpu.memory_space<hbm>>
          tpu.wait_dma2 semaphore(%arg23 : memref<!tpu.dma_semaphore, #tpu.memory_space<semaphore_mem>>) src(%dma_wait3A_547 : memref<80xi32, #tpu.memory_space<hbm>>) dst(%dma_wait3A_545 : memref<80xi32, #tpu.memory_space<vmem>>)
          %dma_start3A_548 = arith.constant 3 : i32
          %dma_start3A_549 = arith.constant 0 : i32
          %dma_start3A_550 = arith.constant 0 : i32
          %dma_start3A_551 = tpu.memref_slice %arg7[%dma_start3A_548, %dma_start3A_549, %dma_start3A_550] : memref<8x2x80xi32, #tpu.memory_space<vmem>> -> memref<1x1x80xi32, #tpu.memory_space<vmem>>
          %dma_start3A_552 = tpu.memref_squeeze %dma_start3A_551 : memref<1x1x80xi32, #tpu.memory_space<vmem>> -> memref<80xi32, #tpu.memory_space<vmem>>
          %dma_start3A_553 = arith.constant 0 : i32
          %dma_start3A_554 = arith.constant 0 : i32
          %dma_start3A_555 = tpu.memref_slice %arg3[%dma_start3A_553, %dma_start3A_554] : memref<10000x128xf32, #tpu.memory_space<hbm>> -> memref<10000x128xf32, #tpu.memory_space<hbm>>
          tpu.enqueue_indirect_dma source(%dma_start3A_555 : memref<10000x128xf32, #tpu.memory_space<hbm>>) target(%arg9 : memref<80x128xf32, #tpu.memory_space<vmem>>) offsets(%dma_start3A_552 : memref<80xi32, #tpu.memory_space<vmem>>) semaphore(%arg13 : memref<!tpu.dma_semaphore, #tpu.memory_space<semaphore_mem>>)
        } else {
        }
      } else {
      }
      %mul3A_432 = arith.constant 8 : i32
      %mul3A_433 = arith.muli %mul3A_432, %scan3A_414 : i32
      %add3A_434 = arith.constant 2 : i32
      %add3A_435 = arith.addi %mul3A_433, %add3A_434 : i32
      %lt3A_436 = arith.constant 125 : i32
      %lt3A_437 = arith.cmpi slt, %add3A_435, %lt3A_436 : i32
      %convert_element_type3A_438 = arith.extui %lt3A_437 : i1 to i32
      %cond3A_439 = arith.constant 0 : i32
      %cond3A_440 = arith.cmpi ne, %convert_element_type3A_438, %cond3A_439 : i32
      scf.if %cond3A_440 {
        %dma_wait3A_486 = arith.constant 0 : i32
        %dma_wait3A_487 = arith.constant 0 : i32
        %dma_wait3A_488 = arith.constant 0 : i32
        %dma_wait3A_489 = tpu.memref_slice %arg7[%dma_wait3A_486, %dma_wait3A_487, %dma_wait3A_488] : memref<8x2x80xi32, #tpu.memory_space<vmem>> -> memref<1x1x80xi32, #tpu.memory_space<vmem>>
        %dma_wait3A_490 = tpu.memref_squeeze %dma_wait3A_489 : memref<1x1x80xi32, #tpu.memory_space<vmem>> -> memref<80xi32, #tpu.memory_space<vmem>>
        %dma_wait3A_491 = arith.constant 0 : i32
        %dma_wait3A_492 = arith.constant 0 : i32
        %dma_wait3A_493 = tpu.memref_slice %arg3[%dma_wait3A_491, %dma_wait3A_492] : memref<10000x128xf32, #tpu.memory_space<hbm>> -> memref<10000x128xf32, #tpu.memory_space<hbm>>
        tpu.wait_indirect_dma semaphore(%arg14 : memref<!tpu.dma_semaphore, #tpu.memory_space<semaphore_mem>>) src(%dma_wait3A_493 : memref<10000x128xf32, #tpu.memory_space<hbm>>) dst(%arg10 : memref<80x128xf32, #tpu.memory_space<vmem>>)
        %dma_start3A_494 = arith.constant 4 : i32
        %dma_start3A_495 = arith.constant 1 : i32
        %dma_start3A_496 = arith.constant 0 : i32
        %dma_start3A_497 = tpu.memref_slice %arg7[%dma_start3A_494, %dma_start3A_495, %dma_start3A_496] : memref<8x2x80xi32, #tpu.memory_space<vmem>> -> memref<1x1x80xi32, #tpu.memory_space<vmem>>
        %dma_start3A_498 = tpu.memref_squeeze %dma_start3A_497 : memref<1x1x80xi32, #tpu.memory_space<vmem>> -> memref<80xi32, #tpu.memory_space<vmem>>
        %dma_start3A_499 = arith.constant 0 : i32
        %dma_start3A_500 = arith.constant 0 : i32
        %dma_start3A_501 = tpu.memref_slice %arg6[%dma_start3A_499, %dma_start3A_500] : memref<10240x128xf32, #tpu.memory_space<vmem_shared>> -> memref<10240x128xf32, #tpu.memory_space<vmem_shared>>
        tpu.enqueue_indirect_dma source(%arg10 : memref<80x128xf32, #tpu.memory_space<vmem>>) target(%dma_start3A_501 : memref<10240x128xf32, #tpu.memory_space<vmem_shared>>) offsets(%dma_start3A_498 : memref<80xi32, #tpu.memory_space<vmem>>) semaphore(%arg18 : memref<!tpu.dma_semaphore, #tpu.memory_space<semaphore_mem>>) {add = true}
        %add3A_502 = arith.constant 4 : i32
        %add3A_503 = arith.addi %add3A_435, %add3A_502 : i32
        %lt3A_504 = arith.constant 125 : i32
        %lt3A_505 = arith.cmpi slt, %add3A_503, %lt3A_504 : i32
        %convert_element_type3A_506 = arith.extui %lt3A_505 : i1 to i32
        %cond3A_507 = arith.constant 0 : i32
        %cond3A_508 = arith.cmpi ne, %convert_element_type3A_506, %cond3A_507 : i32
        scf.if %cond3A_508 {
          %dma_wait3A_509 = arith.constant 0 : i32
          %dma_wait3A_510 = arith.constant 1 : i32
          %dma_wait3A_511 = arith.constant 0 : i32
          %dma_wait3A_512 = tpu.memref_slice %arg7[%dma_wait3A_509, %dma_wait3A_510, %dma_wait3A_511] : memref<8x2x80xi32, #tpu.memory_space<vmem>> -> memref<1x1x80xi32, #tpu.memory_space<vmem>>
          %dma_wait3A_513 = tpu.memref_squeeze %dma_wait3A_512 : memref<1x1x80xi32, #tpu.memory_space<vmem>> -> memref<80xi32, #tpu.memory_space<vmem>>
          %dma_wait3A_514 = arith.constant 0 : i32
          %dma_wait3A_515 = arith.constant 0 : i32
          %dma_wait3A_516 = tpu.memref_slice %arg6[%dma_wait3A_514, %dma_wait3A_515] : memref<10240x128xf32, #tpu.memory_space<vmem_shared>> -> memref<10240x128xf32, #tpu.memory_space<vmem_shared>>
          tpu.wait_indirect_dma semaphore(%arg18 : memref<!tpu.dma_semaphore, #tpu.memory_space<semaphore_mem>>) src(%arg10 : memref<80x128xf32, #tpu.memory_space<vmem>>) dst(%dma_wait3A_516 : memref<10240x128xf32, #tpu.memory_space<vmem_shared>>)
          %add3A_517 = arith.constant 8 : i32
          %add3A_518 = arith.addi %add3A_435, %add3A_517 : i32
          %lt3A_519 = arith.constant 125 : i32
          %lt3A_520 = arith.cmpi slt, %add3A_518, %lt3A_519 : i32
          %convert_element_type3A_521 = arith.extui %lt3A_520 : i1 to i32
          %cond3A_522 = arith.constant 0 : i32
          %cond3A_523 = arith.cmpi ne, %convert_element_type3A_521, %cond3A_522 : i32
          scf.if %cond3A_523 {
            %add3A_556 = arith.constant 8 : i32
            %add3A_557 = arith.addi %add3A_435, %add3A_556 : i32
            %mul3A_558 = arith.constant 80 : i32
            %mul3A_559 = arith.muli %add3A_557, %mul3A_558 : i32
            %add3A_560 = arith.addi %mul3A_2, %mul3A_559 : i32
            %dma_start3A_561 = arith.constant 4 : i32
            %dma_start3A_562 = arith.constant 0 : i32
            %dma_start3A_563 = arith.constant 0 : i32
            %dma_start3A_564 = tpu.memref_slice %arg7[%dma_start3A_561, %dma_start3A_562, %dma_start3A_563] : memref<8x2x80xi32, #tpu.memory_space<vmem>> -> memref<1x1x80xi32, #tpu.memory_space<vmem>>
            %dma_start3A_565 = tpu.memref_squeeze %dma_start3A_564 : memref<1x1x80xi32, #tpu.memory_space<vmem>> -> memref<80xi32, #tpu.memory_space<vmem>>
            %dma_start3A_566 = tpu.memref_slice %arg2[%add3A_560] : memref<640000xi32, #tpu.memory_space<hbm>> -> memref<80xi32, #tpu.memory_space<hbm>>
            %dma_start3A_567 = arith.constant 0 : i32
            %dma_start3A_568 = tpu.memref_slice %arg7[%dma_start3A_561, %dma_start3A_562, %dma_start3A_567] : memref<8x2x80xi32, #tpu.memory_space<vmem>> -> memref<1x1x80xi32, #tpu.memory_space<vmem>>
            %dma_start3A_569 = tpu.memref_squeeze %dma_start3A_568 : memref<1x1x80xi32, #tpu.memory_space<vmem>> -> memref<80xi32, #tpu.memory_space<vmem>>
            %dma_start3A_570 = tpu.memref_slice %arg2[%add3A_560] : memref<640000xi32, #tpu.memory_space<hbm>> -> memref<80xi32, #tpu.memory_space<hbm>>
            tpu.enqueue_dma source(%dma_start3A_570 : memref<80xi32, #tpu.memory_space<hbm>>) target(%dma_start3A_569 : memref<80xi32, #tpu.memory_space<vmem>>) target_semaphore(%arg24 : memref<!tpu.dma_semaphore, #tpu.memory_space<semaphore_mem>>)
            %add3A_571 = arith.constant 320000 : i32
            %add3A_572 = arith.addi %add3A_571, %mul3A_2 : i32
            %mul3A_573 = arith.constant 80 : i32
            %mul3A_574 = arith.muli %add3A_557, %mul3A_573 : i32
            %add3A_575 = arith.addi %add3A_572, %mul3A_574 : i32
            %dma_start3A_576 = arith.constant 4 : i32
            %dma_start3A_577 = arith.constant 1 : i32
            %dma_start3A_578 = arith.constant 0 : i32
            %dma_start3A_579 = tpu.memref_slice %arg7[%dma_start3A_576, %dma_start3A_577, %dma_start3A_578] : memref<8x2x80xi32, #tpu.memory_space<vmem>> -> memref<1x1x80xi32, #tpu.memory_space<vmem>>
            %dma_start3A_580 = tpu.memref_squeeze %dma_start3A_579 : memref<1x1x80xi32, #tpu.memory_space<vmem>> -> memref<80xi32, #tpu.memory_space<vmem>>
            %dma_start3A_581 = tpu.memref_slice %arg2[%add3A_575] : memref<640000xi32, #tpu.memory_space<hbm>> -> memref<80xi32, #tpu.memory_space<hbm>>
            %dma_start3A_582 = arith.constant 0 : i32
            %dma_start3A_583 = tpu.memref_slice %arg7[%dma_start3A_576, %dma_start3A_577, %dma_start3A_582] : memref<8x2x80xi32, #tpu.memory_space<vmem>> -> memref<1x1x80xi32, #tpu.memory_space<vmem>>
            %dma_start3A_584 = tpu.memref_squeeze %dma_start3A_583 : memref<1x1x80xi32, #tpu.memory_space<vmem>> -> memref<80xi32, #tpu.memory_space<vmem>>
            %dma_start3A_585 = tpu.memref_slice %arg2[%add3A_575] : memref<640000xi32, #tpu.memory_space<hbm>> -> memref<80xi32, #tpu.memory_space<hbm>>
            tpu.enqueue_dma source(%dma_start3A_585 : memref<80xi32, #tpu.memory_space<hbm>>) target(%dma_start3A_584 : memref<80xi32, #tpu.memory_space<vmem>>) target_semaphore(%arg24 : memref<!tpu.dma_semaphore, #tpu.memory_space<semaphore_mem>>)
          } else {
          }
          %dma_wait3A_524 = arith.constant 5 : i32
          %dma_wait3A_525 = arith.constant 0 : i32
          %dma_wait3A_526 = arith.constant 0 : i32
          %dma_wait3A_527 = tpu.memref_slice %arg7[%dma_wait3A_524, %dma_wait3A_525, %dma_wait3A_526] : memref<8x2x80xi32, #tpu.memory_space<vmem>> -> memref<1x1x80xi32, #tpu.memory_space<vmem>>
          %dma_wait3A_528 = tpu.memref_squeeze %dma_wait3A_527 : memref<1x1x80xi32, #tpu.memory_space<vmem>> -> memref<80xi32, #tpu.memory_space<vmem>>
          %dma_wait3A_529 = arith.constant 0 : i32
          %dma_wait3A_530 = tpu.memref_slice %arg2[%dma_wait3A_529] : memref<640000xi32, #tpu.memory_space<hbm>> -> memref<80xi32, #tpu.memory_space<hbm>>
          %dma_wait3A_531 = arith.constant 0 : i32
          %dma_wait3A_532 = tpu.memref_slice %arg7[%dma_wait3A_524, %dma_wait3A_525, %dma_wait3A_531] : memref<8x2x80xi32, #tpu.memory_space<vmem>> -> memref<1x1x80xi32, #tpu.memory_space<vmem>>
          %dma_wait3A_533 = tpu.memref_squeeze %dma_wait3A_532 : memref<1x1x80xi32, #tpu.memory_space<vmem>> -> memref<80xi32, #tpu.memory_space<vmem>>
          %dma_wait3A_534 = arith.constant 0 : i32
          %dma_wait3A_535 = tpu.memref_slice %arg2[%dma_wait3A_534] : memref<640000xi32, #tpu.memory_space<hbm>> -> memref<80xi32, #tpu.memory_space<hbm>>
          tpu.wait_dma2 semaphore(%arg25 : memref<!tpu.dma_semaphore, #tpu.memory_space<semaphore_mem>>) src(%dma_wait3A_535 : memref<80xi32, #tpu.memory_space<hbm>>) dst(%dma_wait3A_533 : memref<80xi32, #tpu.memory_space<vmem>>)
          %dma_wait3A_536 = arith.constant 5 : i32
          %dma_wait3A_537 = arith.constant 1 : i32
          %dma_wait3A_538 = arith.constant 0 : i32
          %dma_wait3A_539 = tpu.memref_slice %arg7[%dma_wait3A_536, %dma_wait3A_537, %dma_wait3A_538] : memref<8x2x80xi32, #tpu.memory_space<vmem>> -> memref<1x1x80xi32, #tpu.memory_space<vmem>>
          %dma_wait3A_540 = tpu.memref_squeeze %dma_wait3A_539 : memref<1x1x80xi32, #tpu.memory_space<vmem>> -> memref<80xi32, #tpu.memory_space<vmem>>
          %dma_wait3A_541 = arith.constant 0 : i32
          %dma_wait3A_542 = tpu.memref_slice %arg2[%dma_wait3A_541] : memref<640000xi32, #tpu.memory_space<hbm>> -> memref<80xi32, #tpu.memory_space<hbm>>
          %dma_wait3A_543 = arith.constant 0 : i32
          %dma_wait3A_544 = tpu.memref_slice %arg7[%dma_wait3A_536, %dma_wait3A_537, %dma_wait3A_543] : memref<8x2x80xi32, #tpu.memory_space<vmem>> -> memref<1x1x80xi32, #tpu.memory_space<vmem>>
          %dma_wait3A_545 = tpu.memref_squeeze %dma_wait3A_544 : memref<1x1x80xi32, #tpu.memory_space<vmem>> -> memref<80xi32, #tpu.memory_space<vmem>>
          %dma_wait3A_546 = arith.constant 0 : i32
          %dma_wait3A_547 = tpu.memref_slice %arg2[%dma_wait3A_546] : memref<640000xi32, #tpu.memory_space<hbm>> -> memref<80xi32, #tpu.memory_space<hbm>>
          tpu.wait_dma2 semaphore(%arg25 : memref<!tpu.dma_semaphore, #tpu.memory_space<semaphore_mem>>) src(%dma_wait3A_547 : memref<80xi32, #tpu.memory_space<hbm>>) dst(%dma_wait3A_545 : memref<80xi32, #tpu.memory_space<vmem>>)
          %dma_start3A_548 = arith.constant 5 : i32
          %dma_start3A_549 = arith.constant 0 : i32
          %dma_start3A_550 = arith.constant 0 : i32
          %dma_start3A_551 = tpu.memref_slice %arg7[%dma_start3A_548, %dma_start3A_549, %dma_start3A_550] : memref<8x2x80xi32, #tpu.memory_space<vmem>> -> memref<1x1x80xi32, #tpu.memory_space<vmem>>
          %dma_start3A_552 = tpu.memref_squeeze %dma_start3A_551 : memref<1x1x80xi32, #tpu.memory_space<vmem>> -> memref<80xi32, #tpu.memory_space<vmem>>
          %dma_start3A_553 = arith.constant 0 : i32
          %dma_start3A_554 = arith.constant 0 : i32
          %dma_start3A_555 = tpu.memref_slice %arg3[%dma_start3A_553, %dma_start3A_554] : memref<10000x128xf32, #tpu.memory_space<hbm>> -> memref<10000x128xf32, #tpu.memory_space<hbm>>
          tpu.enqueue_indirect_dma source(%dma_start3A_555 : memref<10000x128xf32, #tpu.memory_space<hbm>>) target(%arg10 : memref<80x128xf32, #tpu.memory_space<vmem>>) offsets(%dma_start3A_552 : memref<80xi32, #tpu.memory_space<vmem>>) semaphore(%arg14 : memref<!tpu.dma_semaphore, #tpu.memory_space<semaphore_mem>>)
        } else {
        }
      } else {
      }
      %mul3A_441 = arith.constant 8 : i32
      %mul3A_442 = arith.muli %mul3A_441, %scan3A_414 : i32
      %add3A_443 = arith.constant 3 : i32
      %add3A_444 = arith.addi %mul3A_442, %add3A_443 : i32
      %lt3A_445 = arith.constant 125 : i32
      %lt3A_446 = arith.cmpi slt, %add3A_444, %lt3A_445 : i32
      %convert_element_type3A_447 = arith.extui %lt3A_446 : i1 to i32
      %cond3A_448 = arith.constant 0 : i32
      %cond3A_449 = arith.cmpi ne, %convert_element_type3A_447, %cond3A_448 : i32
      scf.if %cond3A_449 {
        %dma_wait3A_486 = arith.constant 0 : i32
        %dma_wait3A_487 = arith.constant 0 : i32
        %dma_wait3A_488 = arith.constant 0 : i32
        %dma_wait3A_489 = tpu.memref_slice %arg7[%dma_wait3A_486, %dma_wait3A_487, %dma_wait3A_488] : memref<8x2x80xi32, #tpu.memory_space<vmem>> -> memref<1x1x80xi32, #tpu.memory_space<vmem>>
        %dma_wait3A_490 = tpu.memref_squeeze %dma_wait3A_489 : memref<1x1x80xi32, #tpu.memory_space<vmem>> -> memref<80xi32, #tpu.memory_space<vmem>>
        %dma_wait3A_491 = arith.constant 0 : i32
        %dma_wait3A_492 = arith.constant 0 : i32
        %dma_wait3A_493 = tpu.memref_slice %arg3[%dma_wait3A_491, %dma_wait3A_492] : memref<10000x128xf32, #tpu.memory_space<hbm>> -> memref<10000x128xf32, #tpu.memory_space<hbm>>
        tpu.wait_indirect_dma semaphore(%arg15 : memref<!tpu.dma_semaphore, #tpu.memory_space<semaphore_mem>>) src(%dma_wait3A_493 : memref<10000x128xf32, #tpu.memory_space<hbm>>) dst(%arg11 : memref<80x128xf32, #tpu.memory_space<vmem>>)
        %dma_start3A_494 = arith.constant 6 : i32
        %dma_start3A_495 = arith.constant 1 : i32
        %dma_start3A_496 = arith.constant 0 : i32
        %dma_start3A_497 = tpu.memref_slice %arg7[%dma_start3A_494, %dma_start3A_495, %dma_start3A_496] : memref<8x2x80xi32, #tpu.memory_space<vmem>> -> memref<1x1x80xi32, #tpu.memory_space<vmem>>
        %dma_start3A_498 = tpu.memref_squeeze %dma_start3A_497 : memref<1x1x80xi32, #tpu.memory_space<vmem>> -> memref<80xi32, #tpu.memory_space<vmem>>
        %dma_start3A_499 = arith.constant 0 : i32
        %dma_start3A_500 = arith.constant 0 : i32
        %dma_start3A_501 = tpu.memref_slice %arg6[%dma_start3A_499, %dma_start3A_500] : memref<10240x128xf32, #tpu.memory_space<vmem_shared>> -> memref<10240x128xf32, #tpu.memory_space<vmem_shared>>
        tpu.enqueue_indirect_dma source(%arg11 : memref<80x128xf32, #tpu.memory_space<vmem>>) target(%dma_start3A_501 : memref<10240x128xf32, #tpu.memory_space<vmem_shared>>) offsets(%dma_start3A_498 : memref<80xi32, #tpu.memory_space<vmem>>) semaphore(%arg19 : memref<!tpu.dma_semaphore, #tpu.memory_space<semaphore_mem>>) {add = true}
        %add3A_502 = arith.constant 4 : i32
        %add3A_503 = arith.addi %add3A_444, %add3A_502 : i32
        %lt3A_504 = arith.constant 125 : i32
        %lt3A_505 = arith.cmpi slt, %add3A_503, %lt3A_504 : i32
        %convert_element_type3A_506 = arith.extui %lt3A_505 : i1 to i32
        %cond3A_507 = arith.constant 0 : i32
        %cond3A_508 = arith.cmpi ne, %convert_element_type3A_506, %cond3A_507 : i32
        scf.if %cond3A_508 {
          %dma_wait3A_509 = arith.constant 0 : i32
          %dma_wait3A_510 = arith.constant 1 : i32
          %dma_wait3A_511 = arith.constant 0 : i32
          %dma_wait3A_512 = tpu.memref_slice %arg7[%dma_wait3A_509, %dma_wait3A_510, %dma_wait3A_511] : memref<8x2x80xi32, #tpu.memory_space<vmem>> -> memref<1x1x80xi32, #tpu.memory_space<vmem>>
          %dma_wait3A_513 = tpu.memref_squeeze %dma_wait3A_512 : memref<1x1x80xi32, #tpu.memory_space<vmem>> -> memref<80xi32, #tpu.memory_space<vmem>>
          %dma_wait3A_514 = arith.constant 0 : i32
          %dma_wait3A_515 = arith.constant 0 : i32
          %dma_wait3A_516 = tpu.memref_slice %arg6[%dma_wait3A_514, %dma_wait3A_515] : memref<10240x128xf32, #tpu.memory_space<vmem_shared>> -> memref<10240x128xf32, #tpu.memory_space<vmem_shared>>
          tpu.wait_indirect_dma semaphore(%arg19 : memref<!tpu.dma_semaphore, #tpu.memory_space<semaphore_mem>>) src(%arg11 : memref<80x128xf32, #tpu.memory_space<vmem>>) dst(%dma_wait3A_516 : memref<10240x128xf32, #tpu.memory_space<vmem_shared>>)
          %add3A_517 = arith.constant 8 : i32
          %add3A_518 = arith.addi %add3A_444, %add3A_517 : i32
          %lt3A_519 = arith.constant 125 : i32
          %lt3A_520 = arith.cmpi slt, %add3A_518, %lt3A_519 : i32
          %convert_element_type3A_521 = arith.extui %lt3A_520 : i1 to i32
          %cond3A_522 = arith.constant 0 : i32
          %cond3A_523 = arith.cmpi ne, %convert_element_type3A_521, %cond3A_522 : i32
          scf.if %cond3A_523 {
            %add3A_556 = arith.constant 8 : i32
            %add3A_557 = arith.addi %add3A_444, %add3A_556 : i32
            %mul3A_558 = arith.constant 80 : i32
            %mul3A_559 = arith.muli %add3A_557, %mul3A_558 : i32
            %add3A_560 = arith.addi %mul3A_2, %mul3A_559 : i32
            %dma_start3A_561 = arith.constant 6 : i32
            %dma_start3A_562 = arith.constant 0 : i32
            %dma_start3A_563 = arith.constant 0 : i32
            %dma_start3A_564 = tpu.memref_slice %arg7[%dma_start3A_561, %dma_start3A_562, %dma_start3A_563] : memref<8x2x80xi32, #tpu.memory_space<vmem>> -> memref<1x1x80xi32, #tpu.memory_space<vmem>>
            %dma_start3A_565 = tpu.memref_squeeze %dma_start3A_564 : memref<1x1x80xi32, #tpu.memory_space<vmem>> -> memref<80xi32, #tpu.memory_space<vmem>>
            %dma_start3A_566 = tpu.memref_slice %arg2[%add3A_560] : memref<640000xi32, #tpu.memory_space<hbm>> -> memref<80xi32, #tpu.memory_space<hbm>>
            %dma_start3A_567 = arith.constant 0 : i32
            %dma_start3A_568 = tpu.memref_slice %arg7[%dma_start3A_561, %dma_start3A_562, %dma_start3A_567] : memref<8x2x80xi32, #tpu.memory_space<vmem>> -> memref<1x1x80xi32, #tpu.memory_space<vmem>>
            %dma_start3A_569 = tpu.memref_squeeze %dma_start3A_568 : memref<1x1x80xi32, #tpu.memory_space<vmem>> -> memref<80xi32, #tpu.memory_space<vmem>>
            %dma_start3A_570 = tpu.memref_slice %arg2[%add3A_560] : memref<640000xi32, #tpu.memory_space<hbm>> -> memref<80xi32, #tpu.memory_space<hbm>>
            tpu.enqueue_dma source(%dma_start3A_570 : memref<80xi32, #tpu.memory_space<hbm>>) target(%dma_start3A_569 : memref<80xi32, #tpu.memory_space<vmem>>) target_semaphore(%arg26 : memref<!tpu.dma_semaphore, #tpu.memory_space<semaphore_mem>>)
            %add3A_571 = arith.constant 320000 : i32
            %add3A_572 = arith.addi %add3A_571, %mul3A_2 : i32
            %mul3A_573 = arith.constant 80 : i32
            %mul3A_574 = arith.muli %add3A_557, %mul3A_573 : i32
            %add3A_575 = arith.addi %add3A_572, %mul3A_574 : i32
            %dma_start3A_576 = arith.constant 6 : i32
            %dma_start3A_577 = arith.constant 1 : i32
            %dma_start3A_578 = arith.constant 0 : i32
            %dma_start3A_579 = tpu.memref_slice %arg7[%dma_start3A_576, %dma_start3A_577, %dma_start3A_578] : memref<8x2x80xi32, #tpu.memory_space<vmem>> -> memref<1x1x80xi32, #tpu.memory_space<vmem>>
            %dma_start3A_580 = tpu.memref_squeeze %dma_start3A_579 : memref<1x1x80xi32, #tpu.memory_space<vmem>> -> memref<80xi32, #tpu.memory_space<vmem>>
            %dma_start3A_581 = tpu.memref_slice %arg2[%add3A_575] : memref<640000xi32, #tpu.memory_space<hbm>> -> memref<80xi32, #tpu.memory_space<hbm>>
            %dma_start3A_582 = arith.constant 0 : i32
            %dma_start3A_583 = tpu.memref_slice %arg7[%dma_start3A_576, %dma_start3A_577, %dma_start3A_582] : memref<8x2x80xi32, #tpu.memory_space<vmem>> -> memref<1x1x80xi32, #tpu.memory_space<vmem>>
            %dma_start3A_584 = tpu.memref_squeeze %dma_start3A_583 : memref<1x1x80xi32, #tpu.memory_space<vmem>> -> memref<80xi32, #tpu.memory_space<vmem>>
            %dma_start3A_585 = tpu.memref_slice %arg2[%add3A_575] : memref<640000xi32, #tpu.memory_space<hbm>> -> memref<80xi32, #tpu.memory_space<hbm>>
            tpu.enqueue_dma source(%dma_start3A_585 : memref<80xi32, #tpu.memory_space<hbm>>) target(%dma_start3A_584 : memref<80xi32, #tpu.memory_space<vmem>>) target_semaphore(%arg26 : memref<!tpu.dma_semaphore, #tpu.memory_space<semaphore_mem>>)
          } else {
          }
          %dma_wait3A_524 = arith.constant 7 : i32
          %dma_wait3A_525 = arith.constant 0 : i32
          %dma_wait3A_526 = arith.constant 0 : i32
          %dma_wait3A_527 = tpu.memref_slice %arg7[%dma_wait3A_524, %dma_wait3A_525, %dma_wait3A_526] : memref<8x2x80xi32, #tpu.memory_space<vmem>> -> memref<1x1x80xi32, #tpu.memory_space<vmem>>
          %dma_wait3A_528 = tpu.memref_squeeze %dma_wait3A_527 : memref<1x1x80xi32, #tpu.memory_space<vmem>> -> memref<80xi32, #tpu.memory_space<vmem>>
          %dma_wait3A_529 = arith.constant 0 : i32
          %dma_wait3A_530 = tpu.memref_slice %arg2[%dma_wait3A_529] : memref<640000xi32, #tpu.memory_space<hbm>> -> memref<80xi32, #tpu.memory_space<hbm>>
          %dma_wait3A_531 = arith.constant 0 : i32
          %dma_wait3A_532 = tpu.memref_slice %arg7[%dma_wait3A_524, %dma_wait3A_525, %dma_wait3A_531] : memref<8x2x80xi32, #tpu.memory_space<vmem>> -> memref<1x1x80xi32, #tpu.memory_space<vmem>>
          %dma_wait3A_533 = tpu.memref_squeeze %dma_wait3A_532 : memref<1x1x80xi32, #tpu.memory_space<vmem>> -> memref<80xi32, #tpu.memory_space<vmem>>
          %dma_wait3A_534 = arith.constant 0 : i32
          %dma_wait3A_535 = tpu.memref_slice %arg2[%dma_wait3A_534] : memref<640000xi32, #tpu.memory_space<hbm>> -> memref<80xi32, #tpu.memory_space<hbm>>
          tpu.wait_dma2 semaphore(%arg27 : memref<!tpu.dma_semaphore, #tpu.memory_space<semaphore_mem>>) src(%dma_wait3A_535 : memref<80xi32, #tpu.memory_space<hbm>>) dst(%dma_wait3A_533 : memref<80xi32, #tpu.memory_space<vmem>>)
          %dma_wait3A_536 = arith.constant 7 : i32
          %dma_wait3A_537 = arith.constant 1 : i32
          %dma_wait3A_538 = arith.constant 0 : i32
          %dma_wait3A_539 = tpu.memref_slice %arg7[%dma_wait3A_536, %dma_wait3A_537, %dma_wait3A_538] : memref<8x2x80xi32, #tpu.memory_space<vmem>> -> memref<1x1x80xi32, #tpu.memory_space<vmem>>
          %dma_wait3A_540 = tpu.memref_squeeze %dma_wait3A_539 : memref<1x1x80xi32, #tpu.memory_space<vmem>> -> memref<80xi32, #tpu.memory_space<vmem>>
          %dma_wait3A_541 = arith.constant 0 : i32
          %dma_wait3A_542 = tpu.memref_slice %arg2[%dma_wait3A_541] : memref<640000xi32, #tpu.memory_space<hbm>> -> memref<80xi32, #tpu.memory_space<hbm>>
          %dma_wait3A_543 = arith.constant 0 : i32
          %dma_wait3A_544 = tpu.memref_slice %arg7[%dma_wait3A_536, %dma_wait3A_537, %dma_wait3A_543] : memref<8x2x80xi32, #tpu.memory_space<vmem>> -> memref<1x1x80xi32, #tpu.memory_space<vmem>>
          %dma_wait3A_545 = tpu.memref_squeeze %dma_wait3A_544 : memref<1x1x80xi32, #tpu.memory_space<vmem>> -> memref<80xi32, #tpu.memory_space<vmem>>
          %dma_wait3A_546 = arith.constant 0 : i32
          %dma_wait3A_547 = tpu.memref_slice %arg2[%dma_wait3A_546] : memref<640000xi32, #tpu.memory_space<hbm>> -> memref<80xi32, #tpu.memory_space<hbm>>
          tpu.wait_dma2 semaphore(%arg27 : memref<!tpu.dma_semaphore, #tpu.memory_space<semaphore_mem>>) src(%dma_wait3A_547 : memref<80xi32, #tpu.memory_space<hbm>>) dst(%dma_wait3A_545 : memref<80xi32, #tpu.memory_space<vmem>>)
          %dma_start3A_548 = arith.constant 7 : i32
          %dma_start3A_549 = arith.constant 0 : i32
          %dma_start3A_550 = arith.constant 0 : i32
          %dma_start3A_551 = tpu.memref_slice %arg7[%dma_start3A_548, %dma_start3A_549, %dma_start3A_550] : memref<8x2x80xi32, #tpu.memory_space<vmem>> -> memref<1x1x80xi32, #tpu.memory_space<vmem>>
          %dma_start3A_552 = tpu.memref_squeeze %dma_start3A_551 : memref<1x1x80xi32, #tpu.memory_space<vmem>> -> memref<80xi32, #tpu.memory_space<vmem>>
          %dma_start3A_553 = arith.constant 0 : i32
          %dma_start3A_554 = arith.constant 0 : i32
          %dma_start3A_555 = tpu.memref_slice %arg3[%dma_start3A_553, %dma_start3A_554] : memref<10000x128xf32, #tpu.memory_space<hbm>> -> memref<10000x128xf32, #tpu.memory_space<hbm>>
          tpu.enqueue_indirect_dma source(%dma_start3A_555 : memref<10000x128xf32, #tpu.memory_space<hbm>>) target(%arg11 : memref<80x128xf32, #tpu.memory_space<vmem>>) offsets(%dma_start3A_552 : memref<80xi32, #tpu.memory_space<vmem>>) semaphore(%arg15 : memref<!tpu.dma_semaphore, #tpu.memory_space<semaphore_mem>>)
        } else {
        }
      } else {
      }
      %mul3A_450 = arith.constant 8 : i32
      %mul3A_451 = arith.muli %mul3A_450, %scan3A_414 : i32
      %add3A_452 = arith.constant 4 : i32
      %add3A_453 = arith.addi %mul3A_451, %add3A_452 : i32
      %lt3A_454 = arith.constant 125 : i32
      %lt3A_455 = arith.cmpi slt, %add3A_453, %lt3A_454 : i32
      %convert_element_type3A_456 = arith.extui %lt3A_455 : i1 to i32
      %cond3A_457 = arith.constant 0 : i32
      %cond3A_458 = arith.cmpi ne, %convert_element_type3A_456, %cond3A_457 : i32
      scf.if %cond3A_458 {
        %dma_wait3A_486 = arith.constant 0 : i32
        %dma_wait3A_487 = arith.constant 0 : i32
        %dma_wait3A_488 = arith.constant 0 : i32
        %dma_wait3A_489 = tpu.memref_slice %arg7[%dma_wait3A_486, %dma_wait3A_487, %dma_wait3A_488] : memref<8x2x80xi32, #tpu.memory_space<vmem>> -> memref<1x1x80xi32, #tpu.memory_space<vmem>>
        %dma_wait3A_490 = tpu.memref_squeeze %dma_wait3A_489 : memref<1x1x80xi32, #tpu.memory_space<vmem>> -> memref<80xi32, #tpu.memory_space<vmem>>
        %dma_wait3A_491 = arith.constant 0 : i32
        %dma_wait3A_492 = arith.constant 0 : i32
        %dma_wait3A_493 = tpu.memref_slice %arg3[%dma_wait3A_491, %dma_wait3A_492] : memref<10000x128xf32, #tpu.memory_space<hbm>> -> memref<10000x128xf32, #tpu.memory_space<hbm>>
        tpu.wait_indirect_dma semaphore(%arg12 : memref<!tpu.dma_semaphore, #tpu.memory_space<semaphore_mem>>) src(%dma_wait3A_493 : memref<10000x128xf32, #tpu.memory_space<hbm>>) dst(%arg8 : memref<80x128xf32, #tpu.memory_space<vmem>>)
        %dma_start3A_494 = arith.constant 1 : i32
        %dma_start3A_495 = arith.constant 1 : i32
        %dma_start3A_496 = arith.constant 0 : i32
        %dma_start3A_497 = tpu.memref_slice %arg7[%dma_start3A_494, %dma_start3A_495, %dma_start3A_496] : memref<8x2x80xi32, #tpu.memory_space<vmem>> -> memref<1x1x80xi32, #tpu.memory_space<vmem>>
        %dma_start3A_498 = tpu.memref_squeeze %dma_start3A_497 : memref<1x1x80xi32, #tpu.memory_space<vmem>> -> memref<80xi32, #tpu.memory_space<vmem>>
        %dma_start3A_499 = arith.constant 0 : i32
        %dma_start3A_500 = arith.constant 0 : i32
        %dma_start3A_501 = tpu.memref_slice %arg6[%dma_start3A_499, %dma_start3A_500] : memref<10240x128xf32, #tpu.memory_space<vmem_shared>> -> memref<10240x128xf32, #tpu.memory_space<vmem_shared>>
        tpu.enqueue_indirect_dma source(%arg8 : memref<80x128xf32, #tpu.memory_space<vmem>>) target(%dma_start3A_501 : memref<10240x128xf32, #tpu.memory_space<vmem_shared>>) offsets(%dma_start3A_498 : memref<80xi32, #tpu.memory_space<vmem>>) semaphore(%arg16 : memref<!tpu.dma_semaphore, #tpu.memory_space<semaphore_mem>>) {add = true}
        %add3A_502 = arith.constant 4 : i32
        %add3A_503 = arith.addi %add3A_453, %add3A_502 : i32
        %lt3A_504 = arith.constant 125 : i32
        %lt3A_505 = arith.cmpi slt, %add3A_503, %lt3A_504 : i32
        %convert_element_type3A_506 = arith.extui %lt3A_505 : i1 to i32
        %cond3A_507 = arith.constant 0 : i32
        %cond3A_508 = arith.cmpi ne, %convert_element_type3A_506, %cond3A_507 : i32
        scf.if %cond3A_508 {
          %dma_wait3A_509 = arith.constant 0 : i32
          %dma_wait3A_510 = arith.constant 1 : i32
          %dma_wait3A_511 = arith.constant 0 : i32
          %dma_wait3A_512 = tpu.memref_slice %arg7[%dma_wait3A_509, %dma_wait3A_510, %dma_wait3A_511] : memref<8x2x80xi32, #tpu.memory_space<vmem>> -> memref<1x1x80xi32, #tpu.memory_space<vmem>>
          %dma_wait3A_513 = tpu.memref_squeeze %dma_wait3A_512 : memref<1x1x80xi32, #tpu.memory_space<vmem>> -> memref<80xi32, #tpu.memory_space<vmem>>
          %dma_wait3A_514 = arith.constant 0 : i32
          %dma_wait3A_515 = arith.constant 0 : i32
          %dma_wait3A_516 = tpu.memref_slice %arg6[%dma_wait3A_514, %dma_wait3A_515] : memref<10240x128xf32, #tpu.memory_space<vmem_shared>> -> memref<10240x128xf32, #tpu.memory_space<vmem_shared>>
          tpu.wait_indirect_dma semaphore(%arg16 : memref<!tpu.dma_semaphore, #tpu.memory_space<semaphore_mem>>) src(%arg8 : memref<80x128xf32, #tpu.memory_space<vmem>>) dst(%dma_wait3A_516 : memref<10240x128xf32, #tpu.memory_space<vmem_shared>>)
          %add3A_517 = arith.constant 8 : i32
          %add3A_518 = arith.addi %add3A_453, %add3A_517 : i32
          %lt3A_519 = arith.constant 125 : i32
          %lt3A_520 = arith.cmpi slt, %add3A_518, %lt3A_519 : i32
          %convert_element_type3A_521 = arith.extui %lt3A_520 : i1 to i32
          %cond3A_522 = arith.constant 0 : i32
          %cond3A_523 = arith.cmpi ne, %convert_element_type3A_521, %cond3A_522 : i32
          scf.if %cond3A_523 {
            %add3A_556 = arith.constant 8 : i32
            %add3A_557 = arith.addi %add3A_453, %add3A_556 : i32
            %mul3A_558 = arith.constant 80 : i32
            %mul3A_559 = arith.muli %add3A_557, %mul3A_558 : i32
            %add3A_560 = arith.addi %mul3A_2, %mul3A_559 : i32
            %dma_start3A_561 = arith.constant 1 : i32
            %dma_start3A_562 = arith.constant 0 : i32
            %dma_start3A_563 = arith.constant 0 : i32
            %dma_start3A_564 = tpu.memref_slice %arg7[%dma_start3A_561, %dma_start3A_562, %dma_start3A_563] : memref<8x2x80xi32, #tpu.memory_space<vmem>> -> memref<1x1x80xi32, #tpu.memory_space<vmem>>
            %dma_start3A_565 = tpu.memref_squeeze %dma_start3A_564 : memref<1x1x80xi32, #tpu.memory_space<vmem>> -> memref<80xi32, #tpu.memory_space<vmem>>
            %dma_start3A_566 = tpu.memref_slice %arg2[%add3A_560] : memref<640000xi32, #tpu.memory_space<hbm>> -> memref<80xi32, #tpu.memory_space<hbm>>
            %dma_start3A_567 = arith.constant 0 : i32
            %dma_start3A_568 = tpu.memref_slice %arg7[%dma_start3A_561, %dma_start3A_562, %dma_start3A_567] : memref<8x2x80xi32, #tpu.memory_space<vmem>> -> memref<1x1x80xi32, #tpu.memory_space<vmem>>
            %dma_start3A_569 = tpu.memref_squeeze %dma_start3A_568 : memref<1x1x80xi32, #tpu.memory_space<vmem>> -> memref<80xi32, #tpu.memory_space<vmem>>
            %dma_start3A_570 = tpu.memref_slice %arg2[%add3A_560] : memref<640000xi32, #tpu.memory_space<hbm>> -> memref<80xi32, #tpu.memory_space<hbm>>
            tpu.enqueue_dma source(%dma_start3A_570 : memref<80xi32, #tpu.memory_space<hbm>>) target(%dma_start3A_569 : memref<80xi32, #tpu.memory_space<vmem>>) target_semaphore(%arg21 : memref<!tpu.dma_semaphore, #tpu.memory_space<semaphore_mem>>)
            %add3A_571 = arith.constant 320000 : i32
            %add3A_572 = arith.addi %add3A_571, %mul3A_2 : i32
            %mul3A_573 = arith.constant 80 : i32
            %mul3A_574 = arith.muli %add3A_557, %mul3A_573 : i32
            %add3A_575 = arith.addi %add3A_572, %mul3A_574 : i32
            %dma_start3A_576 = arith.constant 1 : i32
            %dma_start3A_577 = arith.constant 1 : i32
            %dma_start3A_578 = arith.constant 0 : i32
            %dma_start3A_579 = tpu.memref_slice %arg7[%dma_start3A_576, %dma_start3A_577, %dma_start3A_578] : memref<8x2x80xi32, #tpu.memory_space<vmem>> -> memref<1x1x80xi32, #tpu.memory_space<vmem>>
            %dma_start3A_580 = tpu.memref_squeeze %dma_start3A_579 : memref<1x1x80xi32, #tpu.memory_space<vmem>> -> memref<80xi32, #tpu.memory_space<vmem>>
            %dma_start3A_581 = tpu.memref_slice %arg2[%add3A_575] : memref<640000xi32, #tpu.memory_space<hbm>> -> memref<80xi32, #tpu.memory_space<hbm>>
            %dma_start3A_582 = arith.constant 0 : i32
            %dma_start3A_583 = tpu.memref_slice %arg7[%dma_start3A_576, %dma_start3A_577, %dma_start3A_582] : memref<8x2x80xi32, #tpu.memory_space<vmem>> -> memref<1x1x80xi32, #tpu.memory_space<vmem>>
            %dma_start3A_584 = tpu.memref_squeeze %dma_start3A_583 : memref<1x1x80xi32, #tpu.memory_space<vmem>> -> memref<80xi32, #tpu.memory_space<vmem>>
            %dma_start3A_585 = tpu.memref_slice %arg2[%add3A_575] : memref<640000xi32, #tpu.memory_space<hbm>> -> memref<80xi32, #tpu.memory_space<hbm>>
            tpu.enqueue_dma source(%dma_start3A_585 : memref<80xi32, #tpu.memory_space<hbm>>) target(%dma_start3A_584 : memref<80xi32, #tpu.memory_space<vmem>>) target_semaphore(%arg21 : memref<!tpu.dma_semaphore, #tpu.memory_space<semaphore_mem>>)
          } else {
          }
          %dma_wait3A_524 = arith.constant 0 : i32
          %dma_wait3A_525 = arith.constant 0 : i32
          %dma_wait3A_526 = arith.constant 0 : i32
          %dma_wait3A_527 = tpu.memref_slice %arg7[%dma_wait3A_524, %dma_wait3A_525, %dma_wait3A_526] : memref<8x2x80xi32, #tpu.memory_space<vmem>> -> memref<1x1x80xi32, #tpu.memory_space<vmem>>
          %dma_wait3A_528 = tpu.memref_squeeze %dma_wait3A_527 : memref<1x1x80xi32, #tpu.memory_space<vmem>> -> memref<80xi32, #tpu.memory_space<vmem>>
          %dma_wait3A_529 = arith.constant 0 : i32
          %dma_wait3A_530 = tpu.memref_slice %arg2[%dma_wait3A_529] : memref<640000xi32, #tpu.memory_space<hbm>> -> memref<80xi32, #tpu.memory_space<hbm>>
          %dma_wait3A_531 = arith.constant 0 : i32
          %dma_wait3A_532 = tpu.memref_slice %arg7[%dma_wait3A_524, %dma_wait3A_525, %dma_wait3A_531] : memref<8x2x80xi32, #tpu.memory_space<vmem>> -> memref<1x1x80xi32, #tpu.memory_space<vmem>>
          %dma_wait3A_533 = tpu.memref_squeeze %dma_wait3A_532 : memref<1x1x80xi32, #tpu.memory_space<vmem>> -> memref<80xi32, #tpu.memory_space<vmem>>
          %dma_wait3A_534 = arith.constant 0 : i32
          %dma_wait3A_535 = tpu.memref_slice %arg2[%dma_wait3A_534] : memref<640000xi32, #tpu.memory_space<hbm>> -> memref<80xi32, #tpu.memory_space<hbm>>
          tpu.wait_dma2 semaphore(%arg20 : memref<!tpu.dma_semaphore, #tpu.memory_space<semaphore_mem>>) src(%dma_wait3A_535 : memref<80xi32, #tpu.memory_space<hbm>>) dst(%dma_wait3A_533 : memref<80xi32, #tpu.memory_space<vmem>>)
          %dma_wait3A_536 = arith.constant 0 : i32
          %dma_wait3A_537 = arith.constant 1 : i32
          %dma_wait3A_538 = arith.constant 0 : i32
          %dma_wait3A_539 = tpu.memref_slice %arg7[%dma_wait3A_536, %dma_wait3A_537, %dma_wait3A_538] : memref<8x2x80xi32, #tpu.memory_space<vmem>> -> memref<1x1x80xi32, #tpu.memory_space<vmem>>
          %dma_wait3A_540 = tpu.memref_squeeze %dma_wait3A_539 : memref<1x1x80xi32, #tpu.memory_space<vmem>> -> memref<80xi32, #tpu.memory_space<vmem>>
          %dma_wait3A_541 = arith.constant 0 : i32
          %dma_wait3A_542 = tpu.memref_slice %arg2[%dma_wait3A_541] : memref<640000xi32, #tpu.memory_space<hbm>> -> memref<80xi32, #tpu.memory_space<hbm>>
          %dma_wait3A_543 = arith.constant 0 : i32
          %dma_wait3A_544 = tpu.memref_slice %arg7[%dma_wait3A_536, %dma_wait3A_537, %dma_wait3A_543] : memref<8x2x80xi32, #tpu.memory_space<vmem>> -> memref<1x1x80xi32, #tpu.memory_space<vmem>>
          %dma_wait3A_545 = tpu.memref_squeeze %dma_wait3A_544 : memref<1x1x80xi32, #tpu.memory_space<vmem>> -> memref<80xi32, #tpu.memory_space<vmem>>
          %dma_wait3A_546 = arith.constant 0 : i32
          %dma_wait3A_547 = tpu.memref_slice %arg2[%dma_wait3A_546] : memref<640000xi32, #tpu.memory_space<hbm>> -> memref<80xi32, #tpu.memory_space<hbm>>
          tpu.wait_dma2 semaphore(%arg20 : memref<!tpu.dma_semaphore, #tpu.memory_space<semaphore_mem>>) src(%dma_wait3A_547 : memref<80xi32, #tpu.memory_space<hbm>>) dst(%dma_wait3A_545 : memref<80xi32, #tpu.memory_space<vmem>>)
          %dma_start3A_548 = arith.constant 0 : i32
          %dma_start3A_549 = arith.constant 0 : i32
          %dma_start3A_550 = arith.constant 0 : i32
          %dma_start3A_551 = tpu.memref_slice %arg7[%dma_start3A_548, %dma_start3A_549, %dma_start3A_550] : memref<8x2x80xi32, #tpu.memory_space<vmem>> -> memref<1x1x80xi32, #tpu.memory_space<vmem>>
          %dma_start3A_552 = tpu.memref_squeeze %dma_start3A_551 : memref<1x1x80xi32, #tpu.memory_space<vmem>> -> memref<80xi32, #tpu.memory_space<vmem>>
          %dma_start3A_553 = arith.constant 0 : i32
          %dma_start3A_554 = arith.constant 0 : i32
          %dma_start3A_555 = tpu.memref_slice %arg3[%dma_start3A_553, %dma_start3A_554] : memref<10000x128xf32, #tpu.memory_space<hbm>> -> memref<10000x128xf32, #tpu.memory_space<hbm>>
          tpu.enqueue_indirect_dma source(%dma_start3A_555 : memref<10000x128xf32, #tpu.memory_space<hbm>>) target(%arg8 : memref<80x128xf32, #tpu.memory_space<vmem>>) offsets(%dma_start3A_552 : memref<80xi32, #tpu.memory_space<vmem>>) semaphore(%arg12 : memref<!tpu.dma_semaphore, #tpu.memory_space<semaphore_mem>>)
        } else {
        }
      } else {
      }
      %mul3A_459 = arith.constant 8 : i32
      %mul3A_460 = arith.muli %mul3A_459, %scan3A_414 : i32
      %add3A_461 = arith.constant 5 : i32
      %add3A_462 = arith.addi %mul3A_460, %add3A_461 : i32
      %lt3A_463 = arith.constant 125 : i32
      %lt3A_464 = arith.cmpi slt, %add3A_462, %lt3A_463 : i32
      %convert_element_type3A_465 = arith.extui %lt3A_464 : i1 to i32
      %cond3A_466 = arith.constant 0 : i32
      %cond3A_467 = arith.cmpi ne, %convert_element_type3A_465, %cond3A_466 : i32
      scf.if %cond3A_467 {
        %dma_wait3A_486 = arith.constant 0 : i32
        %dma_wait3A_487 = arith.constant 0 : i32
        %dma_wait3A_488 = arith.constant 0 : i32
        %dma_wait3A_489 = tpu.memref_slice %arg7[%dma_wait3A_486, %dma_wait3A_487, %dma_wait3A_488] : memref<8x2x80xi32, #tpu.memory_space<vmem>> -> memref<1x1x80xi32, #tpu.memory_space<vmem>>
        %dma_wait3A_490 = tpu.memref_squeeze %dma_wait3A_489 : memref<1x1x80xi32, #tpu.memory_space<vmem>> -> memref<80xi32, #tpu.memory_space<vmem>>
        %dma_wait3A_491 = arith.constant 0 : i32
        %dma_wait3A_492 = arith.constant 0 : i32
        %dma_wait3A_493 = tpu.memref_slice %arg3[%dma_wait3A_491, %dma_wait3A_492] : memref<10000x128xf32, #tpu.memory_space<hbm>> -> memref<10000x128xf32, #tpu.memory_space<hbm>>
        tpu.wait_indirect_dma semaphore(%arg13 : memref<!tpu.dma_semaphore, #tpu.memory_space<semaphore_mem>>) src(%dma_wait3A_493 : memref<10000x128xf32, #tpu.memory_space<hbm>>) dst(%arg9 : memref<80x128xf32, #tpu.memory_space<vmem>>)
        %dma_start3A_494 = arith.constant 3 : i32
        %dma_start3A_495 = arith.constant 1 : i32
        %dma_start3A_496 = arith.constant 0 : i32
        %dma_start3A_497 = tpu.memref_slice %arg7[%dma_start3A_494, %dma_start3A_495, %dma_start3A_496] : memref<8x2x80xi32, #tpu.memory_space<vmem>> -> memref<1x1x80xi32, #tpu.memory_space<vmem>>
        %dma_start3A_498 = tpu.memref_squeeze %dma_start3A_497 : memref<1x1x80xi32, #tpu.memory_space<vmem>> -> memref<80xi32, #tpu.memory_space<vmem>>
        %dma_start3A_499 = arith.constant 0 : i32
        %dma_start3A_500 = arith.constant 0 : i32
        %dma_start3A_501 = tpu.memref_slice %arg6[%dma_start3A_499, %dma_start3A_500] : memref<10240x128xf32, #tpu.memory_space<vmem_shared>> -> memref<10240x128xf32, #tpu.memory_space<vmem_shared>>
        tpu.enqueue_indirect_dma source(%arg9 : memref<80x128xf32, #tpu.memory_space<vmem>>) target(%dma_start3A_501 : memref<10240x128xf32, #tpu.memory_space<vmem_shared>>) offsets(%dma_start3A_498 : memref<80xi32, #tpu.memory_space<vmem>>) semaphore(%arg17 : memref<!tpu.dma_semaphore, #tpu.memory_space<semaphore_mem>>) {add = true}
        %add3A_502 = arith.constant 4 : i32
        %add3A_503 = arith.addi %add3A_462, %add3A_502 : i32
        %lt3A_504 = arith.constant 125 : i32
        %lt3A_505 = arith.cmpi slt, %add3A_503, %lt3A_504 : i32
        %convert_element_type3A_506 = arith.extui %lt3A_505 : i1 to i32
        %cond3A_507 = arith.constant 0 : i32
        %cond3A_508 = arith.cmpi ne, %convert_element_type3A_506, %cond3A_507 : i32
        scf.if %cond3A_508 {
          %dma_wait3A_509 = arith.constant 0 : i32
          %dma_wait3A_510 = arith.constant 1 : i32
          %dma_wait3A_511 = arith.constant 0 : i32
          %dma_wait3A_512 = tpu.memref_slice %arg7[%dma_wait3A_509, %dma_wait3A_510, %dma_wait3A_511] : memref<8x2x80xi32, #tpu.memory_space<vmem>> -> memref<1x1x80xi32, #tpu.memory_space<vmem>>
          %dma_wait3A_513 = tpu.memref_squeeze %dma_wait3A_512 : memref<1x1x80xi32, #tpu.memory_space<vmem>> -> memref<80xi32, #tpu.memory_space<vmem>>
          %dma_wait3A_514 = arith.constant 0 : i32
          %dma_wait3A_515 = arith.constant 0 : i32
          %dma_wait3A_516 = tpu.memref_slice %arg6[%dma_wait3A_514, %dma_wait3A_515] : memref<10240x128xf32, #tpu.memory_space<vmem_shared>> -> memref<10240x128xf32, #tpu.memory_space<vmem_shared>>
          tpu.wait_indirect_dma semaphore(%arg17 : memref<!tpu.dma_semaphore, #tpu.memory_space<semaphore_mem>>) src(%arg9 : memref<80x128xf32, #tpu.memory_space<vmem>>) dst(%dma_wait3A_516 : memref<10240x128xf32, #tpu.memory_space<vmem_shared>>)
          %add3A_517 = arith.constant 8 : i32
          %add3A_518 = arith.addi %add3A_462, %add3A_517 : i32
          %lt3A_519 = arith.constant 125 : i32
          %lt3A_520 = arith.cmpi slt, %add3A_518, %lt3A_519 : i32
          %convert_element_type3A_521 = arith.extui %lt3A_520 : i1 to i32
          %cond3A_522 = arith.constant 0 : i32
          %cond3A_523 = arith.cmpi ne, %convert_element_type3A_521, %cond3A_522 : i32
          scf.if %cond3A_523 {
            %add3A_556 = arith.constant 8 : i32
            %add3A_557 = arith.addi %add3A_462, %add3A_556 : i32
            %mul3A_558 = arith.constant 80 : i32
            %mul3A_559 = arith.muli %add3A_557, %mul3A_558 : i32
            %add3A_560 = arith.addi %mul3A_2, %mul3A_559 : i32
            %dma_start3A_561 = arith.constant 3 : i32
            %dma_start3A_562 = arith.constant 0 : i32
            %dma_start3A_563 = arith.constant 0 : i32
            %dma_start3A_564 = tpu.memref_slice %arg7[%dma_start3A_561, %dma_start3A_562, %dma_start3A_563] : memref<8x2x80xi32, #tpu.memory_space<vmem>> -> memref<1x1x80xi32, #tpu.memory_space<vmem>>
            %dma_start3A_565 = tpu.memref_squeeze %dma_start3A_564 : memref<1x1x80xi32, #tpu.memory_space<vmem>> -> memref<80xi32, #tpu.memory_space<vmem>>
            %dma_start3A_566 = tpu.memref_slice %arg2[%add3A_560] : memref<640000xi32, #tpu.memory_space<hbm>> -> memref<80xi32, #tpu.memory_space<hbm>>
            %dma_start3A_567 = arith.constant 0 : i32
            %dma_start3A_568 = tpu.memref_slice %arg7[%dma_start3A_561, %dma_start3A_562, %dma_start3A_567] : memref<8x2x80xi32, #tpu.memory_space<vmem>> -> memref<1x1x80xi32, #tpu.memory_space<vmem>>
            %dma_start3A_569 = tpu.memref_squeeze %dma_start3A_568 : memref<1x1x80xi32, #tpu.memory_space<vmem>> -> memref<80xi32, #tpu.memory_space<vmem>>
            %dma_start3A_570 = tpu.memref_slice %arg2[%add3A_560] : memref<640000xi32, #tpu.memory_space<hbm>> -> memref<80xi32, #tpu.memory_space<hbm>>
            tpu.enqueue_dma source(%dma_start3A_570 : memref<80xi32, #tpu.memory_space<hbm>>) target(%dma_start3A_569 : memref<80xi32, #tpu.memory_space<vmem>>) target_semaphore(%arg23 : memref<!tpu.dma_semaphore, #tpu.memory_space<semaphore_mem>>)
            %add3A_571 = arith.constant 320000 : i32
            %add3A_572 = arith.addi %add3A_571, %mul3A_2 : i32
            %mul3A_573 = arith.constant 80 : i32
            %mul3A_574 = arith.muli %add3A_557, %mul3A_573 : i32
            %add3A_575 = arith.addi %add3A_572, %mul3A_574 : i32
            %dma_start3A_576 = arith.constant 3 : i32
            %dma_start3A_577 = arith.constant 1 : i32
            %dma_start3A_578 = arith.constant 0 : i32
            %dma_start3A_579 = tpu.memref_slice %arg7[%dma_start3A_576, %dma_start3A_577, %dma_start3A_578] : memref<8x2x80xi32, #tpu.memory_space<vmem>> -> memref<1x1x80xi32, #tpu.memory_space<vmem>>
            %dma_start3A_580 = tpu.memref_squeeze %dma_start3A_579 : memref<1x1x80xi32, #tpu.memory_space<vmem>> -> memref<80xi32, #tpu.memory_space<vmem>>
            %dma_start3A_581 = tpu.memref_slice %arg2[%add3A_575] : memref<640000xi32, #tpu.memory_space<hbm>> -> memref<80xi32, #tpu.memory_space<hbm>>
            %dma_start3A_582 = arith.constant 0 : i32
            %dma_start3A_583 = tpu.memref_slice %arg7[%dma_start3A_576, %dma_start3A_577, %dma_start3A_582] : memref<8x2x80xi32, #tpu.memory_space<vmem>> -> memref<1x1x80xi32, #tpu.memory_space<vmem>>
            %dma_start3A_584 = tpu.memref_squeeze %dma_start3A_583 : memref<1x1x80xi32, #tpu.memory_space<vmem>> -> memref<80xi32, #tpu.memory_space<vmem>>
            %dma_start3A_585 = tpu.memref_slice %arg2[%add3A_575] : memref<640000xi32, #tpu.memory_space<hbm>> -> memref<80xi32, #tpu.memory_space<hbm>>
            tpu.enqueue_dma source(%dma_start3A_585 : memref<80xi32, #tpu.memory_space<hbm>>) target(%dma_start3A_584 : memref<80xi32, #tpu.memory_space<vmem>>) target_semaphore(%arg23 : memref<!tpu.dma_semaphore, #tpu.memory_space<semaphore_mem>>)
          } else {
          }
          %dma_wait3A_524 = arith.constant 2 : i32
          %dma_wait3A_525 = arith.constant 0 : i32
          %dma_wait3A_526 = arith.constant 0 : i32
          %dma_wait3A_527 = tpu.memref_slice %arg7[%dma_wait3A_524, %dma_wait3A_525, %dma_wait3A_526] : memref<8x2x80xi32, #tpu.memory_space<vmem>> -> memref<1x1x80xi32, #tpu.memory_space<vmem>>
          %dma_wait3A_528 = tpu.memref_squeeze %dma_wait3A_527 : memref<1x1x80xi32, #tpu.memory_space<vmem>> -> memref<80xi32, #tpu.memory_space<vmem>>
          %dma_wait3A_529 = arith.constant 0 : i32
          %dma_wait3A_530 = tpu.memref_slice %arg2[%dma_wait3A_529] : memref<640000xi32, #tpu.memory_space<hbm>> -> memref<80xi32, #tpu.memory_space<hbm>>
          %dma_wait3A_531 = arith.constant 0 : i32
          %dma_wait3A_532 = tpu.memref_slice %arg7[%dma_wait3A_524, %dma_wait3A_525, %dma_wait3A_531] : memref<8x2x80xi32, #tpu.memory_space<vmem>> -> memref<1x1x80xi32, #tpu.memory_space<vmem>>
          %dma_wait3A_533 = tpu.memref_squeeze %dma_wait3A_532 : memref<1x1x80xi32, #tpu.memory_space<vmem>> -> memref<80xi32, #tpu.memory_space<vmem>>
          %dma_wait3A_534 = arith.constant 0 : i32
          %dma_wait3A_535 = tpu.memref_slice %arg2[%dma_wait3A_534] : memref<640000xi32, #tpu.memory_space<hbm>> -> memref<80xi32, #tpu.memory_space<hbm>>
          tpu.wait_dma2 semaphore(%arg22 : memref<!tpu.dma_semaphore, #tpu.memory_space<semaphore_mem>>) src(%dma_wait3A_535 : memref<80xi32, #tpu.memory_space<hbm>>) dst(%dma_wait3A_533 : memref<80xi32, #tpu.memory_space<vmem>>)
          %dma_wait3A_536 = arith.constant 2 : i32
          %dma_wait3A_537 = arith.constant 1 : i32
          %dma_wait3A_538 = arith.constant 0 : i32
          %dma_wait3A_539 = tpu.memref_slice %arg7[%dma_wait3A_536, %dma_wait3A_537, %dma_wait3A_538] : memref<8x2x80xi32, #tpu.memory_space<vmem>> -> memref<1x1x80xi32, #tpu.memory_space<vmem>>
          %dma_wait3A_540 = tpu.memref_squeeze %dma_wait3A_539 : memref<1x1x80xi32, #tpu.memory_space<vmem>> -> memref<80xi32, #tpu.memory_space<vmem>>
          %dma_wait3A_541 = arith.constant 0 : i32
          %dma_wait3A_542 = tpu.memref_slice %arg2[%dma_wait3A_541] : memref<640000xi32, #tpu.memory_space<hbm>> -> memref<80xi32, #tpu.memory_space<hbm>>
          %dma_wait3A_543 = arith.constant 0 : i32
          %dma_wait3A_544 = tpu.memref_slice %arg7[%dma_wait3A_536, %dma_wait3A_537, %dma_wait3A_543] : memref<8x2x80xi32, #tpu.memory_space<vmem>> -> memref<1x1x80xi32, #tpu.memory_space<vmem>>
          %dma_wait3A_545 = tpu.memref_squeeze %dma_wait3A_544 : memref<1x1x80xi32, #tpu.memory_space<vmem>> -> memref<80xi32, #tpu.memory_space<vmem>>
          %dma_wait3A_546 = arith.constant 0 : i32
          %dma_wait3A_547 = tpu.memref_slice %arg2[%dma_wait3A_546] : memref<640000xi32, #tpu.memory_space<hbm>> -> memref<80xi32, #tpu.memory_space<hbm>>
          tpu.wait_dma2 semaphore(%arg22 : memref<!tpu.dma_semaphore, #tpu.memory_space<semaphore_mem>>) src(%dma_wait3A_547 : memref<80xi32, #tpu.memory_space<hbm>>) dst(%dma_wait3A_545 : memref<80xi32, #tpu.memory_space<vmem>>)
          %dma_start3A_548 = arith.constant 2 : i32
          %dma_start3A_549 = arith.constant 0 : i32
          %dma_start3A_550 = arith.constant 0 : i32
          %dma_start3A_551 = tpu.memref_slice %arg7[%dma_start3A_548, %dma_start3A_549, %dma_start3A_550] : memref<8x2x80xi32, #tpu.memory_space<vmem>> -> memref<1x1x80xi32, #tpu.memory_space<vmem>>
          %dma_start3A_552 = tpu.memref_squeeze %dma_start3A_551 : memref<1x1x80xi32, #tpu.memory_space<vmem>> -> memref<80xi32, #tpu.memory_space<vmem>>
          %dma_start3A_553 = arith.constant 0 : i32
          %dma_start3A_554 = arith.constant 0 : i32
          %dma_start3A_555 = tpu.memref_slice %arg3[%dma_start3A_553, %dma_start3A_554] : memref<10000x128xf32, #tpu.memory_space<hbm>> -> memref<10000x128xf32, #tpu.memory_space<hbm>>
          tpu.enqueue_indirect_dma source(%dma_start3A_555 : memref<10000x128xf32, #tpu.memory_space<hbm>>) target(%arg9 : memref<80x128xf32, #tpu.memory_space<vmem>>) offsets(%dma_start3A_552 : memref<80xi32, #tpu.memory_space<vmem>>) semaphore(%arg13 : memref<!tpu.dma_semaphore, #tpu.memory_space<semaphore_mem>>)
        } else {
        }
      } else {
      }
      %mul3A_468 = arith.constant 8 : i32
      %mul3A_469 = arith.muli %mul3A_468, %scan3A_414 : i32
      %add3A_470 = arith.constant 6 : i32
      %add3A_471 = arith.addi %mul3A_469, %add3A_470 : i32
      %lt3A_472 = arith.constant 125 : i32
      %lt3A_473 = arith.cmpi slt, %add3A_471, %lt3A_472 : i32
      %convert_element_type3A_474 = arith.extui %lt3A_473 : i1 to i32
      %cond3A_475 = arith.constant 0 : i32
      %cond3A_476 = arith.cmpi ne, %convert_element_type3A_474, %cond3A_475 : i32
      scf.if %cond3A_476 {
        %dma_wait3A_486 = arith.constant 0 : i32
        %dma_wait3A_487 = arith.constant 0 : i32
        %dma_wait3A_488 = arith.constant 0 : i32
        %dma_wait3A_489 = tpu.memref_slice %arg7[%dma_wait3A_486, %dma_wait3A_487, %dma_wait3A_488] : memref<8x2x80xi32, #tpu.memory_space<vmem>> -> memref<1x1x80xi32, #tpu.memory_space<vmem>>
        %dma_wait3A_490 = tpu.memref_squeeze %dma_wait3A_489 : memref<1x1x80xi32, #tpu.memory_space<vmem>> -> memref<80xi32, #tpu.memory_space<vmem>>
        %dma_wait3A_491 = arith.constant 0 : i32
        %dma_wait3A_492 = arith.constant 0 : i32
        %dma_wait3A_493 = tpu.memref_slice %arg3[%dma_wait3A_491, %dma_wait3A_492] : memref<10000x128xf32, #tpu.memory_space<hbm>> -> memref<10000x128xf32, #tpu.memory_space<hbm>>
        tpu.wait_indirect_dma semaphore(%arg14 : memref<!tpu.dma_semaphore, #tpu.memory_space<semaphore_mem>>) src(%dma_wait3A_493 : memref<10000x128xf32, #tpu.memory_space<hbm>>) dst(%arg10 : memref<80x128xf32, #tpu.memory_space<vmem>>)
        %dma_start3A_494 = arith.constant 5 : i32
        %dma_start3A_495 = arith.constant 1 : i32
        %dma_start3A_496 = arith.constant 0 : i32
        %dma_start3A_497 = tpu.memref_slice %arg7[%dma_start3A_494, %dma_start3A_495, %dma_start3A_496] : memref<8x2x80xi32, #tpu.memory_space<vmem>> -> memref<1x1x80xi32, #tpu.memory_space<vmem>>
        %dma_start3A_498 = tpu.memref_squeeze %dma_start3A_497 : memref<1x1x80xi32, #tpu.memory_space<vmem>> -> memref<80xi32, #tpu.memory_space<vmem>>
        %dma_start3A_499 = arith.constant 0 : i32
        %dma_start3A_500 = arith.constant 0 : i32
        %dma_start3A_501 = tpu.memref_slice %arg6[%dma_start3A_499, %dma_start3A_500] : memref<10240x128xf32, #tpu.memory_space<vmem_shared>> -> memref<10240x128xf32, #tpu.memory_space<vmem_shared>>
        tpu.enqueue_indirect_dma source(%arg10 : memref<80x128xf32, #tpu.memory_space<vmem>>) target(%dma_start3A_501 : memref<10240x128xf32, #tpu.memory_space<vmem_shared>>) offsets(%dma_start3A_498 : memref<80xi32, #tpu.memory_space<vmem>>) semaphore(%arg18 : memref<!tpu.dma_semaphore, #tpu.memory_space<semaphore_mem>>) {add = true}
        %add3A_502 = arith.constant 4 : i32
        %add3A_503 = arith.addi %add3A_471, %add3A_502 : i32
        %lt3A_504 = arith.constant 125 : i32
        %lt3A_505 = arith.cmpi slt, %add3A_503, %lt3A_504 : i32
        %convert_element_type3A_506 = arith.extui %lt3A_505 : i1 to i32
        %cond3A_507 = arith.constant 0 : i32
        %cond3A_508 = arith.cmpi ne, %convert_element_type3A_506, %cond3A_507 : i32
        scf.if %cond3A_508 {
          %dma_wait3A_509 = arith.constant 0 : i32
          %dma_wait3A_510 = arith.constant 1 : i32
          %dma_wait3A_511 = arith.constant 0 : i32
          %dma_wait3A_512 = tpu.memref_slice %arg7[%dma_wait3A_509, %dma_wait3A_510, %dma_wait3A_511] : memref<8x2x80xi32, #tpu.memory_space<vmem>> -> memref<1x1x80xi32, #tpu.memory_space<vmem>>
          %dma_wait3A_513 = tpu.memref_squeeze %dma_wait3A_512 : memref<1x1x80xi32, #tpu.memory_space<vmem>> -> memref<80xi32, #tpu.memory_space<vmem>>
          %dma_wait3A_514 = arith.constant 0 : i32
          %dma_wait3A_515 = arith.constant 0 : i32
          %dma_wait3A_516 = tpu.memref_slice %arg6[%dma_wait3A_514, %dma_wait3A_515] : memref<10240x128xf32, #tpu.memory_space<vmem_shared>> -> memref<10240x128xf32, #tpu.memory_space<vmem_shared>>
          tpu.wait_indirect_dma semaphore(%arg18 : memref<!tpu.dma_semaphore, #tpu.memory_space<semaphore_mem>>) src(%arg10 : memref<80x128xf32, #tpu.memory_space<vmem>>) dst(%dma_wait3A_516 : memref<10240x128xf32, #tpu.memory_space<vmem_shared>>)
          %add3A_517 = arith.constant 8 : i32
          %add3A_518 = arith.addi %add3A_471, %add3A_517 : i32
          %lt3A_519 = arith.constant 125 : i32
          %lt3A_520 = arith.cmpi slt, %add3A_518, %lt3A_519 : i32
          %convert_element_type3A_521 = arith.extui %lt3A_520 : i1 to i32
          %cond3A_522 = arith.constant 0 : i32
          %cond3A_523 = arith.cmpi ne, %convert_element_type3A_521, %cond3A_522 : i32
          scf.if %cond3A_523 {
            %add3A_556 = arith.constant 8 : i32
            %add3A_557 = arith.addi %add3A_471, %add3A_556 : i32
            %mul3A_558 = arith.constant 80 : i32
            %mul3A_559 = arith.muli %add3A_557, %mul3A_558 : i32
            %add3A_560 = arith.addi %mul3A_2, %mul3A_559 : i32
            %dma_start3A_561 = arith.constant 5 : i32
            %dma_start3A_562 = arith.constant 0 : i32
            %dma_start3A_563 = arith.constant 0 : i32
            %dma_start3A_564 = tpu.memref_slice %arg7[%dma_start3A_561, %dma_start3A_562, %dma_start3A_563] : memref<8x2x80xi32, #tpu.memory_space<vmem>> -> memref<1x1x80xi32, #tpu.memory_space<vmem>>
            %dma_start3A_565 = tpu.memref_squeeze %dma_start3A_564 : memref<1x1x80xi32, #tpu.memory_space<vmem>> -> memref<80xi32, #tpu.memory_space<vmem>>
            %dma_start3A_566 = tpu.memref_slice %arg2[%add3A_560] : memref<640000xi32, #tpu.memory_space<hbm>> -> memref<80xi32, #tpu.memory_space<hbm>>
            %dma_start3A_567 = arith.constant 0 : i32
            %dma_start3A_568 = tpu.memref_slice %arg7[%dma_start3A_561, %dma_start3A_562, %dma_start3A_567] : memref<8x2x80xi32, #tpu.memory_space<vmem>> -> memref<1x1x80xi32, #tpu.memory_space<vmem>>
            %dma_start3A_569 = tpu.memref_squeeze %dma_start3A_568 : memref<1x1x80xi32, #tpu.memory_space<vmem>> -> memref<80xi32, #tpu.memory_space<vmem>>
            %dma_start3A_570 = tpu.memref_slice %arg2[%add3A_560] : memref<640000xi32, #tpu.memory_space<hbm>> -> memref<80xi32, #tpu.memory_space<hbm>>
            tpu.enqueue_dma source(%dma_start3A_570 : memref<80xi32, #tpu.memory_space<hbm>>) target(%dma_start3A_569 : memref<80xi32, #tpu.memory_space<vmem>>) target_semaphore(%arg25 : memref<!tpu.dma_semaphore, #tpu.memory_space<semaphore_mem>>)
            %add3A_571 = arith.constant 320000 : i32
            %add3A_572 = arith.addi %add3A_571, %mul3A_2 : i32
            %mul3A_573 = arith.constant 80 : i32
            %mul3A_574 = arith.muli %add3A_557, %mul3A_573 : i32
            %add3A_575 = arith.addi %add3A_572, %mul3A_574 : i32
            %dma_start3A_576 = arith.constant 5 : i32
            %dma_start3A_577 = arith.constant 1 : i32
            %dma_start3A_578 = arith.constant 0 : i32
            %dma_start3A_579 = tpu.memref_slice %arg7[%dma_start3A_576, %dma_start3A_577, %dma_start3A_578] : memref<8x2x80xi32, #tpu.memory_space<vmem>> -> memref<1x1x80xi32, #tpu.memory_space<vmem>>
            %dma_start3A_580 = tpu.memref_squeeze %dma_start3A_579 : memref<1x1x80xi32, #tpu.memory_space<vmem>> -> memref<80xi32, #tpu.memory_space<vmem>>
            %dma_start3A_581 = tpu.memref_slice %arg2[%add3A_575] : memref<640000xi32, #tpu.memory_space<hbm>> -> memref<80xi32, #tpu.memory_space<hbm>>
            %dma_start3A_582 = arith.constant 0 : i32
            %dma_start3A_583 = tpu.memref_slice %arg7[%dma_start3A_576, %dma_start3A_577, %dma_start3A_582] : memref<8x2x80xi32, #tpu.memory_space<vmem>> -> memref<1x1x80xi32, #tpu.memory_space<vmem>>
            %dma_start3A_584 = tpu.memref_squeeze %dma_start3A_583 : memref<1x1x80xi32, #tpu.memory_space<vmem>> -> memref<80xi32, #tpu.memory_space<vmem>>
            %dma_start3A_585 = tpu.memref_slice %arg2[%add3A_575] : memref<640000xi32, #tpu.memory_space<hbm>> -> memref<80xi32, #tpu.memory_space<hbm>>
            tpu.enqueue_dma source(%dma_start3A_585 : memref<80xi32, #tpu.memory_space<hbm>>) target(%dma_start3A_584 : memref<80xi32, #tpu.memory_space<vmem>>) target_semaphore(%arg25 : memref<!tpu.dma_semaphore, #tpu.memory_space<semaphore_mem>>)
          } else {
          }
          %dma_wait3A_524 = arith.constant 4 : i32
          %dma_wait3A_525 = arith.constant 0 : i32
          %dma_wait3A_526 = arith.constant 0 : i32
          %dma_wait3A_527 = tpu.memref_slice %arg7[%dma_wait3A_524, %dma_wait3A_525, %dma_wait3A_526] : memref<8x2x80xi32, #tpu.memory_space<vmem>> -> memref<1x1x80xi32, #tpu.memory_space<vmem>>
          %dma_wait3A_528 = tpu.memref_squeeze %dma_wait3A_527 : memref<1x1x80xi32, #tpu.memory_space<vmem>> -> memref<80xi32, #tpu.memory_space<vmem>>
          %dma_wait3A_529 = arith.constant 0 : i32
          %dma_wait3A_530 = tpu.memref_slice %arg2[%dma_wait3A_529] : memref<640000xi32, #tpu.memory_space<hbm>> -> memref<80xi32, #tpu.memory_space<hbm>>
          %dma_wait3A_531 = arith.constant 0 : i32
          %dma_wait3A_532 = tpu.memref_slice %arg7[%dma_wait3A_524, %dma_wait3A_525, %dma_wait3A_531] : memref<8x2x80xi32, #tpu.memory_space<vmem>> -> memref<1x1x80xi32, #tpu.memory_space<vmem>>
          %dma_wait3A_533 = tpu.memref_squeeze %dma_wait3A_532 : memref<1x1x80xi32, #tpu.memory_space<vmem>> -> memref<80xi32, #tpu.memory_space<vmem>>
          %dma_wait3A_534 = arith.constant 0 : i32
          %dma_wait3A_535 = tpu.memref_slice %arg2[%dma_wait3A_534] : memref<640000xi32, #tpu.memory_space<hbm>> -> memref<80xi32, #tpu.memory_space<hbm>>
          tpu.wait_dma2 semaphore(%arg24 : memref<!tpu.dma_semaphore, #tpu.memory_space<semaphore_mem>>) src(%dma_wait3A_535 : memref<80xi32, #tpu.memory_space<hbm>>) dst(%dma_wait3A_533 : memref<80xi32, #tpu.memory_space<vmem>>)
          %dma_wait3A_536 = arith.constant 4 : i32
          %dma_wait3A_537 = arith.constant 1 : i32
          %dma_wait3A_538 = arith.constant 0 : i32
          %dma_wait3A_539 = tpu.memref_slice %arg7[%dma_wait3A_536, %dma_wait3A_537, %dma_wait3A_538] : memref<8x2x80xi32, #tpu.memory_space<vmem>> -> memref<1x1x80xi32, #tpu.memory_space<vmem>>
          %dma_wait3A_540 = tpu.memref_squeeze %dma_wait3A_539 : memref<1x1x80xi32, #tpu.memory_space<vmem>> -> memref<80xi32, #tpu.memory_space<vmem>>
          %dma_wait3A_541 = arith.constant 0 : i32
          %dma_wait3A_542 = tpu.memref_slice %arg2[%dma_wait3A_541] : memref<640000xi32, #tpu.memory_space<hbm>> -> memref<80xi32, #tpu.memory_space<hbm>>
          %dma_wait3A_543 = arith.constant 0 : i32
          %dma_wait3A_544 = tpu.memref_slice %arg7[%dma_wait3A_536, %dma_wait3A_537, %dma_wait3A_543] : memref<8x2x80xi32, #tpu.memory_space<vmem>> -> memref<1x1x80xi32, #tpu.memory_space<vmem>>
          %dma_wait3A_545 = tpu.memref_squeeze %dma_wait3A_544 : memref<1x1x80xi32, #tpu.memory_space<vmem>> -> memref<80xi32, #tpu.memory_space<vmem>>
          %dma_wait3A_546 = arith.constant 0 : i32
          %dma_wait3A_547 = tpu.memref_slice %arg2[%dma_wait3A_546] : memref<640000xi32, #tpu.memory_space<hbm>> -> memref<80xi32, #tpu.memory_space<hbm>>
          tpu.wait_dma2 semaphore(%arg24 : memref<!tpu.dma_semaphore, #tpu.memory_space<semaphore_mem>>) src(%dma_wait3A_547 : memref<80xi32, #tpu.memory_space<hbm>>) dst(%dma_wait3A_545 : memref<80xi32, #tpu.memory_space<vmem>>)
          %dma_start3A_548 = arith.constant 4 : i32
          %dma_start3A_549 = arith.constant 0 : i32
          %dma_start3A_550 = arith.constant 0 : i32
          %dma_start3A_551 = tpu.memref_slice %arg7[%dma_start3A_548, %dma_start3A_549, %dma_start3A_550] : memref<8x2x80xi32, #tpu.memory_space<vmem>> -> memref<1x1x80xi32, #tpu.memory_space<vmem>>
          %dma_start3A_552 = tpu.memref_squeeze %dma_start3A_551 : memref<1x1x80xi32, #tpu.memory_space<vmem>> -> memref<80xi32, #tpu.memory_space<vmem>>
          %dma_start3A_553 = arith.constant 0 : i32
          %dma_start3A_554 = arith.constant 0 : i32
          %dma_start3A_555 = tpu.memref_slice %arg3[%dma_start3A_553, %dma_start3A_554] : memref<10000x128xf32, #tpu.memory_space<hbm>> -> memref<10000x128xf32, #tpu.memory_space<hbm>>
          tpu.enqueue_indirect_dma source(%dma_start3A_555 : memref<10000x128xf32, #tpu.memory_space<hbm>>) target(%arg10 : memref<80x128xf32, #tpu.memory_space<vmem>>) offsets(%dma_start3A_552 : memref<80xi32, #tpu.memory_space<vmem>>) semaphore(%arg14 : memref<!tpu.dma_semaphore, #tpu.memory_space<semaphore_mem>>)
        } else {
        }
      } else {
      }
      %mul3A_477 = arith.constant 8 : i32
      %mul3A_478 = arith.muli %mul3A_477, %scan3A_414 : i32
      %add3A_479 = arith.constant 7 : i32
      %add3A_480 = arith.addi %mul3A_478, %add3A_479 : i32
      %lt3A_481 = arith.constant 125 : i32
      %lt3A_482 = arith.cmpi slt, %add3A_480, %lt3A_481 : i32
      %convert_element_type3A_483 = arith.extui %lt3A_482 : i1 to i32
      %cond3A_484 = arith.constant 0 : i32
      %cond3A_485 = arith.cmpi ne, %convert_element_type3A_483, %cond3A_484 : i32
      scf.if %cond3A_485 {
        %dma_wait3A_486 = arith.constant 0 : i32
        %dma_wait3A_487 = arith.constant 0 : i32
        %dma_wait3A_488 = arith.constant 0 : i32
        %dma_wait3A_489 = tpu.memref_slice %arg7[%dma_wait3A_486, %dma_wait3A_487, %dma_wait3A_488] : memref<8x2x80xi32, #tpu.memory_space<vmem>> -> memref<1x1x80xi32, #tpu.memory_space<vmem>>
        %dma_wait3A_490 = tpu.memref_squeeze %dma_wait3A_489 : memref<1x1x80xi32, #tpu.memory_space<vmem>> -> memref<80xi32, #tpu.memory_space<vmem>>
        %dma_wait3A_491 = arith.constant 0 : i32
        %dma_wait3A_492 = arith.constant 0 : i32
        %dma_wait3A_493 = tpu.memref_slice %arg3[%dma_wait3A_491, %dma_wait3A_492] : memref<10000x128xf32, #tpu.memory_space<hbm>> -> memref<10000x128xf32, #tpu.memory_space<hbm>>
        tpu.wait_indirect_dma semaphore(%arg15 : memref<!tpu.dma_semaphore, #tpu.memory_space<semaphore_mem>>) src(%dma_wait3A_493 : memref<10000x128xf32, #tpu.memory_space<hbm>>) dst(%arg11 : memref<80x128xf32, #tpu.memory_space<vmem>>)
        %dma_start3A_494 = arith.constant 7 : i32
        %dma_start3A_495 = arith.constant 1 : i32
        %dma_start3A_496 = arith.constant 0 : i32
        %dma_start3A_497 = tpu.memref_slice %arg7[%dma_start3A_494, %dma_start3A_495, %dma_start3A_496] : memref<8x2x80xi32, #tpu.memory_space<vmem>> -> memref<1x1x80xi32, #tpu.memory_space<vmem>>
        %dma_start3A_498 = tpu.memref_squeeze %dma_start3A_497 : memref<1x1x80xi32, #tpu.memory_space<vmem>> -> memref<80xi32, #tpu.memory_space<vmem>>
        %dma_start3A_499 = arith.constant 0 : i32
        %dma_start3A_500 = arith.constant 0 : i32
        %dma_start3A_501 = tpu.memref_slice %arg6[%dma_start3A_499, %dma_start3A_500] : memref<10240x128xf32, #tpu.memory_space<vmem_shared>> -> memref<10240x128xf32, #tpu.memory_space<vmem_shared>>
        tpu.enqueue_indirect_dma source(%arg11 : memref<80x128xf32, #tpu.memory_space<vmem>>) target(%dma_start3A_501 : memref<10240x128xf32, #tpu.memory_space<vmem_shared>>) offsets(%dma_start3A_498 : memref<80xi32, #tpu.memory_space<vmem>>) semaphore(%arg19 : memref<!tpu.dma_semaphore, #tpu.memory_space<semaphore_mem>>) {add = true}
        %add3A_502 = arith.constant 4 : i32
        %add3A_503 = arith.addi %add3A_480, %add3A_502 : i32
        %lt3A_504 = arith.constant 125 : i32
        %lt3A_505 = arith.cmpi slt, %add3A_503, %lt3A_504 : i32
        %convert_element_type3A_506 = arith.extui %lt3A_505 : i1 to i32
        %cond3A_507 = arith.constant 0 : i32
        %cond3A_508 = arith.cmpi ne, %convert_element_type3A_506, %cond3A_507 : i32
        scf.if %cond3A_508 {
          %dma_wait3A_509 = arith.constant 0 : i32
          %dma_wait3A_510 = arith.constant 1 : i32
          %dma_wait3A_511 = arith.constant 0 : i32
          %dma_wait3A_512 = tpu.memref_slice %arg7[%dma_wait3A_509, %dma_wait3A_510, %dma_wait3A_511] : memref<8x2x80xi32, #tpu.memory_space<vmem>> -> memref<1x1x80xi32, #tpu.memory_space<vmem>>
          %dma_wait3A_513 = tpu.memref_squeeze %dma_wait3A_512 : memref<1x1x80xi32, #tpu.memory_space<vmem>> -> memref<80xi32, #tpu.memory_space<vmem>>
          %dma_wait3A_514 = arith.constant 0 : i32
          %dma_wait3A_515 = arith.constant 0 : i32
          %dma_wait3A_516 = tpu.memref_slice %arg6[%dma_wait3A_514, %dma_wait3A_515] : memref<10240x128xf32, #tpu.memory_space<vmem_shared>> -> memref<10240x128xf32, #tpu.memory_space<vmem_shared>>
          tpu.wait_indirect_dma semaphore(%arg19 : memref<!tpu.dma_semaphore, #tpu.memory_space<semaphore_mem>>) src(%arg11 : memref<80x128xf32, #tpu.memory_space<vmem>>) dst(%dma_wait3A_516 : memref<10240x128xf32, #tpu.memory_space<vmem_shared>>)
          %add3A_517 = arith.constant 8 : i32
          %add3A_518 = arith.addi %add3A_480, %add3A_517 : i32
          %lt3A_519 = arith.constant 125 : i32
          %lt3A_520 = arith.cmpi slt, %add3A_518, %lt3A_519 : i32
          %convert_element_type3A_521 = arith.extui %lt3A_520 : i1 to i32
          %cond3A_522 = arith.constant 0 : i32
          %cond3A_523 = arith.cmpi ne, %convert_element_type3A_521, %cond3A_522 : i32
          scf.if %cond3A_523 {
            %add3A_556 = arith.constant 8 : i32
            %add3A_557 = arith.addi %add3A_480, %add3A_556 : i32
            %mul3A_558 = arith.constant 80 : i32
            %mul3A_559 = arith.muli %add3A_557, %mul3A_558 : i32
            %add3A_560 = arith.addi %mul3A_2, %mul3A_559 : i32
            %dma_start3A_561 = arith.constant 7 : i32
            %dma_start3A_562 = arith.constant 0 : i32
            %dma_start3A_563 = arith.constant 0 : i32
            %dma_start3A_564 = tpu.memref_slice %arg7[%dma_start3A_561, %dma_start3A_562, %dma_start3A_563] : memref<8x2x80xi32, #tpu.memory_space<vmem>> -> memref<1x1x80xi32, #tpu.memory_space<vmem>>
            %dma_start3A_565 = tpu.memref_squeeze %dma_start3A_564 : memref<1x1x80xi32, #tpu.memory_space<vmem>> -> memref<80xi32, #tpu.memory_space<vmem>>
            %dma_start3A_566 = tpu.memref_slice %arg2[%add3A_560] : memref<640000xi32, #tpu.memory_space<hbm>> -> memref<80xi32, #tpu.memory_space<hbm>>
            %dma_start3A_567 = arith.constant 0 : i32
            %dma_start3A_568 = tpu.memref_slice %arg7[%dma_start3A_561, %dma_start3A_562, %dma_start3A_567] : memref<8x2x80xi32, #tpu.memory_space<vmem>> -> memref<1x1x80xi32, #tpu.memory_space<vmem>>
            %dma_start3A_569 = tpu.memref_squeeze %dma_start3A_568 : memref<1x1x80xi32, #tpu.memory_space<vmem>> -> memref<80xi32, #tpu.memory_space<vmem>>
            %dma_start3A_570 = tpu.memref_slice %arg2[%add3A_560] : memref<640000xi32, #tpu.memory_space<hbm>> -> memref<80xi32, #tpu.memory_space<hbm>>
            tpu.enqueue_dma source(%dma_start3A_570 : memref<80xi32, #tpu.memory_space<hbm>>) target(%dma_start3A_569 : memref<80xi32, #tpu.memory_space<vmem>>) target_semaphore(%arg27 : memref<!tpu.dma_semaphore, #tpu.memory_space<semaphore_mem>>)
            %add3A_571 = arith.constant 320000 : i32
            %add3A_572 = arith.addi %add3A_571, %mul3A_2 : i32
            %mul3A_573 = arith.constant 80 : i32
            %mul3A_574 = arith.muli %add3A_557, %mul3A_573 : i32
            %add3A_575 = arith.addi %add3A_572, %mul3A_574 : i32
            %dma_start3A_576 = arith.constant 7 : i32
            %dma_start3A_577 = arith.constant 1 : i32
            %dma_start3A_578 = arith.constant 0 : i32
            %dma_start3A_579 = tpu.memref_slice %arg7[%dma_start3A_576, %dma_start3A_577, %dma_start3A_578] : memref<8x2x80xi32, #tpu.memory_space<vmem>> -> memref<1x1x80xi32, #tpu.memory_space<vmem>>
            %dma_start3A_580 = tpu.memref_squeeze %dma_start3A_579 : memref<1x1x80xi32, #tpu.memory_space<vmem>> -> memref<80xi32, #tpu.memory_space<vmem>>
            %dma_start3A_581 = tpu.memref_slice %arg2[%add3A_575] : memref<640000xi32, #tpu.memory_space<hbm>> -> memref<80xi32, #tpu.memory_space<hbm>>
            %dma_start3A_582 = arith.constant 0 : i32
            %dma_start3A_583 = tpu.memref_slice %arg7[%dma_start3A_576, %dma_start3A_577, %dma_start3A_582] : memref<8x2x80xi32, #tpu.memory_space<vmem>> -> memref<1x1x80xi32, #tpu.memory_space<vmem>>
            %dma_start3A_584 = tpu.memref_squeeze %dma_start3A_583 : memref<1x1x80xi32, #tpu.memory_space<vmem>> -> memref<80xi32, #tpu.memory_space<vmem>>
            %dma_start3A_585 = tpu.memref_slice %arg2[%add3A_575] : memref<640000xi32, #tpu.memory_space<hbm>> -> memref<80xi32, #tpu.memory_space<hbm>>
            tpu.enqueue_dma source(%dma_start3A_585 : memref<80xi32, #tpu.memory_space<hbm>>) target(%dma_start3A_584 : memref<80xi32, #tpu.memory_space<vmem>>) target_semaphore(%arg27 : memref<!tpu.dma_semaphore, #tpu.memory_space<semaphore_mem>>)
          } else {
          }
          %dma_wait3A_524 = arith.constant 6 : i32
          %dma_wait3A_525 = arith.constant 0 : i32
          %dma_wait3A_526 = arith.constant 0 : i32
          %dma_wait3A_527 = tpu.memref_slice %arg7[%dma_wait3A_524, %dma_wait3A_525, %dma_wait3A_526] : memref<8x2x80xi32, #tpu.memory_space<vmem>> -> memref<1x1x80xi32, #tpu.memory_space<vmem>>
          %dma_wait3A_528 = tpu.memref_squeeze %dma_wait3A_527 : memref<1x1x80xi32, #tpu.memory_space<vmem>> -> memref<80xi32, #tpu.memory_space<vmem>>
          %dma_wait3A_529 = arith.constant 0 : i32
          %dma_wait3A_530 = tpu.memref_slice %arg2[%dma_wait3A_529] : memref<640000xi32, #tpu.memory_space<hbm>> -> memref<80xi32, #tpu.memory_space<hbm>>
          %dma_wait3A_531 = arith.constant 0 : i32
          %dma_wait3A_532 = tpu.memref_slice %arg7[%dma_wait3A_524, %dma_wait3A_525, %dma_wait3A_531] : memref<8x2x80xi32, #tpu.memory_space<vmem>> -> memref<1x1x80xi32, #tpu.memory_space<vmem>>
          %dma_wait3A_533 = tpu.memref_squeeze %dma_wait3A_532 : memref<1x1x80xi32, #tpu.memory_space<vmem>> -> memref<80xi32, #tpu.memory_space<vmem>>
          %dma_wait3A_534 = arith.constant 0 : i32
          %dma_wait3A_535 = tpu.memref_slice %arg2[%dma_wait3A_534] : memref<640000xi32, #tpu.memory_space<hbm>> -> memref<80xi32, #tpu.memory_space<hbm>>
          tpu.wait_dma2 semaphore(%arg26 : memref<!tpu.dma_semaphore, #tpu.memory_space<semaphore_mem>>) src(%dma_wait3A_535 : memref<80xi32, #tpu.memory_space<hbm>>) dst(%dma_wait3A_533 : memref<80xi32, #tpu.memory_space<vmem>>)
          %dma_wait3A_536 = arith.constant 6 : i32
          %dma_wait3A_537 = arith.constant 1 : i32
          %dma_wait3A_538 = arith.constant 0 : i32
          %dma_wait3A_539 = tpu.memref_slice %arg7[%dma_wait3A_536, %dma_wait3A_537, %dma_wait3A_538] : memref<8x2x80xi32, #tpu.memory_space<vmem>> -> memref<1x1x80xi32, #tpu.memory_space<vmem>>
          %dma_wait3A_540 = tpu.memref_squeeze %dma_wait3A_539 : memref<1x1x80xi32, #tpu.memory_space<vmem>> -> memref<80xi32, #tpu.memory_space<vmem>>
          %dma_wait3A_541 = arith.constant 0 : i32
          %dma_wait3A_542 = tpu.memref_slice %arg2[%dma_wait3A_541] : memref<640000xi32, #tpu.memory_space<hbm>> -> memref<80xi32, #tpu.memory_space<hbm>>
          %dma_wait3A_543 = arith.constant 0 : i32
          %dma_wait3A_544 = tpu.memref_slice %arg7[%dma_wait3A_536, %dma_wait3A_537, %dma_wait3A_543] : memref<8x2x80xi32, #tpu.memory_space<vmem>> -> memref<1x1x80xi32, #tpu.memory_space<vmem>>
          %dma_wait3A_545 = tpu.memref_squeeze %dma_wait3A_544 : memref<1x1x80xi32, #tpu.memory_space<vmem>> -> memref<80xi32, #tpu.memory_space<vmem>>
          %dma_wait3A_546 = arith.constant 0 : i32
          %dma_wait3A_547 = tpu.memref_slice %arg2[%dma_wait3A_546] : memref<640000xi32, #tpu.memory_space<hbm>> -> memref<80xi32, #tpu.memory_space<hbm>>
          tpu.wait_dma2 semaphore(%arg26 : memref<!tpu.dma_semaphore, #tpu.memory_space<semaphore_mem>>) src(%dma_wait3A_547 : memref<80xi32, #tpu.memory_space<hbm>>) dst(%dma_wait3A_545 : memref<80xi32, #tpu.memory_space<vmem>>)
          %dma_start3A_548 = arith.constant 6 : i32
          %dma_start3A_549 = arith.constant 0 : i32
          %dma_start3A_550 = arith.constant 0 : i32
          %dma_start3A_551 = tpu.memref_slice %arg7[%dma_start3A_548, %dma_start3A_549, %dma_start3A_550] : memref<8x2x80xi32, #tpu.memory_space<vmem>> -> memref<1x1x80xi32, #tpu.memory_space<vmem>>
          %dma_start3A_552 = tpu.memref_squeeze %dma_start3A_551 : memref<1x1x80xi32, #tpu.memory_space<vmem>> -> memref<80xi32, #tpu.memory_space<vmem>>
          %dma_start3A_553 = arith.constant 0 : i32
          %dma_start3A_554 = arith.constant 0 : i32
          %dma_start3A_555 = tpu.memref_slice %arg3[%dma_start3A_553, %dma_start3A_554] : memref<10000x128xf32, #tpu.memory_space<hbm>> -> memref<10000x128xf32, #tpu.memory_space<hbm>>
          tpu.enqueue_indirect_dma source(%dma_start3A_555 : memref<10000x128xf32, #tpu.memory_space<hbm>>) target(%arg11 : memref<80x128xf32, #tpu.memory_space<vmem>>) offsets(%dma_start3A_552 : memref<80xi32, #tpu.memory_space<vmem>>) semaphore(%arg15 : memref<!tpu.dma_semaphore, #tpu.memory_space<semaphore_mem>>)
        } else {
        }
      } else {
      }
    }
    %scan3A_370 = arith.constant 16 : i32
    %dma_wait3A_371 = arith.constant 0 : i32
    %dma_wait3A_372 = arith.constant 1 : i32
    %dma_wait3A_373 = arith.constant 0 : i32
    %dma_wait3A_374 = tpu.memref_slice %arg7[%dma_wait3A_371, %dma_wait3A_372, %dma_wait3A_373] : memref<8x2x80xi32, #tpu.memory_space<vmem>> -> memref<1x1x80xi32, #tpu.memory_space<vmem>>
    %dma_wait3A_375 = tpu.memref_squeeze %dma_wait3A_374 : memref<1x1x80xi32, #tpu.memory_space<vmem>> -> memref<80xi32, #tpu.memory_space<vmem>>
    %dma_wait3A_376 = arith.constant 0 : i32
    %dma_wait3A_377 = arith.constant 0 : i32
    %dma_wait3A_378 = tpu.memref_slice %arg6[%dma_wait3A_376, %dma_wait3A_377] : memref<10240x128xf32, #tpu.memory_space<vmem_shared>> -> memref<10240x128xf32, #tpu.memory_space<vmem_shared>>
    tpu.wait_indirect_dma semaphore(%arg16 : memref<!tpu.dma_semaphore, #tpu.memory_space<semaphore_mem>>) src(%arg8 : memref<80x128xf32, #tpu.memory_space<vmem>>) dst(%dma_wait3A_378 : memref<10240x128xf32, #tpu.memory_space<vmem_shared>>)
    %dma_wait3A_379 = arith.constant 0 : i32
    %dma_wait3A_380 = arith.constant 1 : i32
    %dma_wait3A_381 = arith.constant 0 : i32
    %dma_wait3A_382 = tpu.memref_slice %arg7[%dma_wait3A_379, %dma_wait3A_380, %dma_wait3A_381] : memref<8x2x80xi32, #tpu.memory_space<vmem>> -> memref<1x1x80xi32, #tpu.memory_space<vmem>>
    %dma_wait3A_383 = tpu.memref_squeeze %dma_wait3A_382 : memref<1x1x80xi32, #tpu.memory_space<vmem>> -> memref<80xi32, #tpu.memory_space<vmem>>
    %dma_wait3A_384 = arith.constant 0 : i32
    %dma_wait3A_385 = arith.constant 0 : i32
    %dma_wait3A_386 = tpu.memref_slice %arg6[%dma_wait3A_384, %dma_wait3A_385] : memref<10240x128xf32, #tpu.memory_space<vmem_shared>> -> memref<10240x128xf32, #tpu.memory_space<vmem_shared>>
    tpu.wait_indirect_dma semaphore(%arg17 : memref<!tpu.dma_semaphore, #tpu.memory_space<semaphore_mem>>) src(%arg9 : memref<80x128xf32, #tpu.memory_space<vmem>>) dst(%dma_wait3A_386 : memref<10240x128xf32, #tpu.memory_space<vmem_shared>>)
    %dma_wait3A_387 = arith.constant 0 : i32
    %dma_wait3A_388 = arith.constant 1 : i32
    %dma_wait3A_389 = arith.constant 0 : i32
    %dma_wait3A_390 = tpu.memref_slice %arg7[%dma_wait3A_387, %dma_wait3A_388, %dma_wait3A_389] : memref<8x2x80xi32, #tpu.memory_space<vmem>> -> memref<1x1x80xi32, #tpu.memory_space<vmem>>
    %dma_wait3A_391 = tpu.memref_squeeze %dma_wait3A_390 : memref<1x1x80xi32, #tpu.memory_space<vmem>> -> memref<80xi32, #tpu.memory_space<vmem>>
    %dma_wait3A_392 = arith.constant 0 : i32
    %dma_wait3A_393 = arith.constant 0 : i32
    %dma_wait3A_394 = tpu.memref_slice %arg6[%dma_wait3A_392, %dma_wait3A_393] : memref<10240x128xf32, #tpu.memory_space<vmem_shared>> -> memref<10240x128xf32, #tpu.memory_space<vmem_shared>>
    tpu.wait_indirect_dma semaphore(%arg18 : memref<!tpu.dma_semaphore, #tpu.memory_space<semaphore_mem>>) src(%arg10 : memref<80x128xf32, #tpu.memory_space<vmem>>) dst(%dma_wait3A_394 : memref<10240x128xf32, #tpu.memory_space<vmem_shared>>)
    %dma_wait3A_395 = arith.constant 0 : i32
    %dma_wait3A_396 = arith.constant 1 : i32
    %dma_wait3A_397 = arith.constant 0 : i32
    %dma_wait3A_398 = tpu.memref_slice %arg7[%dma_wait3A_395, %dma_wait3A_396, %dma_wait3A_397] : memref<8x2x80xi32, #tpu.memory_space<vmem>> -> memref<1x1x80xi32, #tpu.memory_space<vmem>>
    %dma_wait3A_399 = tpu.memref_squeeze %dma_wait3A_398 : memref<1x1x80xi32, #tpu.memory_space<vmem>> -> memref<80xi32, #tpu.memory_space<vmem>>
    %dma_wait3A_400 = arith.constant 0 : i32
    %dma_wait3A_401 = arith.constant 0 : i32
    %dma_wait3A_402 = tpu.memref_slice %arg6[%dma_wait3A_400, %dma_wait3A_401] : memref<10240x128xf32, #tpu.memory_space<vmem_shared>> -> memref<10240x128xf32, #tpu.memory_space<vmem_shared>>
    tpu.wait_indirect_dma semaphore(%arg19 : memref<!tpu.dma_semaphore, #tpu.memory_space<semaphore_mem>>) src(%arg11 : memref<80x128xf32, #tpu.memory_space<vmem>>) dst(%dma_wait3A_402 : memref<10240x128xf32, #tpu.memory_space<vmem_shared>>)
    %barrier3A_403 = arith.constant 0 : index
    tpu.barrier barrier_id(%barrier3A_403)
    %eq3A_404 = arith.constant 0 : i32
    %eq3A_405 = arith.cmpi eq, %arg0, %eq3A_404 : i32
    %convert_element_type3A_406 = arith.extui %eq3A_405 : i1 to i32
    %cond3A_407 = arith.constant 0 : i32
    %cond3A_408 = arith.cmpi ne, %convert_element_type3A_406, %cond3A_407 : i32
    scf.if %cond3A_408 {
      %mul3A_414 = arith.constant 640 : i32
      %mul3A_415 = arith.muli %arg1, %mul3A_414 : i32
      %mul3A_416 = arith.constant 640 : i32
      %mul3A_417 = arith.muli %arg1, %mul3A_416 : i32
      "tpu.region"() ({
        %run_scoped3A = tpu.sem_alloc : memref<!tpu.dma_semaphore, #tpu.memory_space<semaphore_mem>>
        %dma_start3A_418 = arith.constant 0 : i32
        %dma_start3A_419 = tpu.memref_slice %arg4[%mul3A_417, %dma_start3A_418] : memref<10240x128xf32, #tpu.memory_space<hbm>> -> memref<640x128xf32, #tpu.memory_space<hbm>>
        %dma_start3A_420 = arith.constant 0 : i32
        %dma_start3A_421 = tpu.memref_slice %arg6[%mul3A_415, %dma_start3A_420] : memref<10240x128xf32, #tpu.memory_space<vmem_shared>> -> memref<640x128xf32, #tpu.memory_space<vmem_shared>>
        tpu.enqueue_dma source(%dma_start3A_421 : memref<640x128xf32, #tpu.memory_space<vmem_shared>>) target(%dma_start3A_419 : memref<640x128xf32, #tpu.memory_space<hbm>>) target_semaphore(%run_scoped3A : memref<!tpu.dma_semaphore, #tpu.memory_space<semaphore_mem>>)
        %dma_wait3A_422 = arith.constant 0 : i32
        %dma_wait3A_423 = tpu.memref_slice %arg4[%mul3A_417, %dma_wait3A_422] : memref<10240x128xf32, #tpu.memory_space<hbm>> -> memref<640x128xf32, #tpu.memory_space<hbm>>
        %dma_wait3A_424 = arith.constant 0 : i32
        %dma_wait3A_425 = tpu.memref_slice %arg6[%mul3A_415, %dma_wait3A_424] : memref<10240x128xf32, #tpu.memory_space<vmem_shared>> -> memref<640x128xf32, #tpu.memory_space<vmem_shared>>
        tpu.wait_dma2 semaphore(%run_scoped3A : memref<!tpu.dma_semaphore, #tpu.memory_space<semaphore_mem>>) src(%dma_wait3A_425 : memref<640x128xf32, #tpu.memory_space<vmem_shared>>) dst(%dma_wait3A_423 : memref<640x128xf32, #tpu.memory_space<hbm>>)
        tpu.yield
      }) : () -> ()
    } else {
    }
    %eq3A_409 = arith.constant 1 : i32
    %eq3A_410 = arith.cmpi eq, %arg0, %eq3A_409 : i32
    %convert_element_type3A_411 = arith.extui %eq3A_410 : i1 to i32
    %cond3A_412 = arith.constant 0 : i32
    %cond3A_413 = arith.cmpi ne, %convert_element_type3A_411, %cond3A_412 : i32
    scf.if %cond3A_413 {
      %mul3A_414 = arith.constant 640 : i32
      %mul3A_415 = arith.muli %arg1, %mul3A_414 : i32
      %mul3A_416 = arith.constant 640 : i32
      %mul3A_417 = arith.muli %arg1, %mul3A_416 : i32
      "tpu.region"() ({
        %run_scoped3A = tpu.sem_alloc : memref<!tpu.dma_semaphore, #tpu.memory_space<semaphore_mem>>
        %dma_start3A_418 = arith.constant 0 : i32
        %dma_start3A_419 = tpu.memref_slice %arg5[%mul3A_417, %dma_start3A_418] : memref<10240x128xf32, #tpu.memory_space<hbm>> -> memref<640x128xf32, #tpu.memory_space<hbm>>
        %dma_start3A_420 = arith.constant 0 : i32
        %dma_start3A_421 = tpu.memref_slice %arg6[%mul3A_415, %dma_start3A_420] : memref<10240x128xf32, #tpu.memory_space<vmem_shared>> -> memref<640x128xf32, #tpu.memory_space<vmem_shared>>
        tpu.enqueue_dma source(%dma_start3A_421 : memref<640x128xf32, #tpu.memory_space<vmem_shared>>) target(%dma_start3A_419 : memref<640x128xf32, #tpu.memory_space<hbm>>) target_semaphore(%run_scoped3A : memref<!tpu.dma_semaphore, #tpu.memory_space<semaphore_mem>>)
        %dma_wait3A_422 = arith.constant 0 : i32
        %dma_wait3A_423 = tpu.memref_slice %arg5[%mul3A_417, %dma_wait3A_422] : memref<10240x128xf32, #tpu.memory_space<hbm>> -> memref<640x128xf32, #tpu.memory_space<hbm>>
        %dma_wait3A_424 = arith.constant 0 : i32
        %dma_wait3A_425 = tpu.memref_slice %arg6[%mul3A_415, %dma_wait3A_424] : memref<10240x128xf32, #tpu.memory_space<vmem_shared>> -> memref<640x128xf32, #tpu.memory_space<vmem_shared>>
        tpu.wait_dma2 semaphore(%run_scoped3A : memref<!tpu.dma_semaphore, #tpu.memory_space<semaphore_mem>>) src(%dma_wait3A_425 : memref<640x128xf32, #tpu.memory_space<vmem_shared>>) dst(%dma_wait3A_423 : memref<640x128xf32, #tpu.memory_space<hbm>>)
        tpu.yield
      }) : () -> ()
    } else {
    }
    return
  }
}

module attributes {stable_mosaic.version = 14 : i64} {
  func.func @body(%arg0: i32, %arg1: memref<2000x128xf32, #tpu.memory_space<vmem>>, %arg2: memref<128x128xf32, #tpu.memory_space<vmem>>, %arg3: memref<2000x2xf32, #tpu.memory_space<vmem>>, %arg4: memref<2000x128xf32, #tpu.memory_space<vmem>>) attributes {dimension_semantics = [#tpu.dimension_semantics<arbitrary>], iteration_bounds = array<i64: 5>, scalar_prefetch = 0 : i64, scratch_operands = 0 : i64, tpu.core_type = #tpu.core_type<tc>, window_params = [{transform_indices = @transform_0, window_bounds = array<i64: 2000, 128>}, {pipeline_mode = #tpu.pipeline_mode<synchronous>, transform_indices = @transform_1, window_bounds = array<i64: 128, 128>}, {transform_indices = @transform_2, window_bounds = array<i64: 2000, 2>}, {transform_indices = @transform_3, window_bounds = array<i64: 2000, 128>}]} {
    %get3A = arith.constant 0 : index
    %get3A_0 = arith.constant 0 : index
    %get3A_1 = vector.load %arg1[%get3A, %get3A_0] : memref<2000x128xf32, #tpu.memory_space<vmem>>, vector<2000x128xf32>
    %get3A_2 = arith.constant 0 : index
    %get3A_3 = arith.constant 0 : index
    %get3A_4 = vector.load %arg2[%get3A_2, %get3A_3] : memref<128x128xf32, #tpu.memory_space<vmem>>, vector<128x128xf32>
    %dot_general3A = arith.constant dense<0.000000e+00> : vector<2000x128xf32>
    %dot_general3A_5 = tpu.matmul %get3A_1, %get3A_4, %dot_general3A {dimension_numbers = #tpu.dot_dimension_numbers<[1], [1], [0], [0], [0, 0, 1, 0], [], []>, transpose_lhs_hint = false} : vector<2000x128xf32>, vector<128x128xf32>, vector<2000x128xf32> -> vector<2000x128xf32>
    %get3A_6 = arith.constant 0 : index
    %get3A_7 = arith.constant 0 : index
    %get3A_8 = vector.load %arg3[%get3A_6, %get3A_7] : memref<2000x2xf32, #tpu.memory_space<vmem>>, vector<2000x1xf32>
    %get3A_9 = arith.constant 0 : index
    %get3A_10 = arith.constant 1 : index
    %get3A_11 = vector.load %arg3[%get3A_9, %get3A_10] : memref<2000x2xf32, #tpu.memory_space<vmem>>, vector<2000x1xf32>
    %add3A = arith.addf %get3A_8, %get3A_11 : vector<2000x1xf32>
    %add3A_12 = arith.constant 1.000000e+00 : f32
    %add3A_13 = vector.broadcast %add3A_12 : f32 to vector<2000x1xf32>
    %add3A_14 = arith.addf %add3A, %add3A_13 : vector<2000x1xf32>
    %rsqrt3A = math.rsqrt %add3A_14 : vector<2000x1xf32>
    %mul3A = vector.broadcast %rsqrt3A : vector<2000x1xf32> to vector<2000x128xf32>
    %mul3A_15 = arith.mulf %dot_general3A_5, %mul3A : vector<2000x128xf32>
    %swap3A = arith.constant 0 : index
    %swap3A_16 = arith.constant 0 : index
    %swap3A_17 = vector.load %arg4[%swap3A, %swap3A_16] : memref<2000x128xf32, #tpu.memory_space<vmem>>, vector<2000x128xf32>
    tpu.vector_store %arg4[%swap3A, %swap3A_16], %mul3A_15 {strides = array<i32>} : memref<2000x128xf32, #tpu.memory_space<vmem>>, vector<2000x128xf32>,
    return
  }
  func.func @transform_0(%arg0: i32) -> (i32, i32) {
    %c0_i32 = arith.constant 0 : i32
    %c0_i32_0 = arith.constant 0 : i32
    return %arg0, %c0_i32 : i32, i32
  }
  func.func @transform_1(%arg0: i32) -> (i32, i32) {
    %c0_i32 = arith.constant 0 : i32
    %c0_i32_0 = arith.constant 0 : i32
    %c0_i32_1 = arith.constant 0 : i32
    return %c0_i32, %c0_i32_0 : i32, i32
  }
  func.func @transform_2(%arg0: i32) -> (i32, i32) {
    %c0_i32 = arith.constant 0 : i32
    %c0_i32_0 = arith.constant 0 : i32
    return %arg0, %c0_i32 : i32, i32
  }
  func.func @transform_3(%arg0: i32) -> (i32, i32) {
    %c0_i32 = arith.constant 0 : i32
    %c0_i32_0 = arith.constant 0 : i32
    return %arg0, %c0_i32 : i32, i32
  }
}

module attributes {stable_mosaic.version = 14 : i64} {
  func.func @body(%arg0: i32, %arg1: memref<2000x128xf32, #tpu.memory_space<vmem>>, %arg2: memref<2000x128xf32, #tpu.memory_space<vmem>>, %arg3: memref<2000x2xf32, #tpu.memory_space<vmem>>, %arg4: memref<2000x128xf32, #tpu.memory_space<vmem>>) attributes {dimension_semantics = [#tpu.dimension_semantics<arbitrary>], iteration_bounds = array<i64: 5>, scalar_prefetch = 0 : i64, scratch_operands = 0 : i64, tpu.core_type = #tpu.core_type<tc>, window_params = [{transform_indices = @transform_0, window_bounds = array<i64: 2000, 128>}, {transform_indices = @transform_1, window_bounds = array<i64: 2000, 128>}, {transform_indices = @transform_2, window_bounds = array<i64: 2000, 2>}, {transform_indices = @transform_3, window_bounds = array<i64: 2000, 128>}]} {
    %get3A = arith.constant 0 : index
    %get3A_0 = arith.constant 0 : index
    %get3A_1 = vector.load %arg3[%get3A, %get3A_0] : memref<2000x2xf32, #tpu.memory_space<vmem>>, vector<2000x1xf32>
    %get3A_2 = arith.constant 0 : index
    %get3A_3 = arith.constant 1 : index
    %get3A_4 = vector.load %arg3[%get3A_2, %get3A_3] : memref<2000x2xf32, #tpu.memory_space<vmem>>, vector<2000x1xf32>
    %add3A = arith.addf %get3A_1, %get3A_4 : vector<2000x1xf32>
    %add3A_5 = arith.constant 1.000000e+00 : f32
    %add3A_6 = vector.broadcast %add3A_5 : f32 to vector<2000x1xf32>
    %add3A_7 = arith.addf %add3A, %add3A_6 : vector<2000x1xf32>
    %rsqrt3A = math.rsqrt %add3A_7 : vector<2000x1xf32>
    %get3A_8 = arith.constant 0 : index
    %get3A_9 = arith.constant 0 : index
    %get3A_10 = vector.load %arg1[%get3A_8, %get3A_9] : memref<2000x128xf32, #tpu.memory_space<vmem>>, vector<2000x128xf32>
    %get3A_11 = arith.constant 0 : index
    %get3A_12 = arith.constant 0 : index
    %get3A_13 = vector.load %arg2[%get3A_11, %get3A_12] : memref<2000x128xf32, #tpu.memory_space<vmem>>, vector<2000x128xf32>
    %add3A_14 = arith.addf %get3A_10, %get3A_13 : vector<2000x128xf32>
    %mul3A = vector.broadcast %rsqrt3A : vector<2000x1xf32> to vector<2000x128xf32>
    %mul3A_15 = arith.mulf %add3A_14, %mul3A : vector<2000x128xf32>
    %gt3A = arith.constant 0.000000e+00 : f32
    %gt3A_16 = vector.broadcast %gt3A : f32 to vector<2000x128xf32>
    %gt3A_17 = arith.cmpf ogt, %mul3A_15, %gt3A_16 : vector<2000x128xf32>
    %mul3A_18 = arith.constant 2.000000e+00 : f32
    %mul3A_19 = vector.broadcast %mul3A_18 : f32 to vector<2000x128xf32>
    %mul3A_20 = arith.mulf %mul3A_19, %mul3A_15 : vector<2000x128xf32>
    %select_n3A = arith.select %gt3A_17, %mul3A_20, %mul3A_15 : vector<2000x128xi1>, vector<2000x128xf32>
    %swap3A = arith.constant 0 : index
    %swap3A_21 = arith.constant 0 : index
    %swap3A_22 = vector.load %arg4[%swap3A, %swap3A_21] : memref<2000x128xf32, #tpu.memory_space<vmem>>, vector<2000x128xf32>
    tpu.vector_store %arg4[%swap3A, %swap3A_21], %select_n3A {strides = array<i32>} : memref<2000x128xf32, #tpu.memory_space<vmem>>, vector<2000x128xf32>,
    return
  }
  func.func @transform_0(%arg0: i32) -> (i32, i32) {
    %c0_i32 = arith.constant 0 : i32
    %c0_i32_0 = arith.constant 0 : i32
    return %arg0, %c0_i32 : i32, i32
  }
  func.func @transform_1(%arg0: i32) -> (i32, i32) {
    %c0_i32 = arith.constant 0 : i32
    %c0_i32_0 = arith.constant 0 : i32
    return %arg0, %c0_i32 : i32, i32
  }
  func.func @transform_2(%arg0: i32) -> (i32, i32) {
    %c0_i32 = arith.constant 0 : i32
    %c0_i32_0 = arith.constant 0 : i32
    return %arg0, %c0_i32 : i32, i32
  }
  func.func @transform_3(%arg0: i32) -> (i32, i32) {
    %c0_i32 = arith.constant 0 : i32
    %c0_i32_0 = arith.constant 0 : i32
    return %arg0, %c0_i32 : i32, i32
  }
}

</mosaic_0001>

<sc_bundles>
// kernel: kernel.6.cloned.1.call-start
scs
__scs_entry_jumppad:
0x0: {  	(pc) =	sbr.rel $0x88, $3  }
0x1: {  	(tag) =	ssettag $0x0;
	lr =	simm.s32 $0x1  }
0x2: {  	[smem:$0x3F9E] =	sst lr;
	_ =	strace $0xD0000000  }
0x3: {  	_ = 	snop  }
0x4: {  	_ = 	snop  }
0x5: {  	_ = 	snop  }
0x6: {  	_ = 	snop  }
0x7: {  	_ = 	snop  }
__scs_overlays_trampoline_lowered:
0x8: {  	[smem:$0x3FAD] =	sst s0  }
0x9: {  	[smem:$0x3FAE] =	sst s1  }
0xa: {  	[smem:$0x3FAF] =	sst s2  }
0xb: {  	[smem:$0x3FB0] =	sst s3  }
0xc: {  	[smem:$0x3FB1] =	sst s4  }
0xd: {  	[smem:$0x3FB2] =	sst s5  }
0xe: {  	[smem:$0x3FB3] =	sst s6  }
0xf: {  	[smem:$0x3FB4] =	sst s7  }
0x10: {  	[smem:$0x3FB5] =	sst s8  }
0x11: {  	[smem:$0x3FB6] =	sst s9;
	s0 =	simm.s32 @!p0 $0x0  }
0x12: {  	s1 =	sld [smem:$0x3F9C];
	s0 =	simm.s32 @p0 $0x1  }
0x13: {  	[smem:$0x3FB7] =	sst s0;
	s0 =	simm.s32 @!p1 $0x0  }
0x14: {  	s2 =	sld [smem:$0x3F9B];
	s0 =	simm.s32 @p1 $0x1  }
0x15: {  	[smem:$0x3FB8] =	sst s0;
	s0 =	simm.s32 @!p2 $0x0  }
0x16: {  	s3 =	sld [smem:$0x3FDB];
	s0 =	simm.s32 @p2 $0x1  }
0x17: {  	s4 =	simm.s32 $0x1BF5;
	[smem:$0x3FBA] =	sst s0  }
0x18: {  	s0 =	sld [smem:$0x3F9D];
	_ =	swait.ge [sflag:s4], $0x0  }
0x19: {  	s7 =	sld [smem:$0x3F9E]  }
0x1a: {  	s8 =	sadd.s32 $0xFFFFE003, lr  }
0x1b: {  	s9 =	sadd.s32 $0xFFFFFEF7, lr;
	s5 =	simm.s32 $0xFFFFFFFF;
	p2 =	slt.u32 s8, $0xFFFFF086  }
0x1c: {  	p1 =	slt.u32 s9, $0xF7A;
	s5 =	simm.s32 @!p2 $0x0  }
0x1d: {  	s5 =	simm.s32 @p1 $0x1;
	p0 =	seq.s32 s7, s2  }
0x1e: {  	s7 =	smul.u32 @!p0 $0xF7A, s2;
	p2 =	seq.s32 @!p0 s5, $0x0  }
0x1f: {  	s9 =	smul.u32 $0xF7A, s1;
	s8 =	simm.s32 @!p0 $0x1BF5;
	p2 =	por !p2, p0  }
0x20: {  	[sflag:s8] =	ssyncset.s32 @!p0 $0xFFFFF086;
	s6 =	sadd.s32 @!p0 s3, s7;
	s7 =	simm.s32 @!p0 $0x108  }
0x21: {  	s3 =	sadd.s32 s3, s9;
	s6 =	sadd.s32 @!p0 $0x88, s6;
	s7 =	simm.s32 @p2 $0x1082  }
0x22: {  	[simem:s7], [sflag:s8] =	dma.local @!p0 [hbm:s6], $0xF7A  }
0x23: {  	s9 =	sor.u32 $0xD0000000, s2;
	s6 =	simm.s32 $0x108;
	_ =	swait.ge @!p0 [sflag:s8], $0x0  }
0x24: {  	s3 =	sadd.s32 $0x88, s3;
	s6 =	simm.s32 @!p1 $0x1082;
	[sflag:s4] =	ssyncset.s32 $0xFFFFF086  }
0x25: {  	[simem:s6], [sflag:s4] =	dma.local [hbm:s3], $0xF7A  }
0x26: {  	[smem:$0x3F9E] =	sst s1;
	(tag) =	ssettag s2;
	_ =	strace s9  }
0x27: {  	s1 =	sld [smem:$0x3FAE]  }
0x28: {  	s2 =	sld [smem:$0x3FAF]  }
0x29: {  	s4 =	sld [smem:$0x3FB1]  }
0x2a: {  	p0 =	seq.s32 s5, $0x0;
	s5 =	sld [smem:$0x3FB2]  }
0x2b: {  	s6 =	sld [smem:$0x3FB3]  }
0x2c: {  	s7 =	sld [smem:$0x3FB4]  }
0x2d: {  	s3 =	simm.s32 $0x108;
	s8 =	sld [smem:$0x3FB5]  }
0x2e: {  	s3 =	simm.s32 @!p0 $0x1082;
	s9 =	sld [smem:$0x3FB6]  }
0x2f: {  	lr =	sadd.s32 s0, s3;
	s0 =	sld [smem:$0x3FAD]  }
0x30: {  	s3 =	sld [smem:$0x3FB0]  }
0x31: {  	[smem:$0x3FB9] =	sst s10  }
0x32: {  	s10 =	sld [smem:$0x3FB7];
	_ =	sdelay $0x3  }
0x33: {  	p0 =	seq.s32 s10, $0x1;
	s10 =	sld [smem:$0x3FB9];
	_ =	sdelay $0x3  }
0x34: {  	[smem:$0x3FB9] =	sst s10  }
0x35: {  	s10 =	sld [smem:$0x3FB8];
	_ =	sdelay $0x3  }
0x36: {  	p1 =	seq.s32 s10, $0x1;
	s10 =	sld [smem:$0x3FB9];
	_ =	sdelay $0x3  }
0x37: {  	[smem:$0x3FB9] =	sst s10  }
0x38: {  	s10 =	sld [smem:$0x3FBA]  }
0x39: {  	_ = 	snop;
	(pc) =	sbr.ind lr, $3  }
0x3a: {  	_ = 	snop  }
0x3b: {  	_ = 	snop  }
0x3c: {  	p2 =	seq.s32 s10, $0x1;
	s10 =	sld [smem:$0x3FB9]  }
0x3d: {  	_ =	shalt  }
0x3e: {  	_ =	shalt  }
0x3f: {  	_ =	shalt  }
0x40: {  	_ =	shalt  }
0x41: {  	_ =	shalt  }
0x42: {  	_ =	shalt  }
0x43: {  	_ =	shalt  }
0x44: {  	_ =	shalt  }
0x45: {  	_ =	shalt  }
0x46: {  	_ =	shalt  }
0x47: {  	_ =	shalt  }
0x48: {  	_ =	shalt  }
0x49: {  	_ =	shalt  }
0x4a: {  	_ =	shalt  }
0x4b: {  	_ =	shalt  }
0x4c: {  	_ =	shalt  }
0x4d: {  	_ =	shalt  }
0x4e: {  	_ =	shalt  }
0x4f: {  	_ =	shalt  }
0x50: {  	_ =	shalt  }
0x51: {  	_ =	shalt  }
0x52: {  	_ =	shalt  }
0x53: {  	_ =	shalt  }
0x54: {  	_ =	shalt  }
0x55: {  	_ =	shalt  }
0x56: {  	_ =	shalt  }
0x57: {  	_ =	shalt  }
0x58: {  	_ =	shalt  }
0x59: {  	_ =	shalt  }
0x5a: {  	_ =	shalt  }
0x5b: {  	_ =	shalt  }
0x5c: {  	_ =	shalt  }
0x5d: {  	_ =	shalt  }
0x5e: {  	_ =	shalt  }
0x5f: {  	_ =	shalt  }
0x60: {  	_ =	shalt  }
0x61: {  	_ =	shalt  }
0x62: {  	_ =	shalt  }
0x63: {  	_ =	shalt  }
0x64: {  	_ =	shalt  }
0x65: {  	_ =	shalt  }
0x66: {  	_ =	shalt  }
0x67: {  	_ =	shalt  }
0x68: {  	_ =	shalt  }
0x69: {  	_ =	shalt  }
0x6a: {  	_ =	shalt  }
0x6b: {  	_ =	shalt  }
0x6c: {  	_ =	shalt  }
0x6d: {  	_ =	shalt  }
0x6e: {  	_ =	shalt  }
0x6f: {  	_ =	shalt  }
0x70: {  	_ =	shalt  }
0x71: {  	_ =	shalt  }
0x72: {  	_ =	shalt  }
0x73: {  	_ =	shalt  }
0x74: {  	_ =	shalt  }
0x75: {  	_ =	shalt  }
0x76: {  	_ =	shalt  }
0x77: {  	_ =	shalt  }
0x78: {  	_ =	shalt  }
0x79: {  	_ =	shalt  }
0x7a: {  	_ =	shalt  }
0x7b: {  	_ =	shalt  }
0x7c: {  	_ =	shalt  }
0x7d: {  	_ =	shalt  }
0x7e: {  	_ =	shalt  }
0x7f: {  	_ =	shalt  }
0x80: {  	_ =	shalt  }
0x81: {  	_ =	shalt  }
0x82: {  	_ =	shalt  }
0x83: {  	_ =	shalt  }
0x84: {  	_ =	shalt  }
0x85: {  	_ =	shalt  }
0x86: {  	_ =	shalt  }
0x87: {  	_ =	shalt  }
.Lfunc_end0:
.L_simem_size_0:
called_computation_lowered:
.L_overlay_start_0:
0x88: {  	s2 =	sld [smem:$0x3FD9]  }
0x89: {  	s3 =	sld [smem:$0x3FFE];
	_ =	sdelay $0x1  }
0x8a: {  	s1 =	srdreg.scid  }
0x8b: {  	s0 =	sand.u32 $0x1, s1  }
0x8c: {  	s17 =	sshll.u32 s0, $0xA;
	s2 =	sadd.s32 s3, s2  }
0x8d: {  	s2 =	sadd.s32 s2, s17  }
0x8e: {  	[smem:$0x3FC5] =	sst s2  }
0x8f: {  	_ = 	snop  }
0x90: {  	s2 =	sld [smem:$0x3FD0];
	(tm) =	ssettm $0x1  }
0x91: {  	s18 =	sld [smem:$0x3FFB];
	_ =	sdelay $0x3  }
0x92: {  	_ =	strace s18  }
0x93: {  	s3 =	sld [smem:$0x3FFC];
	_ =	sdelay $0x3  }
0x94: {  	_ =	strace s3  }
0x95: {  	s3 =	sld [smem:$0x3FFD];
	_ =	sdelay $0x3  }
0x96: {  	_ =	strace s3  }
0x97: {  	_ =	strace $0x8FFFFFFF  }
0x98: {  	s19 =	sld [smem:$0x3FDB];
	_ =	sdelay $0x1  }
0x99: {  	s4 =	simm.s32 $_scs_section_size  }
0x9a: {  	s5 =	simm.s32 $_size__tile_overlayer_lowered;
	s6 =	simm.s32 $_tile_overlayer_lowered  }
0x9b: {  	s22 =	simm.s32 $0x1BFF;
	s21 =	sshll.u32 s6, $0x1;
	s3 =	sadd.s32 s4, s19  }
0x9c: {  	s7 =	simm.s32 $0x0;
	s20 =	sshll.u32 s5, $0x1;
	s5 =	sadd.s32 s21, s3  }
0x9d: {  	[timem:s7], [sflag:s22] =	dma.local [hbm:s5], s20  }
0x9e: {  	_ =	swait.ge [sflag:s22], s20  }
0x9f: {  	s4 =	ssub.s32 $0x0, s20;
	[sflag:s22] =	ssyncset.done $0x0  }
0xa0: {  	[sflag:s22] =	ssyncadd.s32 s4;
	_ =	sdelay $0x1  }
0xa1: {  	s23 =	simm.s32 $0x1B8B  }
0xa2: {  	_ =	swait.ge [sflag:s23], $0x1  }
0xa3: {  	[sflag:s23] =	ssyncset.done $0x0  }
0xa4: {  	s25 =	simm.s32 $0x1B8E;
	s24 =	sld [smem:$0x3FFE];
	[sflag:s23] =	ssyncadd.s32 $0xFFFFFFFF  }
0xa5: {  	s26 =	simm.s32 $execute0_lowered;
	[smem:$0x3FD2] =	sst s25  }
0xa6: {  	s5 =	sshll.u32 s26, $0x1;
	_ =	strace $0x80000046;
	[dreg:$0x1] =	wrdreg $0xFFFFFFFF  }
0xa7: {  	s28 =	simm.s32 $_size_execute0_lowered;
	s3 =	sadd.s32 s3, s5;
	[dreg:$0x0] =	wrdreg $0x0  }
0xa8: {  	s5 =	sshll.u32 s28, $0x1;
	[dreg:$0x2] =	wrdreg s3  }
0xa9: {  	[dreg:$0x3] =	wrdreg s5  }
0xaa: {  	[dreg:$0x4] =	wrdreg $0xC0  }
0xab: {  	_ =	task [dreg:s7], $0x5FFFF  }
0xac: {  	[dreg:$0x1] =	wrdreg $0xFFFFFFFF  }
0xad: {  	[dreg:$0x0] =	wrdreg $0x60  }
0xae: {  	[dreg:$0x2] =	wrdreg s24  }
0xaf: {  	[dreg:$0x3] =	wrdreg s2  }
0xb0: {  	[dreg:$0x4] =	wrdreg $0x0  }
0xb1: {  	[dreg:$0x5] =	wrdreg $0x9  }
0xb2: {  	_ =	task.clear_ibuf [dreg:s7], $0x6FFFF;
	_ =	strace $0x90000046  }
0xb3: {  	s29 =	simm.s32 $0x9;
	_ =	strace $0x80000048  }
0xb4: {  	_ =	swait.ge [sflag:s29], $0x1  }
0xb5: {  	[sflag:s29] =	ssyncadd.s32 $0xFFFFFFFF  }
0xb6: {  	_ =	strace $0x90000048  }
0xb7: {  	_ =	sfence  }
0xb8: {  	s30 =	sld [smem:$0x0];
	_ =	sdelay $0x2  }
0xb9: {  	s31 =	sshll.u32 s1, $0xD;
	s1 =	sshrl.u32 s1, $0x2  }
0xba: {  	s3 =	sand.u32 $0x4000, s31;
	s1 =	sadd.s32 s1, s30  }
0xbb: {  	s0 =	sor.u32 s3, s0;
	s1 =	sshll.u32 s1, $0x11  }
0xbc: {  	s0 =	sor.u32 s1, s0  }
0xbd: {  	s0 =	sadd.s32 $0x8F2B, s0  }
0xbe: {  	[sflag:s0] =	ssyncadd.remote.s32 $0x1  }
0xbf: {  	_ =	sfence.sel $0xFFFF  }
0xc0: {  	[dreg:$0x0] =	wrdreg $0xFFFFFFFF;
	(pc) =	sbr.abs _section_cstart, $3  }
0xc1: {  	[dreg:$0x1] =	wrdreg $0xFFFFFFFF  }
0xc2: {  	_ =	task.clear_ibuf [dreg:s7], $0x2FFFF;
	_ =	strace $0x9FFFFFFF  }
0xc3: {  	(tm) =	ssettm $0x7FFFFFFF  }
tec
execute0_lowered:
.L_overlay_start_1:
0x0: {  	(tag) =	ssettag $0x1  }
0x1: {  	s5 =	rddreg [dreg:$0x0]  }
0x2: {  	s6 =	rddreg [dreg:$0x1]  }
0x3: {  	s0 =	srdreg.scid;
	s2 =	rddreg [dreg:$0x2]  }
0x4: {  	s1 =	stileid.u32;
	s12 =	simm.s32 $0x6A00;
	s13 =	simm.s32 $0x2A80  }
0x5: {  	s14 =	simm.s32 $0x2B00;
	s15 =	simm.s32 $0x2B80;
	s16 =	simm.s32 $0x1  }
0x6: {  	s19 =	simm.s32 $0x20;
	s20 =	simm.s32 $0x10;
	s21 =	simm.s32 $0x0  }
0x7: {  	s4 =	sand.u32 $0x1, s0;
	s0 =	rddreg [dreg:$0x3];
	s8 =	smul.u32 $0xA00, s1  }
0x8: {  	s11 =	smul.u32 $0x500, s1;
	s17 =	sshll.u32 s1, $0x6;
	s3 =	sshll.u32 s4, $0x4  }
0x9: {  	s9 =	ssub.s32 $0x2, s4;
	s4 =	sshll.u32 s4, $0x7;
	s17 =	sor.u32 $0x1C02, s17  }
0xa: {  	s7 =	sor.u32 s1, s3;
	s3 =	simm.s32 $0x0;
	s10 =	sshrl.u32 s9, $0x1  }
0xb: {  	s8 =	sshrl.u32 s8, $0x2;
	s30 =	sor.u32 s4, s11;
	s11 =	simm.s32 $0x2A00  }
0xc: {  	s7 =	smul.u32 $0x2710, s7;
	[smem:$0x7FF] =	sst s3;
	s9 =	ssub.s32 s9, s10  }
0xd: {  	s4 =	sadd.s32 s8, s2;
	s31 =	sshrl.u32 s30, $0x3;
	s8 =	simm.s32 $0x6A80  }
0xe: {  	s10 =	simm.s32 $0x50;
	_ =	strace $0x80000047;
	s7 =	sshrl.u32 s7, $0x3  }
0xf: {  	s6 =	sadd.s32 s6, s31;
	s18 =	sshrl.u32 s4, $0x3;
	s5 =	sadd.s32 s5, s7  }
0x10: {  	v0 =	vimm.f32 $0.0e+00;
	v1 =	vimm.f32 $1.000000000e+00;
	s7 =	smax.u32 s9, $0x1;
	s9 =	simm.s32 $0x2;
	s5 =	sadd.s32 $0xB840, s5  }
.LBB2_1:
0x11: {  	[tilespmem:$0x6A80] =	vst v0  }
0x12: {  	[tilespmem:$0x6A90] =	vst v0  }
0x13: {  	[tilespmem:$0x6AA0] =	vst v0  }
0x14: {  	[tilespmem:$0x6AB0] =	vst v0  }
0x15: {  	[tilespmem:$0x6AC0] =	vst v0  }
0x16: {  	[tilespmem:$0x6AD0] =	vst v0  }
0x17: {  	[tilespmem:$0x6AE0] =	vst v0  }
0x18: {  	[tilespmem:$0x6AF0] =	vst v0  }
0x19: {  	[tilespmem:$0x6B00] =	vst v0  }
0x1a: {  	[tilespmem:$0x6B10] =	vst v0  }
0x1b: {  	[tilespmem:$0x6B20] =	vst v0  }
0x1c: {  	[tilespmem:$0x6B30] =	vst v0  }
0x1d: {  	[tilespmem:$0x6B40] =	vst v0  }
0x1e: {  	[tilespmem:$0x6B50] =	vst v0  }
0x1f: {  	[tilespmem:$0x6B60] =	vst v0  }
0x20: {  	[tilespmem:$0x6B70] =	vst v0  }
0x21: {  	[tilespmem:$0x6B80] =	vst v0  }
0x22: {  	[tilespmem:$0x6B90] =	vst v0  }
0x23: {  	[tilespmem:$0x6BA0] =	vst v0  }
0x24: {  	[tilespmem:$0x6BB0] =	vst v0  }
0x25: {  	[tilespmem:$0x6BC0] =	vst v0  }
0x26: {  	[tilespmem:$0x6BD0] =	vst v0  }
0x27: {  	[tilespmem:$0x6BE0] =	vst v0  }
0x28: {  	[tilespmem:$0x6BF0] =	vst v0  }
0x29: {  	[tilespmem:$0x6C00] =	vst v0  }
0x2a: {  	[tilespmem:$0x6C10] =	vst v0  }
0x2b: {  	[tilespmem:$0x6C20] =	vst v0  }
0x2c: {  	[tilespmem:$0x6C30] =	vst v0  }
0x2d: {  	[tilespmem:$0x6C40] =	vst v0  }
0x2e: {  	[tilespmem:$0x6C50] =	vst v0  }
0x2f: {  	[tilespmem:$0x6C60] =	vst v0  }
0x30: {  	[tilespmem:$0x6C70] =	vst v0  }
0x31: {  	[tilespmem:$0x6C80] =	vst v0  }
0x32: {  	[tilespmem:$0x6C90] =	vst v0  }
0x33: {  	[tilespmem:$0x6CA0] =	vst v0  }
0x34: {  	[tilespmem:$0x6CB0] =	vst v0  }
0x35: {  	[tilespmem:$0x6CC0] =	vst v0  }
0x36: {  	[tilespmem:$0x6CD0] =	vst v0  }
0x37: {  	[tilespmem:$0x6CE0] =	vst v0  }
0x38: {  	[tilespmem:$0x6CF0] =	vst v0  }
0x39: {  	[spmem:s4] =	stream.linear.scatter [tilespmem:s8], [sflag:$0x2], $0x280, $0x38;
	[tilespmem:$0x6D00] =	vst v63  }
0x3a: {  	_ =	swait.ge [sflag:s9], $0x280  }
0x3b: {  	[sflag:s9] =	ssyncset.done $0x0  }
0x3c: {  	[sflag:s9] =	ssyncadd.s32 $0xFFFFFD80  }
0x3d: {  	[tilespmem:$0x6A00] =	vst v1  }
0x3e: {  	[tilespmem:$0x6A10] =	vst v1  }
0x3f: {  	[tilespmem:$0x6A20] =	vst v1  }
0x40: {  	[tilespmem:$0x6A30] =	vst v1  }
0x41: {  	s22 =	simm.s32 $0x280;
	[tilespmem:$0x6A40] =	vst v1  }
0x42: {  	[tilespmem:s22], [sflag:$0x2] =	stream.linear.gather [hbm4b:s5+s3], $0x2710, $0x38;
	[tilespmem:$0x6D00] =	vst v63  }
0x43: {  	s23 =	smul.u32 $0xCCCD, s3;
	_ =	swait.ge [sflag:s9], $0x2710  }
0x44: {  	[sflag:s9] =	ssyncset.done $0x0  }
0x45: {  	s23 =	sshrl.u32 s23, $0x12;
	[sflag:s9] =	ssyncadd.s32 $0xFFFFD8F0  }
0x46: {  	s24 =	simm.s32 $0x1;
	s25 =	simm.s32 $0x0;
	s26 =	smul.u32 $0x5, s23;
	v2 =	vld [tilespmem:s22+$0x0]  }
.LBB2_2:
0x47: {  	s28 =	smul.u32 $0xCCCD, s24  }
0x48: {  	s26 =	ssub.s32 s25, s26;
	s25 =	smov.u32 s24;
	p0 =	sne.s32 s24, $0x270  }
.Ltmp0:
0x49: {  	s24 =	sadd.s32 $0x1, s24;
	s26 =	sand.u32 $0xFFFF, s26;
	(pc) =	sbr.rel @p0 .LBB2_2-.Ltmp0, $4  }
0x4a: {  	s29 =	sshll.u32 s23, $0x7;
	s26 =	sshll.u32 s26, $0x4  }
0x4b: {  	s23 =	sshrl.u32 s28, $0x12;
	s28 =	sor.u32 s26, s29  }
0x4c: {  	s22 =	sadd.s32 $0x10, s22;
	s26 =	smul.u32 $0x5, s23;
	[tilespmem:s28+$0x2A00] =	vst v2  }
0x4d: {  	v2 =	vld [tilespmem:s22+$0x0]  }
0x4e: {  	s22 =	ssub.s32 s25, s26  }
0x4f: {  	s22 =	sand.u32 $0xFFFF, s22  }
0x50: {  	s23 =	sshll.u32 s23, $0x7;
	s22 =	sshll.u32 s22, $0x4  }
0x51: {  	s22 =	sor.u32 s22, s23  }
0x52: {  	[tilespmem:s22+$0x2A00] =	vst v2  }
0x53: {  	[bflag:$0x0] =	sbarrier.arrive $0xFFFF  }
0x54: {  	[spmem:s2] =	stream.indirect.scatter.add.f32 [tilespmem:s12], [sflag:$0x1], $0x1, s11, s10, $0xb8;
	[tilespmem:$0x6D00] =	vst v63  }
0x55: {  	_ = 	snop  }
0x56: {  	[spmem:s2] =	stream.indirect.scatter.add.f32 [tilespmem:s12], [sflag:$0x1], $0x1, s13, s10, $0xb8;
	[tilespmem:$0x6D00] =	vst v63  }
0x57: {  	_ = 	snop  }
0x58: {  	[spmem:s2] =	stream.indirect.scatter.add.f32 [tilespmem:s12], [sflag:$0x1], $0x1, s14, s10, $0xb8;
	[tilespmem:$0x6D00] =	vst v63  }
0x59: {  	_ = 	snop  }
0x5a: {  	[spmem:s2] =	stream.indirect.scatter.add.f32 [tilespmem:s12], [sflag:$0x1], $0x1, s15, s10, $0xb8;
	[tilespmem:$0x6D00] =	vst v63  }
0x5b: {  	s31 =	simm.s32 $0x2C00  }
0x5c: {  	[spmem:s2] =	stream.indirect.scatter.add.f32 [tilespmem:s12], [sflag:$0x1], $0x1, s31, s10, $0xb8;
	[tilespmem:$0x6D00] =	vst v63  }
0x5d: {  	s22 =	simm.s32 $0xA00;
	_ =	swait.ge [sflag:s16], $0x50  }
.LBB2_4:
0x5e: {  	s23 =	sshra.s32 s22, $0x2;
	[sflag:s16] =	ssyncset.done $0x0;
	p0 =	sne.s32 s22, $0xF800  }
.Ltmp1:
0x5f: {  	s23 =	sadd.s32 $0x2A00, s23;
	[sflag:s16] =	ssyncadd.s32 $0xFFFFFFB0;
	(pc) =	sbr.rel @p0 .LBB2_4-.Ltmp1, $3  }
0x60: {  	[spmem:s2] =	stream.indirect.scatter.add.f32 [tilespmem:s12], [sflag:$0x1], $0x1, s23, s10, $0xb8;
	[tilespmem:$0x6D00] =	vst v63  }
0x61: {  	s22 =	sadd.s32 $0x200, s22;
	_ =	sdelay $0x1  }
0x62: {  	_ =	swait.ge [sflag:s16], $0x50  }
0x63: {  	[sflag:s16] =	ssyncset.done $0x0  }
0x64: {  	[sflag:s16] =	ssyncadd.s32 $0xFFFFFFB0  }
0x65: {  	_ =	swait.ge [sflag:s16], $0x50  }
0x66: {  	[sflag:s16] =	ssyncset.done $0x0  }
0x67: {  	[sflag:s16] =	ssyncadd.s32 $0xFFFFFFB0  }
0x68: {  	_ =	swait.ge [sflag:s16], $0x50  }
0x69: {  	[sflag:s16] =	ssyncset.done $0x0  }
0x6a: {  	[sflag:s16] =	ssyncadd.s32 $0xFFFFFFB0  }
0x6b: {  	_ =	swait.ge [sflag:s16], $0x50  }
0x6c: {  	[sflag:s16] =	ssyncset.done $0x0  }
0x6d: {  	[sflag:s16] =	ssyncadd.s32 $0xFFFFFFB0  }
0x6e: {  	_ =	swait.ge [sflag:s16], $0x50  }
0x6f: {  	s21 =	sadd.s32 $0x1, s21;
	[sflag:s16] =	ssyncset.done $0x0  }
0x70: {  	p0 =	sne.s32 s21, s7;
	[sflag:s16] =	ssyncadd.s32 $0xFFFFFFB0  }
.Ltmp2:
0x71: {  	[bflag:$0x0] =	sbarrier.arrive $0xFFFF;
	(pc) =	sbr.rel @p0 .LBB2_1-.Ltmp2, $4  }
0x72: {  	[hbm:s6@s19], [sflag:s17] =	dma.strided [spmem:s18@s20], $0x50, s16, $0x10   }
0x73: {  	_ =	swait.ge [sflag:s9], $0x50  }
0x74: {  	[sflag:s9] =	ssyncset.done $0x0  }
0x75: {  	[sflag:s9] =	ssyncadd.s32 $0xFFFFFFB0  }
0x76: {  	_ =	sfence.sel $0x180000  }
0x77: {  	[bflag:$0x0] =	sbarrier.arrive $0xFFFF  }
0x78: {  	p0 =	sne.s32 s1, $0x0;
	_ =	strace $0x90000047  }
0x79: {  	s0 =	sadd.s32 @!p0 $0x100000, s0;
	[bflag:$0x2] =	sbarrier.arrive $0xFFFF  }
0x7a: {  	[sflag:s0] =	ssyncadd.tile.s32 @!p0 $0x1;
	_ =	shalt  }
.Lfunc_end2:
_tile_overlayer_lowered:
.L_overlay_start_2:
0x7b: {  	(tag) =	ssettag $0x2  }
0x7c: {  	s0 =	rddreg [dreg:$0x0];
	s2 =	stileid.u32  }
0x7d: {  	s1 =	rddreg [dreg:$0x1];
	p0 =	sne.s32 s2, $0x0  }
0x7e: {  	s3 =	rddreg [dreg:$0x2];
	[bflag:$0x3] =	sbarrier.arrive $0xFFFF;
	s2 =	simm.s32 @!p0 $0x1C02  }
0x7f: {  	[timem:s3], [sflag:s2] =	dma.local @!p0 [hbm:s0], s1  }
0x80: {  	s0 =	simm.s32 @!p0 $0x2  }
0x81: {  	_ =	swait.ge @!p0 [sflag:s0], s1  }
0x82: {  	s1 =	ssub.s32 @!p0 $0x0, s1;
	[sflag:s0] =	ssyncset.done @!p0 $0x0  }
0x83: {  	[sflag:s0] =	ssyncadd.s32 @!p0 s1  }
0x84: {  	[bflag:$0x3] =	sbarrier.arrive $0xFFFF  }
0x85: {  	_ =	shalt  }

// kernel: kernel.9.cloned.1.call-start
scs
__scs_entry_jumppad:
0x0: {  	(pc) =	sbr.rel $0x88, $3  }
0x1: {  	(tag) =	ssettag $0x0;
	lr =	simm.s32 $0x1  }
0x2: {  	[smem:$0x3F9E] =	sst lr;
	_ =	strace $0xD0000000  }
0x3: {  	_ = 	snop  }
0x4: {  	_ = 	snop  }
0x5: {  	_ = 	snop  }
0x6: {  	_ = 	snop  }
0x7: {  	_ = 	snop  }
__scs_overlays_trampoline_lowered:
0x8: {  	[smem:$0x3FAD] =	sst s0  }
0x9: {  	[smem:$0x3FAE] =	sst s1  }
0xa: {  	[smem:$0x3FAF] =	sst s2  }
0xb: {  	[smem:$0x3FB0] =	sst s3  }
0xc: {  	[smem:$0x3FB1] =	sst s4  }
0xd: {  	[smem:$0x3FB2] =	sst s5  }
0xe: {  	[smem:$0x3FB3] =	sst s6  }
0xf: {  	[smem:$0x3FB4] =	sst s7  }
0x10: {  	[smem:$0x3FB5] =	sst s8  }
0x11: {  	[smem:$0x3FB6] =	sst s9;
	s0 =	simm.s32 @!p0 $0x0  }
0x12: {  	s1 =	sld [smem:$0x3F9C];
	s0 =	simm.s32 @p0 $0x1  }
0x13: {  	[smem:$0x3FB7] =	sst s0;
	s0 =	simm.s32 @!p1 $0x0  }
0x14: {  	s2 =	sld [smem:$0x3F9B];
	s0 =	simm.s32 @p1 $0x1  }
0x15: {  	[smem:$0x3FB8] =	sst s0;
	s0 =	simm.s32 @!p2 $0x0  }
0x16: {  	s3 =	sld [smem:$0x3FDB];
	s0 =	simm.s32 @p2 $0x1  }
0x17: {  	s4 =	simm.s32 $0x1BF5;
	[smem:$0x3FBA] =	sst s0  }
0x18: {  	s0 =	sld [smem:$0x3F9D];
	_ =	swait.ge [sflag:s4], $0x0  }
0x19: {  	s7 =	sld [smem:$0x3F9E]  }
0x1a: {  	s8 =	sadd.s32 $0xFFFFE003, lr  }
0x1b: {  	s9 =	sadd.s32 $0xFFFFFEF7, lr;
	s5 =	simm.s32 $0xFFFFFFFF;
	p2 =	slt.u32 s8, $0xFFFFF086  }
0x1c: {  	p1 =	slt.u32 s9, $0xF7A;
	s5 =	simm.s32 @!p2 $0x0  }
0x1d: {  	s5 =	simm.s32 @p1 $0x1;
	p0 =	seq.s32 s7, s2  }
0x1e: {  	s7 =	smul.u32 @!p0 $0xF7A, s2;
	p2 =	seq.s32 @!p0 s5, $0x0  }
0x1f: {  	s9 =	smul.u32 $0xF7A, s1;
	s8 =	simm.s32 @!p0 $0x1BF5;
	p2 =	por !p2, p0  }
0x20: {  	[sflag:s8] =	ssyncset.s32 @!p0 $0xFFFFF086;
	s6 =	sadd.s32 @!p0 s3, s7;
	s7 =	simm.s32 @!p0 $0x108  }
0x21: {  	s3 =	sadd.s32 s3, s9;
	s6 =	sadd.s32 @!p0 $0x88, s6;
	s7 =	simm.s32 @p2 $0x1082  }
0x22: {  	[simem:s7], [sflag:s8] =	dma.local @!p0 [hbm:s6], $0xF7A  }
0x23: {  	s9 =	sor.u32 $0xD0000000, s2;
	s6 =	simm.s32 $0x108;
	_ =	swait.ge @!p0 [sflag:s8], $0x0  }
0x24: {  	s3 =	sadd.s32 $0x88, s3;
	s6 =	simm.s32 @!p1 $0x1082;
	[sflag:s4] =	ssyncset.s32 $0xFFFFF086  }
0x25: {  	[simem:s6], [sflag:s4] =	dma.local [hbm:s3], $0xF7A  }
0x26: {  	[smem:$0x3F9E] =	sst s1;
	(tag) =	ssettag s2;
	_ =	strace s9  }
0x27: {  	s1 =	sld [smem:$0x3FAE]  }
0x28: {  	s2 =	sld [smem:$0x3FAF]  }
0x29: {  	s4 =	sld [smem:$0x3FB1]  }
0x2a: {  	p0 =	seq.s32 s5, $0x0;
	s5 =	sld [smem:$0x3FB2]  }
0x2b: {  	s6 =	sld [smem:$0x3FB3]  }
0x2c: {  	s7 =	sld [smem:$0x3FB4]  }
0x2d: {  	s3 =	simm.s32 $0x108;
	s8 =	sld [smem:$0x3FB5]  }
0x2e: {  	s3 =	simm.s32 @!p0 $0x1082;
	s9 =	sld [smem:$0x3FB6]  }
0x2f: {  	lr =	sadd.s32 s0, s3;
	s0 =	sld [smem:$0x3FAD]  }
0x30: {  	s3 =	sld [smem:$0x3FB0]  }
0x31: {  	[smem:$0x3FB9] =	sst s10  }
0x32: {  	s10 =	sld [smem:$0x3FB7];
	_ =	sdelay $0x3  }
0x33: {  	p0 =	seq.s32 s10, $0x1;
	s10 =	sld [smem:$0x3FB9];
	_ =	sdelay $0x3  }
0x34: {  	[smem:$0x3FB9] =	sst s10  }
0x35: {  	s10 =	sld [smem:$0x3FB8];
	_ =	sdelay $0x3  }
0x36: {  	p1 =	seq.s32 s10, $0x1;
	s10 =	sld [smem:$0x3FB9];
	_ =	sdelay $0x3  }
0x37: {  	[smem:$0x3FB9] =	sst s10  }
0x38: {  	s10 =	sld [smem:$0x3FBA]  }
0x39: {  	_ = 	snop;
	(pc) =	sbr.ind lr, $3  }
0x3a: {  	_ = 	snop  }
0x3b: {  	_ = 	snop  }
0x3c: {  	p2 =	seq.s32 s10, $0x1;
	s10 =	sld [smem:$0x3FB9]  }
0x3d: {  	_ =	shalt  }
0x3e: {  	_ =	shalt  }
0x3f: {  	_ =	shalt  }
0x40: {  	_ =	shalt  }
0x41: {  	_ =	shalt  }
0x42: {  	_ =	shalt  }
0x43: {  	_ =	shalt  }
0x44: {  	_ =	shalt  }
0x45: {  	_ =	shalt  }
0x46: {  	_ =	shalt  }
0x47: {  	_ =	shalt  }
0x48: {  	_ =	shalt  }
0x49: {  	_ =	shalt  }
0x4a: {  	_ =	shalt  }
0x4b: {  	_ =	shalt  }
0x4c: {  	_ =	shalt  }
0x4d: {  	_ =	shalt  }
0x4e: {  	_ =	shalt  }
0x4f: {  	_ =	shalt  }
0x50: {  	_ =	shalt  }
0x51: {  	_ =	shalt  }
0x52: {  	_ =	shalt  }
0x53: {  	_ =	shalt  }
0x54: {  	_ =	shalt  }
0x55: {  	_ =	shalt  }
0x56: {  	_ =	shalt  }
0x57: {  	_ =	shalt  }
0x58: {  	_ =	shalt  }
0x59: {  	_ =	shalt  }
0x5a: {  	_ =	shalt  }
0x5b: {  	_ =	shalt  }
0x5c: {  	_ =	shalt  }
0x5d: {  	_ =	shalt  }
0x5e: {  	_ =	shalt  }
0x5f: {  	_ =	shalt  }
0x60: {  	_ =	shalt  }
0x61: {  	_ =	shalt  }
0x62: {  	_ =	shalt  }
0x63: {  	_ =	shalt  }
0x64: {  	_ =	shalt  }
0x65: {  	_ =	shalt  }
0x66: {  	_ =	shalt  }
0x67: {  	_ =	shalt  }
0x68: {  	_ =	shalt  }
0x69: {  	_ =	shalt  }
0x6a: {  	_ =	shalt  }
0x6b: {  	_ =	shalt  }
0x6c: {  	_ =	shalt  }
0x6d: {  	_ =	shalt  }
0x6e: {  	_ =	shalt  }
0x6f: {  	_ =	shalt  }
0x70: {  	_ =	shalt  }
0x71: {  	_ =	shalt  }
0x72: {  	_ =	shalt  }
0x73: {  	_ =	shalt  }
0x74: {  	_ =	shalt  }
0x75: {  	_ =	shalt  }
0x76: {  	_ =	shalt  }
0x77: {  	_ =	shalt  }
0x78: {  	_ =	shalt  }
0x79: {  	_ =	shalt  }
0x7a: {  	_ =	shalt  }
0x7b: {  	_ =	shalt  }
0x7c: {  	_ =	shalt  }
0x7d: {  	_ =	shalt  }
0x7e: {  	_ =	shalt  }
0x7f: {  	_ =	shalt  }
0x80: {  	_ =	shalt  }
0x81: {  	_ =	shalt  }
0x82: {  	_ =	shalt  }
0x83: {  	_ =	shalt  }
0x84: {  	_ =	shalt  }
0x85: {  	_ =	shalt  }
0x86: {  	_ =	shalt  }
0x87: {  	_ =	shalt  }
.Lfunc_end0:
.L_simem_size_0:
called_computation.1_lowered:
.L_overlay_start_0:
0x88: {  	s2 =	sld [smem:$0x3FD9]  }
0x89: {  	s3 =	sld [smem:$0x3FFE];
	_ =	sdelay $0x1  }
0x8a: {  	s1 =	srdreg.scid  }
0x8b: {  	s0 =	sand.u32 $0x1, s1  }
0x8c: {  	s17 =	sshll.u32 s0, $0xA;
	s2 =	sadd.s32 s3, s2  }
0x8d: {  	s2 =	sadd.s32 s2, s17  }
0x8e: {  	[smem:$0x3FC5] =	sst s2  }
0x8f: {  	_ = 	snop  }
0x90: {  	s2 =	sld [smem:$0x3FD0];
	(tm) =	ssettm $0x1  }
0x91: {  	s18 =	sld [smem:$0x3FFB];
	_ =	sdelay $0x3  }
0x92: {  	_ =	strace s18  }
0x93: {  	s3 =	sld [smem:$0x3FFC];
	_ =	sdelay $0x3  }
0x94: {  	_ =	strace s3  }
0x95: {  	s3 =	sld [smem:$0x3FFD];
	_ =	sdelay $0x3  }
0x96: {  	_ =	strace s3  }
0x97: {  	_ =	strace $0x8FFFFFFF  }
0x98: {  	s19 =	sld [smem:$0x3FDB];
	_ =	sdelay $0x1  }
0x99: {  	s4 =	simm.s32 $_scs_section_size  }
0x9a: {  	s5 =	simm.s32 $_size__tile_overlayer_lowered;
	s6 =	simm.s32 $_tile_overlayer_lowered  }
0x9b: {  	s22 =	simm.s32 $0x1BFF;
	s21 =	sshll.u32 s6, $0x1;
	s3 =	sadd.s32 s4, s19  }
0x9c: {  	s7 =	simm.s32 $0x0;
	s20 =	sshll.u32 s5, $0x1;
	s5 =	sadd.s32 s21, s3  }
0x9d: {  	[timem:s7], [sflag:s22] =	dma.local [hbm:s5], s20  }
0x9e: {  	_ =	swait.ge [sflag:s22], s20  }
0x9f: {  	s4 =	ssub.s32 $0x0, s20;
	[sflag:s22] =	ssyncset.done $0x0  }
0xa0: {  	[sflag:s22] =	ssyncadd.s32 s4;
	_ =	sdelay $0x1  }
0xa1: {  	s23 =	simm.s32 $0x1B8B  }
0xa2: {  	_ =	swait.ge [sflag:s23], $0x1  }
0xa3: {  	[sflag:s23] =	ssyncset.done $0x0  }
0xa4: {  	s25 =	simm.s32 $0x1B8E;
	s24 =	sld [smem:$0x3FFE];
	[sflag:s23] =	ssyncadd.s32 $0xFFFFFFFF  }
0xa5: {  	s26 =	simm.s32 $execute0_lowered;
	[smem:$0x3FD2] =	sst s25  }
0xa6: {  	s5 =	sshll.u32 s26, $0x1;
	_ =	strace $0x80000049;
	[dreg:$0x1] =	wrdreg $0xFFFFFFFF  }
0xa7: {  	s28 =	simm.s32 $_size_execute0_lowered;
	s3 =	sadd.s32 s3, s5;
	[dreg:$0x0] =	wrdreg $0x0  }
0xa8: {  	s5 =	sshll.u32 s28, $0x1;
	[dreg:$0x2] =	wrdreg s3  }
0xa9: {  	[dreg:$0x3] =	wrdreg s5  }
0xaa: {  	[dreg:$0x4] =	wrdreg $0xC0  }
0xab: {  	_ =	task [dreg:s7], $0x5FFFF  }
0xac: {  	[dreg:$0x1] =	wrdreg $0xFFFFFFFF  }
0xad: {  	[dreg:$0x0] =	wrdreg $0x60  }
0xae: {  	[dreg:$0x2] =	wrdreg s24  }
0xaf: {  	[dreg:$0x3] =	wrdreg s2  }
0xb0: {  	[dreg:$0x4] =	wrdreg $0x0  }
0xb1: {  	[dreg:$0x5] =	wrdreg $0x9  }
0xb2: {  	_ =	task.clear_ibuf [dreg:s7], $0x6FFFF;
	_ =	strace $0x90000049  }
0xb3: {  	s29 =	simm.s32 $0x9;
	_ =	strace $0x8000004B  }
0xb4: {  	_ =	swait.ge [sflag:s29], $0x1  }
0xb5: {  	[sflag:s29] =	ssyncadd.s32 $0xFFFFFFFF  }
0xb6: {  	_ =	strace $0x9000004B  }
0xb7: {  	_ =	sfence  }
0xb8: {  	s30 =	sld [smem:$0x0];
	_ =	sdelay $0x2  }
0xb9: {  	s31 =	sshll.u32 s1, $0xD;
	s1 =	sshrl.u32 s1, $0x2  }
0xba: {  	s3 =	sand.u32 $0x4000, s31;
	s1 =	sadd.s32 s1, s30  }
0xbb: {  	s0 =	sor.u32 s3, s0;
	s1 =	sshll.u32 s1, $0x11  }
0xbc: {  	s0 =	sor.u32 s1, s0  }
0xbd: {  	s0 =	sadd.s32 $0x8F2B, s0  }
0xbe: {  	[sflag:s0] =	ssyncadd.remote.s32 $0x1  }
0xbf: {  	_ =	sfence.sel $0xFFFF  }
0xc0: {  	[dreg:$0x0] =	wrdreg $0xFFFFFFFF;
	(pc) =	sbr.abs _section_cstart, $3  }
0xc1: {  	[dreg:$0x1] =	wrdreg $0xFFFFFFFF  }
0xc2: {  	_ =	task.clear_ibuf [dreg:s7], $0x2FFFF;
	_ =	strace $0x9FFFFFFF  }
0xc3: {  	(tm) =	ssettm $0x7FFFFFFF  }
tec
execute0_lowered:
.L_overlay_start_1:
0x0: {  	(tag) =	ssettag $0x1  }
0x1: {  	s1 =	rddreg [dreg:$0x0]  }
0x2: {  	s2 =	rddreg [dreg:$0x1]  }
0x3: {  	s0 =	srdreg.scid;
	s4 =	stileid.u32  }
0x4: {  	s3 =	rddreg [dreg:$0x2];
	s7 =	simm.s32 $0x0;
	s5 =	smul.u32 $0x280, s4  }
0x5: {  	s28 =	simm.s32 $0x14100;
	s31 =	simm.s32 $0x17000;
	s9 =	smul.u32 $0x50000, s4  }
0x6: {  	s30 =	simm.s32 $0x14100;
	s0 =	sand.u32 $0x1, s0;
	s29 =	smul.u32 $0x2800, s4  }
0x7: {  	[smem:$0x7FF] =	sst s7;
	s12 =	sadd.s32 $0x1C00, s1;
	s11 =	smul.u32 $0x2710, s4  }
0x8: {  	s6 =	sshll.u32 s0, $0x4;
	_ =	strace $0x8000004A;
	s26 =	ssub.s32 $0x2, s0  }
0x9: {  	p0 =	seq.s32 s0, $0x0;
	s10 =	smul.u32 $0x27100, s0;
	[dreg:$0x4] =	wrdreg s12  }
0xa: {  	s6 =	sor.u32 s4, s6;
	s5 =	ssub.s32 $0x2710, s5;
	s8 =	sshrl.u32 s26, $0x1  }
0xb: {  	s9 =	sshrl.u32 s9, $0x2;
	s16 =	sadd.s32 s29, s2;
	s6 =	smul.u32 $0x2710, s6  }
0xc: {  	s5 =	smin.u32 s5, $0x280;
	s7 =	ssub.s32 s26, s8;
	s8 =	simm.s32 $0x15600  }
0xd: {  	s23 =	sadd.s32 s9, s3;
	[dreg:$0xa] =	wrdreg s16;
	s5 =	smul.u32 $0x334, s5  }
0xe: {  	s8 =	simm.s32 @!p0 $0x3D600;
	s15 =	smax.u32 s7, $0x1;
	[dreg:$0x7] =	wrdreg s23  }
0xf: {  	s1 =	sadd.s32 s8, s1;
	[dreg:$0x8] =	wrdreg s15;
	s14 =	sshrl.u32 s5, $0x10  }
0x10: {  	s6 =	sshrl.u32 s6, $0x3;
	s1 =	sadd.s32 s1, s29;
	[dreg:$0x6] =	wrdreg s14  }
0x11: {  	s13 =	sadd.s32 s12, s6;
	[dreg:$0x9] =	wrdreg s1;
	s1 =	sadd.s32 s11, s10  }
0x12: {  	p0 =	sne.s32 s0, $0x0;
	[dreg:$0x5] =	wrdreg s13;
	s17 =	sadd.s32 $0x4B0, s1  }
0x13: {  	s18 =	sadd.s32 $0x4E6B0, s1;
	s19 =	sadd.s32 $0x460, s1;
	s25 =	sadd.s32 $0x4E660, s1  }
0x14: {  	s26 =	sadd.s32 $0x410, s1;
	s29 =	sadd.s32 $0x4E610, s1;
	s9 =	sadd.s32 $0x3C0, s1  }
0x15: {  	s10 =	sadd.s32 $0x4E5C0, s1;
	s11 =	sadd.s32 $0x370, s1;
	s4 =	sadd.s32 $0x4E480, s1  }
0x16: {  	s5 =	sshrl.u32 s17, $0x3;
	s6 =	sshrl.u32 s18, $0x3;
	s22 =	sshrl.u32 s19, $0x3  }
0x17: {  	s7 =	sshrl.u32 s29, $0x3;
	s16 =	sshrl.u32 s11, $0x3;
	s18 =	sadd.s32 $0x4E570, s1  }
0x18: {  	s19 =	sadd.s32 $0x320, s1;
	s29 =	sadd.s32 $0x4E4D0, s1;
	s11 =	sadd.s32 $0x9C40, s13  }
0x19: {  	s20 =	sadd.s32 s5, s12;
	s21 =	sadd.s32 s6, s12;
	[dreg:$0x1b] =	wrdreg s11  }
0x1a: {  	s24 =	sadd.s32 s22, s12;
	s5 =	sshrl.u32 s25, $0x3;
	[dreg:$0xb] =	wrdreg s20  }
0x1b: {  	s6 =	sshrl.u32 s26, $0x3;
	s8 =	sadd.s32 s7, s12;
	[dreg:$0xc] =	wrdreg s21  }
0x1c: {  	s17 =	sadd.s32 s16, s12;
	s26 =	sadd.s32 $0x2D0, s1;
	[dreg:$0xd] =	wrdreg s24  }
0x1d: {  	s7 =	sshrl.u32 s29, $0x3;
	s16 =	sadd.s32 $0x9C54, s13;
	[dreg:$0x10] =	wrdreg s8  }
0x1e: {  	s29 =	sadd.s32 $0x9C86, s13;
	s11 =	simm.s32 $0x14800;
	[dreg:$0x13] =	wrdreg s17  }
0x1f: {  	s5 =	sadd.s32 s5, s12;
	s6 =	sadd.s32 s6, s12;
	[dreg:$0x1f] =	wrdreg s16  }
0x20: {  	s20 =	sadd.s32 $0x4E520, s1;
	s0 =	sshrl.u32 s26, $0x3;
	[smem:$0x7FD] =	sst s29  }
0x21: {  	s8 =	sshrl.u32 s4, $0x3;
	s17 =	sadd.s32 $0x1E, s13;
	[dreg:$0xe] =	wrdreg s5  }
0x22: {  	s26 =	sadd.s32 $0x46, s13;
	s16 =	simm.s32 $0x6;
	[dreg:$0xf] =	wrdreg s6  }
0x23: {  	s5 =	sshrl.u32 s9, $0x3;
	s6 =	sshrl.u32 s10, $0x3;
	[smem:$0x7F4] =	sst s17  }
0x24: {  	s24 =	sshrl.u32 s20, $0x3;
	s0 =	sadd.s32 s0, s12;
	[smem:$0x7FC] =	sst s26  }
0x25: {  	s9 =	sadd.s32 $0x280, s1;
	s10 =	sadd.s32 s8, s12;
	[dreg:$0x17] =	wrdreg s0  }
0x26: {  	s20 =	sadd.s32 $0x9C68, s13;
	s1 =	simm.s32 $0x11;
	[dreg:$0x19] =	wrdreg s9  }
0x27: {  	s8 =	simm.s32 $0xB;
	s26 =	simm.s32 $0xD;
	[dreg:$0x1a] =	wrdreg s10  }
0x28: {  	s17 =	simm.s32 $0x7;
	s14 =	sadd.s32 s5, s12;
	[smem:$0x7F7] =	sst s20  }
0x29: {  	s15 =	sadd.s32 s6, s12;
	s5 =	sshrl.u32 s18, $0x3;
	[dreg:$0x11] =	wrdreg s14  }
0x2a: {  	s6 =	sshrl.u32 s19, $0x3;
	s25 =	sadd.s32 s24, s12;
	[dreg:$0x12] =	wrdreg s15  }
0x2b: {  	s0 =	sadd.s32 s7, s12;
	s18 =	sadd.s32 $0x9C5E, s13;
	[dreg:$0x16] =	wrdreg s25  }
0x2c: {  	s19 =	sadd.s32 $0x28, s13;
	s24 =	sadd.s32 $0x3C, s13;
	[dreg:$0x18] =	wrdreg s0  }
0x2d: {  	s9 =	simm.s32 $0x9;
	s10 =	simm.s32 $0x50;
	[smem:$0x7F5] =	sst s18  }
0x2e: {  	s7 =	simm.s32 $0x1C000;
	s20 =	simm.s32 $0x0;
	[smem:$0x7F6] =	sst s19  }
0x2f: {  	s21 =	sadd.s32 s5, s12;
	s22 =	sadd.s32 s6, s12;
	[smem:$0x7FA] =	sst s24  }
0x30: {  	s12 =	sadd.s32 $0xA, s13;
	s14 =	sadd.s32 $0x9C4A, s13;
	[dreg:$0x14] =	wrdreg s21  }
0x31: {  	s15 =	sadd.s32 $0x14, s13;
	s25 =	sadd.s32 $0x9C7C, s13;
	[dreg:$0x15] =	wrdreg s22  }
0x32: {  	s0 =	simm.s32 $0x14180;
	s6 =	simm.s32 $0xF;
	[dreg:$0x1c] =	wrdreg s12  }
.Ltmp0:
0x33: {  	s5 =	simm.s32 $0x1;
	[dreg:$0x1d] =	wrdreg s14;
	(pc) =	sbr.rel .LBB2_1-.Ltmp0, $4  }
0x34: {  	s18 =	simm.s32 $0x8;
	s19 =	simm.s32 $0x3;
	[dreg:$0x1e] =	wrdreg s15  }
0x35: {  	s21 =	sadd.s32 $0x32, s13;
	s22 =	sadd.s32 $0x9C72, s13;
	[smem:$0x7FB] =	sst s25  }
0x36: {  	s12 =	simm.s32 $0x5;
	s13 =	simm.s32 $0xA;
	[smem:$0x7F8] =	sst s21  }
0x37: {  	v0 =	vimm.f32 $0.0e+00;
	s14 =	simm.s32 $0x2;
	s15 =	simm.s32 $0x4;
	[smem:$0x7F9] =	sst s22  }
.LBB2_13:
0x38: {  	_ =	swait.ge [sflag:s16], $0x2800  }
0x39: {  	[sflag:s16] =	ssyncset.done $0x0  }
0x3a: {  	[sflag:s16] =	ssyncadd.s32 $0xFFFFD800  }
0x3b: {  	_ =	swait.ge [sflag:s17], $0x2800  }
0x3c: {  	[sflag:s17] =	ssyncset.done $0x0  }
0x3d: {  	[sflag:s17] =	ssyncadd.s32 $0xFFFFD800  }
0x3e: {  	_ =	swait.ge [sflag:s18], $0x2800  }
0x3f: {  	[sflag:s18] =	ssyncset.done $0x0  }
0x40: {  	[sflag:s18] =	ssyncadd.s32 $0xFFFFD800  }
0x41: {  	[bflag:$0x0] =	sbarrier.arrive $0xFFFF  }
0x42: {  	s4 =	sld [smem:$0x7F2]  }
0x43: {  	s21 =	sld [smem:$0x7F3];
	_ =	sdelay $0x1  }
0x44: {  	s20 =	rddreg [dreg:$0x9];
	s4 =	sor.u32 $0x1C11, s4  }
0x45: {  	[hbm:s20], [sflag:s4] =	dma.local [spmem:s21], $0x2800  }
0x46: {  	_ =	swait.ge [sflag:s1], $0x2800  }
0x47: {  	s25 =	sld [smem:$0x7F1];
	_ =	sdelay $0x2  }
0x48: {  	s29 =	rddreg [dreg:$0x8];
	s20 =	sadd.s32 $0x1, s25  }
0x49: {  	p1 =	sne.s32 s20, s29  }
.Ltmp1:
0x4a: {  	_ = 	snop;
	(pc) =	sbr.rel @!p1 .LBB2_14-.Ltmp1, $3  }
0x4b: {  	_ =	sdelay $0x1  }
0x4c: {  	[sflag:s1] =	ssyncset.done $0x0  }
0x4d: {  	s28 =	simm.s32 $0x14100;
	s23 =	rddreg [dreg:$0x7];
	[sflag:s1] =	ssyncadd.s32 $0xFFFFD800  }
.LBB2_1:
0x4e: {  	s24 =	rddreg [dreg:$0x5]  }
0x4f: {  	s4 =	simm.s32 $0x0;
	s21 =	simm.s32 $0x14000;
	s25 =	rddreg [dreg:$0x1b]  }
0x50: {  	[tilespmem:s21], [sflag:$0x9] =	stream.linear.gather [hbm4b:s24+s4], $0x50, $0x38;
	[tilespmem:$0x1E800] =	vst v63  }
0x51: {  	s29 =	simm.s32 $0x14080;
	s22 =	rddreg [dreg:$0x1c]  }
0x52: {  	[tilespmem:s29], [sflag:$0x9] =	stream.linear.gather [hbm4b:s25+s4], $0x50, $0x38;
	[tilespmem:$0x1E800] =	vst v63  }
0x53: {  	s24 =	rddreg [dreg:$0x1d]  }
0x54: {  	[tilespmem:s28], [sflag:$0xA] =	stream.linear.gather [hbm4b:s22+s4], $0x50, $0x38;
	[tilespmem:$0x1E800] =	vst v63  }
0x55: {  	s25 =	rddreg [dreg:$0x1e]  }
0x56: {  	[tilespmem:s0], [sflag:$0xA] =	stream.linear.gather [hbm4b:s24+s4], $0x50, $0x38;
	[tilespmem:$0x1E800] =	vst v63  }
0x57: {  	s29 =	simm.s32 $0x14200;
	s22 =	sld [smem:$0x7F4]  }
0x58: {  	[tilespmem:s29], [sflag:$0xB] =	stream.linear.gather [hbm4b:s25+s4], $0x50, $0x38;
	[tilespmem:$0x1E800] =	vst v63  }
0x59: {  	s21 =	simm.s32 $0x14280;
	s0 =	rddreg [dreg:$0x1f]  }
0x5a: {  	[tilespmem:s21], [sflag:$0xB] =	stream.linear.gather [hbm4b:s0+s4], $0x50, $0x38;
	[tilespmem:$0x1E800] =	vst v63  }
0x5b: {  	s24 =	simm.s32 $0x14300;
	s25 =	sld [smem:$0x7F5]  }
0x5c: {  	[tilespmem:s24], [sflag:$0xC] =	stream.linear.gather [hbm4b:s22+s4], $0x50, $0x38;
	[tilespmem:$0x1E800] =	vst v63  }
0x5d: {  	s29 =	simm.s32 $0x14380;
	s0 =	sld [smem:$0x7F6]  }
0x5e: {  	[tilespmem:s29], [sflag:$0xC] =	stream.linear.gather [hbm4b:s25+s4], $0x50, $0x38;
	[tilespmem:$0x1E800] =	vst v63  }
0x5f: {  	s21 =	simm.s32 $0x14400;
	s22 =	sld [smem:$0x7F7]  }
0x60: {  	[tilespmem:s21], [sflag:$0xD] =	stream.linear.gather [hbm4b:s0+s4], $0x50, $0x38;
	[tilespmem:$0x1E800] =	vst v63  }
0x61: {  	s24 =	simm.s32 $0x14480;
	s25 =	sld [smem:$0x7F8]  }
0x62: {  	[tilespmem:s24], [sflag:$0xD] =	stream.linear.gather [hbm4b:s22+s4], $0x50, $0x38;
	[tilespmem:$0x1E800] =	vst v63  }
0x63: {  	s29 =	simm.s32 $0x14500;
	s0 =	sld [smem:$0x7F9]  }
0x64: {  	[tilespmem:s29], [sflag:$0xE] =	stream.linear.gather [hbm4b:s25+s4], $0x50, $0x38;
	[tilespmem:$0x1E800] =	vst v63  }
0x65: {  	s21 =	simm.s32 $0x14580;
	s22 =	sld [smem:$0x7FA]  }
0x66: {  	[tilespmem:s21], [sflag:$0xE] =	stream.linear.gather [hbm4b:s0+s4], $0x50, $0x38;
	[tilespmem:$0x1E800] =	vst v63  }
0x67: {  	s24 =	simm.s32 $0x14600;
	s25 =	sld [smem:$0x7FB]  }
0x68: {  	[tilespmem:s24], [sflag:$0xF] =	stream.linear.gather [hbm4b:s22+s4], $0x50, $0x38;
	[tilespmem:$0x1E800] =	vst v63  }
0x69: {  	s29 =	simm.s32 $0x14680;
	s21 =	sld [smem:$0x7FC]  }
0x6a: {  	[tilespmem:s29], [sflag:$0xF] =	stream.linear.gather [hbm4b:s25+s4], $0x50, $0x38;
	[tilespmem:$0x1E800] =	vst v63  }
0x6b: {  	s22 =	simm.s32 $0x14700;
	s24 =	sld [smem:$0x7FD]  }
0x6c: {  	[tilespmem:s22], [sflag:$0x10] =	stream.linear.gather [hbm4b:s21+s4], $0x50, $0x38;
	[tilespmem:$0x1E800] =	vst v63  }
.Ltmp2:
0x6d: {  	s29 =	stileid.u32;
	(pc) =	sbr.rel @p0 .LBB2_5-.Ltmp2, $4  }
0x6e: {  	[smem:$0x7F1] =	sst s20;
	s25 =	simm.s32 $0x14780;
	s0 =	sshll.u32 s29, $0x6  }
0x6f: {  	[tilespmem:s25], [sflag:$0x10] =	stream.linear.gather [hbm4b:s24+s4], $0x50, $0x38;
	[tilespmem:$0x1E800] =	vst v63  }
0x70: {  	[smem:$0x7F2] =	sst s0;
	s4 =	sshrl.u32 s23, $0x3  }
0x71: {  	s21 =	simm.s32 $0x1C0;
	[smem:$0x7F3] =	sst s4  }
0x72: {  	s20 =	sor.u32 $0x1C11, s0;
	s22 =	rddreg [dreg:$0xa]  }
0x73: {  	[spmem:s4], [sflag:s20] =	dma.local [hbm:s22], $0x500  }
0x74: {  	s4 =	rddreg [dreg:$0x6]  }
0x75: {  	p1 =	seq.s32 s4, $0x1  }
.Ltmp3:
0x76: {  	_ = 	snop;
	(pc) =	sbr.rel @p1 .LBB2_4-.Ltmp3, $2  }
0x77: {  	_ =	sdelay $0x2  }
0x78: {  	s22 =	sadd.s32 $0x500, s22;
	_ =	swait.ge [sflag:s1], $0x500;
	s21 =	sadd.s32 $0xFFFFFFFF, s4  }
.LBB2_3:
0x79: {  	[sflag:s1] =	ssyncset.done $0x0;
	s23 =	sadd.s32 $0x2800, s23;
	p1 =	seq.s32 s21, $0x1  }
.Ltmp4:
0x7a: {  	s24 =	sshrl.u32 s23, $0x3;
	[sflag:s1] =	ssyncadd.s32 $0xFFFFFB00;
	(pc) =	sbr.rel @!p1 .LBB2_3-.Ltmp4, $3  }
0x7b: {  	[spmem:s24], [sflag:s20] =	dma.local [hbm:s22], $0x500  }
0x7c: {  	s21 =	sadd.s32 $0xFFFFFFFF, s21;
	_ =	sdelay $0x1  }
0x7d: {  	s22 =	sadd.s32 $0x500, s22;
	_ =	swait.ge [sflag:s1], $0x500  }
.LBB2_4:
.Ltmp5:
0x7e: {  	(pc) =	sbr.rel .LBB2_10-.Ltmp5, $3  }
0x7f: {  	_ =	sdelay $0x1  }
0x80: {  	[sflag:s1] =	ssyncset.done $0x0  }
0x81: {  	[sflag:s1] =	ssyncadd.s32 $0xFFFFFB00  }
.LBB2_5:
0x82: {  	s20 =	sshra.s32 s21, $0x2;
	s21 =	sadd.s32 $0x200, s21  }
.LBB2_6:
0x83: {  	p1 =	seq.s32 s21, $0x9FC0;
	[tilespmem:s20+$0x14800] =	vst v0  }
0x84: {  	[tilespmem:s20+$0x14790] =	vst v0  }
0x85: {  	[tilespmem:s20+$0x147A0] =	vst v0  }
.Ltmp6:
0x86: {  	[tilespmem:s20+$0x147B0] =	vst v0;
	(pc) =	sbr.rel @!p1 .LBB2_6-.Ltmp6, $4  }
0x87: {  	[tilespmem:s20+$0x147C0] =	vst v0  }
0x88: {  	[tilespmem:s20+$0x147D0] =	vst v0  }
0x89: {  	[tilespmem:s20+$0x147E0] =	vst v0  }
0x8a: {  	[tilespmem:s20+$0x147F0] =	vst v0;
	s20 =	sshra.s32 s21, $0x2;
	s21 =	sadd.s32 $0x200, s21  }
0x8b: {  	[tilespmem:s20+$0x14800] =	vst v0  }
0x8c: {  	[tilespmem:s20+$0x14790] =	vst v0  }
0x8d: {  	[tilespmem:s20+$0x147A0] =	vst v0  }
0x8e: {  	[tilespmem:s20+$0x147B0] =	vst v0  }
0x8f: {  	[tilespmem:s20+$0x147C0] =	vst v0;
	s4 =	rddreg [dreg:$0x6]  }
0x90: {  	[tilespmem:s20+$0x147D0] =	vst v0;
	p1 =	sne.s32 s4, $0x1  }
.Ltmp7:
0x91: {  	[tilespmem:s20+$0x147E0] =	vst v0;
	(pc) =	sbr.rel @!p1 .LBB2_9-.Ltmp7, $4  }
0x92: {  	[tilespmem:s20+$0x147F0] =	vst v0  }
0x93: {  	[spmem:s23] =	stream.linear.scatter [tilespmem:s11], [sflag:$0x11], $0x2800, $0x38;
	[tilespmem:$0x1E800] =	vst v63  }
0x94: {  	_ =	swait.ge [sflag:s1], $0x2800  }
0x95: {  	s20 =	sadd.s32 $0xFFFFFFFF, s4;
	[sflag:s1] =	ssyncset.done $0x0  }
.LBB2_8:
0x96: {  	p1 =	sne.s32 s20, $0x1;
	[sflag:s1] =	ssyncadd.s32 $0xFFFFD800;
	s23 =	sadd.s32 $0x2800, s23  }
.Ltmp8:
0x97: {  	s20 =	sadd.s32 $0xFFFFFFFF, s20;
	(pc) =	sbr.rel @p1 .LBB2_8-.Ltmp8, $4  }
0x98: {  	_ = 	snop  }
0x99: {  	[spmem:s23] =	stream.linear.scatter [tilespmem:s11], [sflag:$0x11], $0x2800, $0x38;
	[tilespmem:$0x1E800] =	vst v63  }
0x9a: {  	_ =	swait.ge [sflag:s1], $0x2800  }
0x9b: {  	[sflag:s1] =	ssyncset.done $0x0  }
.LBB2_9:
0x9c: {  	[sflag:s1] =	ssyncadd.s32 $0xFFFFD800  }
.LBB2_10:
0x9d: {  	_ =	swait.ge [sflag:s9], $0x50  }
0x9e: {  	[sflag:s9] =	ssyncset.done $0x0  }
0x9f: {  	[sflag:s9] =	ssyncadd.s32 $0xFFFFFFB0  }
0xa0: {  	_ =	swait.ge [sflag:s9], $0x50  }
0xa1: {  	[sflag:s9] =	ssyncset.done $0x0  }
0xa2: {  	s4 =	simm.s32 $0x14000;
	[sflag:s9] =	ssyncadd.s32 $0xFFFFFFB0  }
0xa3: {  	[tilespmem:s11], [sflag:$0x1] =	stream.indirect.gather [hbm4b:s2+s10], $0x80, s4, s10, $0xb8;
	[tilespmem:$0x1E800] =	vst v63  }
0xa4: {  	_ =	swait.ge [sflag:s8], $0x50  }
0xa5: {  	[sflag:s8] =	ssyncset.done $0x0  }
0xa6: {  	[sflag:s8] =	ssyncadd.s32 $0xFFFFFFB0  }
0xa7: {  	_ =	swait.ge [sflag:s8], $0x50  }
0xa8: {  	[sflag:s8] =	ssyncset.done $0x0  }
0xa9: {  	s0 =	simm.s32 $0x14200;
	[sflag:s8] =	ssyncadd.s32 $0xFFFFFFB0  }
0xaa: {  	[tilespmem:s31], [sflag:$0x2] =	stream.indirect.gather [hbm4b:s2+s10], $0x80, s0, s10, $0xb8;
	[tilespmem:$0x1E800] =	vst v63  }
0xab: {  	_ =	swait.ge [sflag:s26], $0x50  }
0xac: {  	[sflag:s26] =	ssyncset.done $0x0  }
0xad: {  	[sflag:s26] =	ssyncadd.s32 $0xFFFFFFB0  }
0xae: {  	_ =	swait.ge [sflag:s26], $0x50  }
0xaf: {  	[sflag:s26] =	ssyncset.done $0x0  }
0xb0: {  	s24 =	simm.s32 $0x14400;
	s25 =	simm.s32 $0x19800;
	[sflag:s26] =	ssyncadd.s32 $0xFFFFFFB0  }
0xb1: {  	[tilespmem:s25], [sflag:$0x3] =	stream.indirect.gather [hbm4b:s2+s10], $0x80, s24, s10, $0xb8;
	[tilespmem:$0x1E800] =	vst v63  }
0xb2: {  	_ =	swait.ge [sflag:s6], $0x50  }
0xb3: {  	[sflag:s6] =	ssyncset.done $0x0  }
0xb4: {  	[sflag:s6] =	ssyncadd.s32 $0xFFFFFFB0  }
0xb5: {  	_ =	swait.ge [sflag:s6], $0x50  }
0xb6: {  	[sflag:s6] =	ssyncset.done $0x0  }
0xb7: {  	s29 =	simm.s32 $0x14600;
	[sflag:s6] =	ssyncadd.s32 $0xFFFFFFB0  }
0xb8: {  	[tilespmem:s7], [sflag:$0x4] =	stream.indirect.gather [hbm4b:s2+s10], $0x80, s29, s10, $0xb8;
	[tilespmem:$0x1E800] =	vst v63  }
0xb9: {  	s20 =	simm.s32 $0x0;
	[bflag:$0x0] =	sbarrier.arrive $0xFFFF  }
0xba: {  	s22 =	simm.s32 $0x0;
	s0 =	simm.s32 $0x14180;
	s21 =	rddreg [dreg:$0x19]  }
.LBB2_11:
0xbb: {  	_ =	swait.ge [sflag:s5], $0x2800  }
0xbc: {  	[sflag:s5] =	ssyncset.done $0x0  }
0xbd: {  	s4 =	simm.s32 $0x14080;
	p1 =	seq.s32 s20, $0x4B0;
	[sflag:s5] =	ssyncadd.s32 $0xFFFFD800  }
0xbe: {  	[spmem:s3] =	stream.indirect.scatter.add.f32 [tilespmem:s11], [sflag:$0x5], $0x80, s4, s10, $0xb8;
	[tilespmem:$0x1E800] =	vst v63  }
0xbf: {  	s23 =	sshrl.u32 @!p1 s21, $0x3;
	s24 =	simm.s32 @!p1 $0x0;
	_ =	swait.ge [sflag:s12], $0x2800  }
0xc0: {  	s25 =	simm.s32 @!p1 $0x14000;
	[sflag:s12] =	ssyncset.done $0x0;
	s4 =	rddreg [dreg:$0x4]  }
0xc1: {  	[sflag:s12] =	ssyncadd.s32 $0xFFFFD800;
	s23 =	sadd.s32 @!p1 s4, s23;
	s4 =	rddreg [dreg:$0x1a]  }
0xc2: {  	[tilespmem:s25], [sflag:$0x9] =	stream.linear.gather @!p1 [hbm4b:s23+s24], $0x50, $0x38;
	[tilespmem:$0x1E800] =	vst v63  }
0xc3: {  	s23 =	sadd.s32 @!p1 s20, s4;
	s25 =	simm.s32 @!p1 $0x14080  }
0xc4: {  	[tilespmem:s25], [sflag:$0x9] =	stream.linear.gather @!p1 [hbm4b:s23+s24], $0x50, $0x38;
	[tilespmem:$0x1E800] =	vst v63  }
0xc5: {  	_ =	swait.ge [sflag:s13], $0x50  }
0xc6: {  	[sflag:s13] =	ssyncset.done $0x0  }
0xc7: {  	[sflag:s13] =	ssyncadd.s32 $0xFFFFFFB0  }
0xc8: {  	_ =	swait.ge [sflag:s13], $0x50  }
0xc9: {  	[sflag:s13] =	ssyncset.done $0x0  }
0xca: {  	[sflag:s13] =	ssyncadd.s32 $0xFFFFFFB0  }
0xcb: {  	[tilespmem:s11], [sflag:$0x1] =	stream.indirect.gather [hbm4b:s2+s10], $0x80, s28, s10, $0xb8;
	[tilespmem:$0x1E800] =	vst v63  }
0xcc: {  	_ =	swait.ge [sflag:s14], $0x2800  }
0xcd: {  	p2 =	sgt.u32 s22, $0xE;
	[sflag:s14] =	ssyncset.done $0x0  }
0xce: {  	s23 =	simm.s32 @p2 $0x3;
	s28 =	simm.s32 $0x14280;
	[sflag:s14] =	ssyncadd.s32 $0xFFFFD800  }
0xcf: {  	[spmem:s3] =	stream.indirect.scatter.add.f32 [tilespmem:s31], [sflag:$0x6], $0x80, s28, s10, $0xb8;
	[tilespmem:$0x1E800] =	vst v63  }
0xd0: {  	_ =	swait.ge @p2 [sflag:s23], $0x2800  }
0xd1: {  	s24 =	simm.s32 @p2 $0x14480;
	[sflag:s23] =	ssyncset.done @p2 $0x0  }
0xd2: {  	s25 =	simm.s32 @p2 $0x19800;
	[sflag:s23] =	ssyncadd.s32 @p2 $0xFFFFD800;
	s23 =	simm.s32 @p2 $0x50  }
0xd3: {  	[spmem:s3] =	stream.indirect.scatter.add.f32 @p2 [tilespmem:s25], [sflag:$0x7], $0x80, s24, s23, $0xb8;
	[tilespmem:$0x1E800] =	vst v63  }
0xd4: {  	s23 =	simm.s32 @!p2 $0x6  }
0xd5: {  	s24 =	simm.s32 @!p2 $0x0;
	_ =	swait.ge @!p2 [sflag:s23], $0x2800  }
0xd6: {  	s25 =	simm.s32 @!p2 $0x14200;
	[sflag:s23] =	ssyncset.done @!p2 $0x0;
	s4 =	rddreg [dreg:$0x17]  }
0xd7: {  	[sflag:s23] =	ssyncadd.s32 @!p2 $0xFFFFD800;
	s23 =	sadd.s32 @!p2 s20, s4;
	s4 =	rddreg [dreg:$0x18]  }
0xd8: {  	[tilespmem:s25], [sflag:$0xB] =	stream.linear.gather @!p2 [hbm4b:s23+s24], $0x50, $0x38;
	[tilespmem:$0x1E800] =	vst v63  }
0xd9: {  	s23 =	sadd.s32 @!p2 s20, s4;
	s25 =	simm.s32 @!p2 $0x14280  }
0xda: {  	[tilespmem:s25], [sflag:$0xB] =	stream.linear.gather @!p2 [hbm4b:s23+s24], $0x50, $0x38;
	[tilespmem:$0x1E800] =	vst v63  }
0xdb: {  	s23 =	simm.s32 @!p2 $0xC  }
0xdc: {  	_ =	swait.ge @!p2 [sflag:s23], $0x50  }
0xdd: {  	[sflag:s23] =	ssyncset.done @!p2 $0x0  }
0xde: {  	[sflag:s23] =	ssyncadd.s32 @!p2 $0xFFFFFFB0  }
0xdf: {  	_ =	swait.ge @!p2 [sflag:s23], $0x50  }
0xe0: {  	s28 =	simm.s32 @!p2 $0x17000;
	[sflag:s23] =	ssyncset.done @!p2 $0x0  }
0xe1: {  	s25 =	simm.s32 @!p2 $0x14300;
	[sflag:s23] =	ssyncadd.s32 @!p2 $0xFFFFFFB0;
	s23 =	simm.s32 @!p2 $0x50  }
0xe2: {  	[tilespmem:s28], [sflag:$0x2] =	stream.indirect.gather @!p2 [hbm4b:s2+s23], $0x80, s25, s23, $0xb8;
	[tilespmem:$0x1E800] =	vst v63  }
0xe3: {  	s25 =	simm.s32 @!p2 $0x3  }
0xe4: {  	_ =	swait.ge @!p2 [sflag:s25], $0x2800  }
0xe5: {  	s4 =	simm.s32 @!p2 $0x7;
	[sflag:s25] =	ssyncset.done @!p2 $0x0  }
0xe6: {  	s28 =	simm.s32 @!p2 $0x19800;
	[sflag:s25] =	ssyncadd.s32 @!p2 $0xFFFFD800;
	s25 =	simm.s32 @!p2 $0x14480  }
0xe7: {  	[spmem:s3] =	stream.indirect.scatter.add.f32 @!p2 [tilespmem:s28], [sflag:$0x7], $0x80, s25, s23, $0xb8;
	[tilespmem:$0x1E800] =	vst v63  }
0xe8: {  	_ =	swait.ge @!p2 [sflag:s4], $0x2800  }
0xe9: {  	[sflag:s4] =	ssyncset.done @!p2 $0x0  }
0xea: {  	[sflag:s4] =	ssyncadd.s32 @!p2 $0xFFFFD800;
	s4 =	rddreg [dreg:$0x15]  }
0xeb: {  	s29 =	simm.s32 @!p2 $0x14400;
	s4 =	sadd.s32 @!p2 s20, s4  }
0xec: {  	[tilespmem:s29], [sflag:$0xD] =	stream.linear.gather @!p2 [hbm4b:s4+s24], $0x50, $0x38;
	[tilespmem:$0x1E800] =	vst v63  }
0xed: {  	s4 =	rddreg [dreg:$0x16]  }
0xee: {  	s4 =	sadd.s32 @!p2 s20, s4  }
0xef: {  	[tilespmem:s25], [sflag:$0xD] =	stream.linear.gather @!p2 [hbm4b:s4+s24], $0x50, $0x38;
	[tilespmem:$0x1E800] =	vst v63  }
0xf0: {  	s4 =	simm.s32 @!p2 $0xE  }
0xf1: {  	_ =	swait.ge @!p2 [sflag:s4], $0x50  }
0xf2: {  	[sflag:s4] =	ssyncset.done @!p2 $0x0  }
0xf3: {  	[sflag:s4] =	ssyncadd.s32 @!p2 $0xFFFFFFB0  }
0xf4: {  	_ =	swait.ge @!p2 [sflag:s4], $0x50  }
0xf5: {  	[sflag:s4] =	ssyncset.done @!p2 $0x0  }
0xf6: {  	[sflag:s4] =	ssyncadd.s32 @!p2 $0xFFFFFFB0;
	s4 =	simm.s32 @!p2 $0x14500  }
0xf7: {  	[tilespmem:s28], [sflag:$0x3] =	stream.indirect.gather @!p2 [hbm4b:s2+s23], $0x80, s4, s23, $0xb8;
	[tilespmem:$0x1E800] =	vst v63  }
0xf8: {  	_ =	swait.ge [sflag:s15], $0x2800  }
0xf9: {  	[sflag:s15] =	ssyncset.done $0x0  }
0xfa: {  	s29 =	simm.s32 $0x14680;
	s4 =	simm.s32 @!p2 $0x8;
	[sflag:s15] =	ssyncadd.s32 $0xFFFFD800  }
0xfb: {  	[spmem:s3] =	stream.indirect.scatter.add.f32 [tilespmem:s7], [sflag:$0x8], $0x80, s29, s10, $0xb8;
	[tilespmem:$0x1E800] =	vst v63  }
0xfc: {  	_ =	swait.ge @!p2 [sflag:s4], $0x2800  }
0xfd: {  	[sflag:s4] =	ssyncset.done @!p2 $0x0  }
0xfe: {  	[sflag:s4] =	ssyncadd.s32 @!p2 $0xFFFFD800;
	s4 =	rddreg [dreg:$0x13]  }
0xff: {  	s25 =	simm.s32 @!p2 $0x14600;
	s4 =	sadd.s32 @!p2 s20, s4  }
0x100: {  	[tilespmem:s25], [sflag:$0xF] =	stream.linear.gather @!p2 [hbm4b:s4+s24], $0x50, $0x38;
	[tilespmem:$0x1E800] =	vst v63  }
0x101: {  	s4 =	rddreg [dreg:$0x14]  }
0x102: {  	s25 =	simm.s32 @!p2 $0x14680;
	s4 =	sadd.s32 @!p2 s20, s4  }
0x103: {  	[tilespmem:s25], [sflag:$0xF] =	stream.linear.gather @!p2 [hbm4b:s4+s24], $0x50, $0x38;
	[tilespmem:$0x1E800] =	vst v63  }
0x104: {  	s4 =	simm.s32 @!p2 $0x10  }
0x105: {  	_ =	swait.ge @!p2 [sflag:s4], $0x50  }
0x106: {  	[sflag:s4] =	ssyncset.done @!p2 $0x0  }
0x107: {  	[sflag:s4] =	ssyncadd.s32 @!p2 $0xFFFFFFB0  }
0x108: {  	_ =	swait.ge @!p2 [sflag:s4], $0x50  }
0x109: {  	[sflag:s4] =	ssyncset.done @!p2 $0x0  }
0x10a: {  	s24 =	simm.s32 @!p2 $0x1C000;
	[sflag:s4] =	ssyncadd.s32 @!p2 $0xFFFFFFB0;
	s4 =	simm.s32 @!p2 $0x14700  }
0x10b: {  	[tilespmem:s24], [sflag:$0x4] =	stream.indirect.gather @!p2 [hbm4b:s2+s23], $0x80, s4, s23, $0xb8;
	[tilespmem:$0x1E800] =	vst v63  }
0x10c: {  	_ =	swait.ge [sflag:s5], $0x2800  }
0x10d: {  	[sflag:s5] =	ssyncset.done $0x0  }
.Ltmp9:
0x10e: {  	[sflag:s5] =	ssyncadd.s32 $0xFFFFD800;
	(pc) =	sbr.rel @p1 .LBB2_13-.Ltmp9, $4  }
0x10f: {  	[spmem:s3] =	stream.indirect.scatter.add.f32 [tilespmem:s11], [sflag:$0x5], $0x80, s0, s10, $0xb8;
	[tilespmem:$0x1E800] =	vst v63  }
0x110: {  	_ =	swait.ge [sflag:s12], $0x2800  }
0x111: {  	[sflag:s12] =	ssyncset.done $0x0  }
0x112: {  	s0 =	simm.s32 $0x14180;
	[sflag:s12] =	ssyncadd.s32 $0xFFFFD800  }
0x113: {  	s4 =	rddreg [dreg:$0x11]  }
0x114: {  	s23 =	simm.s32 $0x0;
	s29 =	rddreg [dreg:$0x12];
	s4 =	sadd.s32 s20, s4  }
0x115: {  	[tilespmem:s30], [sflag:$0xA] =	stream.linear.gather [hbm4b:s4+s23], $0x50, $0x38;
	[tilespmem:$0x1E800] =	vst v63  }
0x116: {  	s4 =	sadd.s32 s20, s29  }
0x117: {  	[tilespmem:s0], [sflag:$0xA] =	stream.linear.gather [hbm4b:s4+s23], $0x50, $0x38;
	[tilespmem:$0x1E800] =	vst v63  }
0x118: {  	_ =	swait.ge [sflag:s9], $0x50  }
0x119: {  	[sflag:s9] =	ssyncset.done $0x0  }
0x11a: {  	[sflag:s9] =	ssyncadd.s32 $0xFFFFFFB0  }
0x11b: {  	_ =	swait.ge [sflag:s9], $0x50  }
0x11c: {  	[sflag:s9] =	ssyncset.done $0x0  }
0x11d: {  	s23 =	simm.s32 $0x14000;
	[sflag:s9] =	ssyncadd.s32 $0xFFFFFFB0  }
0x11e: {  	[tilespmem:s11], [sflag:$0x1] =	stream.indirect.gather [hbm4b:s2+s10], $0x80, s23, s10, $0xb8;
	[tilespmem:$0x1E800] =	vst v63  }
0x11f: {  	_ =	swait.ge [sflag:s14], $0x2800  }
0x120: {  	[sflag:s14] =	ssyncset.done $0x0  }
0x121: {  	s24 =	simm.s32 $0x14380;
	[sflag:s14] =	ssyncadd.s32 $0xFFFFD800  }
0x122: {  	[spmem:s3] =	stream.indirect.scatter.add.f32 [tilespmem:s31], [sflag:$0x6], $0x80, s24, s10, $0xb8;
	[tilespmem:$0x1E800] =	vst v63  }
0x123: {  	p1 =	seq.s32 s20, $0x460;
	_ =	swait.ge [sflag:s16], $0x2800  }
0x124: {  	s23 =	simm.s32 @!p1 $0x0;
	[sflag:s16] =	ssyncset.done $0x0;
	s4 =	rddreg [dreg:$0xf]  }
0x125: {  	s24 =	simm.s32 @!p1 $0x14300;
	[sflag:s16] =	ssyncadd.s32 $0xFFFFD800;
	s4 =	sadd.s32 @!p1 s20, s4  }
0x126: {  	[tilespmem:s24], [sflag:$0xC] =	stream.linear.gather @!p1 [hbm4b:s4+s23], $0x50, $0x38;
	[tilespmem:$0x1E800] =	vst v63  }
0x127: {  	s4 =	rddreg [dreg:$0x10]  }
0x128: {  	s24 =	simm.s32 @!p1 $0x14380;
	s4 =	sadd.s32 @!p1 s20, s4  }
0x129: {  	[tilespmem:s24], [sflag:$0xC] =	stream.linear.gather @!p1 [hbm4b:s4+s23], $0x50, $0x38;
	[tilespmem:$0x1E800] =	vst v63  }
0x12a: {  	_ =	swait.ge [sflag:s8], $0x50  }
0x12b: {  	[sflag:s8] =	ssyncset.done $0x0  }
0x12c: {  	[sflag:s8] =	ssyncadd.s32 $0xFFFFFFB0  }
0x12d: {  	_ =	swait.ge [sflag:s8], $0x50  }
0x12e: {  	[sflag:s8] =	ssyncset.done $0x0  }
0x12f: {  	s25 =	simm.s32 $0x14200;
	[sflag:s8] =	ssyncadd.s32 $0xFFFFFFB0  }
0x130: {  	[tilespmem:s31], [sflag:$0x2] =	stream.indirect.gather [hbm4b:s2+s10], $0x80, s25, s10, $0xb8;
	[tilespmem:$0x1E800] =	vst v63  }
0x131: {  	_ =	swait.ge [sflag:s19], $0x2800  }
0x132: {  	[sflag:s19] =	ssyncset.done $0x0  }
0x133: {  	s29 =	simm.s32 $0x14580;
	s25 =	simm.s32 $0x19800;
	[sflag:s19] =	ssyncadd.s32 $0xFFFFD800  }
0x134: {  	[spmem:s3] =	stream.indirect.scatter.add.f32 [tilespmem:s25], [sflag:$0x7], $0x80, s29, s10, $0xb8;
	[tilespmem:$0x1E800] =	vst v63  }
0x135: {  	_ =	swait.ge [sflag:s17], $0x2800  }
0x136: {  	[sflag:s17] =	ssyncset.done $0x0;
	s4 =	rddreg [dreg:$0xd]  }
0x137: {  	s24 =	simm.s32 @!p1 $0x14500;
	[sflag:s17] =	ssyncadd.s32 $0xFFFFD800;
	s4 =	sadd.s32 @!p1 s20, s4  }
0x138: {  	[tilespmem:s24], [sflag:$0xE] =	stream.linear.gather @!p1 [hbm4b:s4+s23], $0x50, $0x38;
	[tilespmem:$0x1E800] =	vst v63  }
0x139: {  	s4 =	rddreg [dreg:$0xe]  }
0x13a: {  	s24 =	simm.s32 @!p1 $0x14580;
	s4 =	sadd.s32 @!p1 s20, s4  }
0x13b: {  	[tilespmem:s24], [sflag:$0xE] =	stream.linear.gather @!p1 [hbm4b:s4+s23], $0x50, $0x38;
	[tilespmem:$0x1E800] =	vst v63  }
0x13c: {  	_ =	swait.ge [sflag:s26], $0x50  }
0x13d: {  	[sflag:s26] =	ssyncset.done $0x0  }
0x13e: {  	[sflag:s26] =	ssyncadd.s32 $0xFFFFFFB0  }
0x13f: {  	_ =	swait.ge [sflag:s26], $0x50  }
0x140: {  	[sflag:s26] =	ssyncset.done $0x0  }
0x141: {  	s24 =	simm.s32 $0x14400;
	[sflag:s26] =	ssyncadd.s32 $0xFFFFFFB0  }
0x142: {  	[tilespmem:s25], [sflag:$0x3] =	stream.indirect.gather [hbm4b:s2+s10], $0x80, s24, s10, $0xb8;
	[tilespmem:$0x1E800] =	vst v63  }
0x143: {  	_ =	swait.ge [sflag:s15], $0x2800  }
0x144: {  	[sflag:s15] =	ssyncset.done $0x0  }
0x145: {  	s25 =	simm.s32 $0x14780;
	[sflag:s15] =	ssyncadd.s32 $0xFFFFD800  }
0x146: {  	[spmem:s3] =	stream.indirect.scatter.add.f32 [tilespmem:s7], [sflag:$0x8], $0x80, s25, s10, $0xb8;
	[tilespmem:$0x1E800] =	vst v63  }
0x147: {  	_ =	swait.ge [sflag:s18], $0x2800  }
0x148: {  	[sflag:s18] =	ssyncset.done $0x0;
	s4 =	rddreg [dreg:$0xb]  }
0x149: {  	s24 =	simm.s32 @!p1 $0x14700;
	[sflag:s18] =	ssyncadd.s32 $0xFFFFD800;
	s4 =	sadd.s32 @!p1 s20, s4  }
0x14a: {  	[tilespmem:s24], [sflag:$0x10] =	stream.linear.gather @!p1 [hbm4b:s4+s23], $0x50, $0x38;
	[tilespmem:$0x1E800] =	vst v63  }
0x14b: {  	s4 =	rddreg [dreg:$0xc]  }
0x14c: {  	s24 =	simm.s32 @!p1 $0x14780;
	s4 =	sadd.s32 @!p1 s20, s4  }
0x14d: {  	[tilespmem:s24], [sflag:$0x10] =	stream.linear.gather @!p1 [hbm4b:s4+s23], $0x50, $0x38;
	[tilespmem:$0x1E800] =	vst v63  }
0x14e: {  	_ =	swait.ge [sflag:s6], $0x50  }
0x14f: {  	[sflag:s6] =	ssyncset.done $0x0  }
.Ltmp10:
0x150: {  	[sflag:s6] =	ssyncadd.s32 $0xFFFFFFB0;
	(pc) =	sbr.rel .LBB2_11-.Ltmp10, $4  }
0x151: {  	s22 =	sadd.s32 $0x1, s22;
	s21 =	sadd.s32 $0x280, s21;
	_ =	swait.ge [sflag:s6], $0x50  }
0x152: {  	s28 =	simm.s32 $0x14100;
	s0 =	simm.s32 $0x14180;
	[sflag:s6] =	ssyncset.done $0x0  }
0x153: {  	s29 =	simm.s32 $0x14600;
	s20 =	sadd.s32 $0x50, s20;
	[sflag:s6] =	ssyncadd.s32 $0xFFFFFFB0  }
0x154: {  	[tilespmem:s7], [sflag:$0x4] =	stream.indirect.gather [hbm4b:s2+s10], $0x80, s29, s10, $0xb8;
	[tilespmem:$0x1E800] =	vst v63  }
.LBB2_14:
0x155: {  	_ =	sfence.sel $0x180000  }
0x156: {  	[bflag:$0x0] =	sbarrier.arrive $0xFFFF  }
0x157: {  	_ =	strace $0x9000004A  }
0x158: {  	s0 =	stileid.u32;
	[bflag:$0x2] =	sbarrier.arrive $0xFFFF  }
0x159: {  	p0 =	sne.s32 s0, $0x0;
	s0 =	rddreg [dreg:$0x3]  }
0x15a: {  	s0 =	sadd.s32 @!p0 $0x100000, s0  }
0x15b: {  	[sflag:s0] =	ssyncadd.tile.s32 @!p0 $0x1;
	_ =	shalt  }
.Lfunc_end2:
_tile_overlayer_lowered:
.L_overlay_start_2:
0x15c: {  	(tag) =	ssettag $0x2  }
0x15d: {  	s0 =	rddreg [dreg:$0x0];
	s2 =	stileid.u32  }
0x15e: {  	s1 =	rddreg [dreg:$0x1];
	p0 =	sne.s32 s2, $0x0  }
0x15f: {  	s3 =	rddreg [dreg:$0x2];
	[bflag:$0x3] =	sbarrier.arrive $0xFFFF;
	s2 =	simm.s32 @!p0 $0x1C11  }
0x160: {  	[timem:s3], [sflag:s2] =	dma.local @!p0 [hbm:s0], s1  }
0x161: {  	s0 =	simm.s32 @!p0 $0x11  }
0x162: {  	_ =	swait.ge @!p0 [sflag:s0], s1  }
0x163: {  	s1 =	ssub.s32 @!p0 $0x0, s1;
	[sflag:s0] =	ssyncset.done @!p0 $0x0  }
0x164: {  	[sflag:s0] =	ssyncadd.s32 @!p0 s1  }
0x165: {  	[bflag:$0x3] =	sbarrier.arrive $0xFFFF  }
0x166: {  	_ =	shalt  }

</sc_bundles>
